<compile_context>
chip_gen: v7x
topology: tpu7x:2x2x1
jax: 0.10.2.dev20260603
libtpu: 0.0.44.dev20260713+nightly
codegen_flags: <defaults>
</compile_context>

<pallas_src>
import functools

import jax
import jax.numpy as jnp
from jax import lax
from jax.experimental import pallas as pl
from jax.experimental.pallas import tpu as pltpu
from jax.experimental.pallas import tpu_sc as plsc

N_NODES = 10000
N_EDGES = 320000
D = 128

NC, NS = 2, 16
NW = NC * NS
EPW = N_EDGES // NW
CHUNK = 40
NCHUNK = EPW // CHUNK
N_PAD = 10240
RPT = N_PAD // NS
SUB = RPT // CHUNK


def _make_sc_agg(count_deg, nbuf, spans):
    mesh = plsc.VectorSubcoreMesh(core_axis_name="c", subcore_axis_name="s")
    ibuf = max(spans)

    out_type = [jax.ShapeDtypeStruct((NC, N_PAD, D), jnp.float32)]
    if count_deg:
        out_type.append(jax.ShapeDtypeStruct((NW, N_PAD), jnp.float32))

    @functools.partial(
        pl.kernel,
        mesh=mesh,
        compiler_params=pltpu.CompilerParams(needs_layout_passes=False),
        out_type=out_type,
        scratch_types=[
            pltpu.VMEM((ibuf,), jnp.int32),
            pltpu.VMEM((ibuf,), jnp.int32),
        ]
        + [pltpu.VMEM((CHUNK, D), jnp.float32)] * nbuf
        + ([pltpu.VMEM((N_PAD,), jnp.float32)] if count_deg else [])
        + [pltpu.VMEM_SHARED((N_PAD, D), jnp.float32)]
        + [pltpu.SemaphoreType.DMA] * nbuf,
    )
    def agg(table, src, dst, zf, *refs):
        if count_deg:
            out_sum, out_deg = refs[0], refs[1]
            refs = refs[2:]
        else:
            out_sum = refs[0]
            refs = refs[1:]
        src_v, dst_v = refs[0], refs[1]
        rows = refs[2:2 + nbuf]
        if count_deg:
            deg_v = refs[2 + nbuf]
            acc = refs[3 + nbuf]
        else:
            deg_v = None
            acc = refs[2 + nbuf]
        sems = refs[-nbuf:]
        rows0 = rows[0]

        c = lax.axis_index("c")
        s = lax.axis_index("s")
        wid = s * NC + c
        r0 = s * RPT
        base = wid * EPW

        pltpu.sync_copy(zf.at[pl.ds(0, CHUNK)], rows0)

        def zero_piece(j, carry):
            pltpu.sync_copy(rows0, acc.at[pl.ds(r0 + j * CHUNK, CHUNK)])
            return carry

        lax.fori_loop(0, SUB, zero_piece, 0)

        if count_deg:
            def zero_deg(i, carry):
                deg_v[pl.ds(i * 16, 16)] = jnp.zeros((16,), jnp.float32)
                return carry

            lax.fori_loop(0, N_PAD // 16, zero_deg, 0)

        plsc.subcore_barrier()

        def start_gather(chunk_i, b):
            off = chunk_i * CHUNK
            return pltpu.async_copy(
                table.at[src_v.at[pl.ds(off, CHUNK)]], rows[b], sems[b])

        def finish_chunk(chunk_i, b):
            off = chunk_i * CHUNK
            pltpu.make_async_copy(
                table.at[src_v.at[pl.ds(0, CHUNK)]], rows[b], sems[b]).wait()
            pltpu.sync_copy(rows[b], acc.at[dst_v.at[pl.ds(off, CHUNK)]],
                            add=True)

        def count_span_deg(e0, n16):
            for k in range(n16):
                d16 = dst_v[pl.ds(e0 + k * 16, 16)]
                plsc.addupdate_scatter(deg_v, [d16],
                                       jnp.ones((16,), jnp.float32))

        estart = 0
        for ecount in spans:
            pltpu.sync_copy(src.at[pl.ds(base + estart, ecount)],
                            src_v.at[pl.ds(0, ecount)])
            pltpu.sync_copy(dst.at[pl.ds(base + estart, ecount)],
                            dst_v.at[pl.ds(0, ecount)])
            nch = ecount // CHUNK
            ngrp = nch // nbuf
            ntail = nch % nbuf

            for b in range(nbuf):
                start_gather(b, b)

            def group(j, carry, nch=nch):
                i0 = j * nbuf
                for b in range(nbuf):
                    i = i0 + b
                    finish_chunk(i, b)

                    @pl.when(i + nbuf < nch)
                    def _(i=i, b=b):
                        start_gather(i + nbuf, b)

                if count_deg:
                    count_span_deg(i0 * CHUNK, nbuf * CHUNK // 16)
                return carry

            lax.fori_loop(0, ngrp, group, 0)

            for t in range(ntail):
                finish_chunk(ngrp * nbuf + t, t)
            if count_deg and ntail:
                count_span_deg(ngrp * nbuf * CHUNK, ntail * CHUNK // 16)

            estart += ecount

        plsc.subcore_barrier()

        def out_piece(j, carry):
            rr = r0 + j * CHUNK
            pltpu.sync_copy(acc.at[pl.ds(rr, CHUNK)], rows0)
            pltpu.sync_copy(rows0, out_sum.at[c, pl.ds(rr, CHUNK)])
            return carry

        lax.fori_loop(0, SUB, out_piece, 0)
        if count_deg:
            pltpu.sync_copy(deg_v, out_deg.at[wid])

    return agg


_sc_agg_deg = _make_sc_agg(True, 4, [5120, 4880])
_sc_agg = _make_sc_agg(False, 5, [EPW])


BLK = 1024


def _pre_body(x_ref, wr_ref, out_ref):
    out_ref[...] = jnp.dot(x_ref[...], wr_ref[...],
                           preferred_element_type=jnp.float32)


def _tc_pre(x, W_r):
    return pl.pallas_call(
        _pre_body,
        grid=(N_PAD // BLK,),
        in_specs=[
            pl.BlockSpec((BLK, D), lambda i: (i, 0)),
            pl.BlockSpec((D, D), lambda i: (0, 0)),
        ],
        out_specs=pl.BlockSpec((BLK, D), lambda i: (i, 0)),
        out_shape=jax.ShapeDtypeStruct((N_PAD, D), jnp.float32),
    )(x, W_r)


def _post_body_relu(sum_ref, deg_ref, xr_ref, wl_ref, bl_ref, out_ref):
    _post_body(sum_ref, deg_ref, xr_ref, wl_ref, bl_ref, out_ref, True)


def _post_body_lin(sum_ref, deg_ref, xr_ref, wl_ref, bl_ref, out_ref):
    _post_body(sum_ref, deg_ref, xr_ref, wl_ref, bl_ref, out_ref, False)


def _post_body(sum_ref, deg_ref, xr_ref, wl_ref, bl_ref, out_ref, relu):
    blk = out_ref.shape[0]
    s = sum_ref[0] + sum_ref[1]
    d = jnp.sum(deg_ref[...], axis=0)
    d = jnp.reshape(d, (blk, 1))
    agg = s * (1.0 / jnp.maximum(d, 1.0))
    h = jnp.dot(agg, wl_ref[...], preferred_element_type=jnp.float32)
    h = h + bl_ref[...] + xr_ref[...]
    if relu:
        h = jnp.maximum(h, 0.0)
    out_ref[...] = h


def _tc_post(sum_parts, deg_parts, xr, W_l, b_l, relu):
    body = _post_body_relu if relu else _post_body_lin
    return pl.pallas_call(
        body,
        grid=(N_PAD // BLK,),
        in_specs=[
            pl.BlockSpec((NC, BLK, D), lambda i: (0, i, 0)),
            pl.BlockSpec((NW, BLK), lambda i: (0, i)),
            pl.BlockSpec((BLK, D), lambda i: (i, 0)),
            pl.BlockSpec((D, D), lambda i: (0, 0)),
            pl.BlockSpec((1, D), lambda i: (0, 0)),
        ],
        out_specs=pl.BlockSpec((BLK, D), lambda i: (i, 0)),
        out_shape=jax.ShapeDtypeStruct((N_PAD, D), jnp.float32),
    )(sum_parts, deg_parts, xr, W_l, b_l)


def kernel(x, edge_index, W_l1, b_l1, W_r1, W_l2, b_l2, W_r2):
    src = edge_index[0]
    dst = edge_index[1]
    x_pad = jnp.concatenate(
        [x, jnp.zeros((N_PAD - N_NODES, D), jnp.float32)], axis=0)
    zf = jnp.zeros((CHUNK, D), jnp.float32)
    xr1 = _tc_pre(x_pad, W_r1)
    sum1, deg = _sc_agg_deg(x_pad, src, dst, zf)
    h = _tc_post(sum1, deg, xr1, W_l1, b_l1.reshape(1, D), True)
    xr2 = _tc_pre(h, W_r2)
    (sum2,) = _sc_agg(h, src, dst, zf)
    out = _tc_post(sum2, deg, xr2, W_l2, b_l2.reshape(1, D), False)
    return out[:N_NODES]

# --- scband reference (transcript-rebuilt; emitter-appended) ---
"""Pipeline reference for scband-graph-sage-33801392619948 (READ-ONLY COPY).

The authoritative reference and input builder live on the scoring server;
editing this copy changes nothing except your own understanding.
"""

import jax, jax.numpy as jnp
import numpy as np

N_NODES = 10000
N_EDGES = 320000
D_IN = 128
D_HID = 128
D_OUT = 128


def setup_inputs(seed: int = 0) -> dict:
    key = jax.random.key(seed)
    ks = jax.random.split(key, 8)
    x = jax.random.normal(ks[0], (N_NODES, D_IN), dtype=jnp.float32)
    edge_index = jax.random.randint(ks[1], (2, N_EDGES), 0, N_NODES, dtype=jnp.int32)
    # SAGEConv layer 1 params (PyG-style: lin_l applied to aggregated neighbors w/ bias, lin_r to self w/o bias)
    W_l1 = jax.random.normal(ks[2], (D_IN, D_HID), dtype=jnp.float32) * (1.0 / np.sqrt(D_IN))
    b_l1 = jnp.zeros((D_HID,), dtype=jnp.float32)
    W_r1 = jax.random.normal(ks[3], (D_IN, D_HID), dtype=jnp.float32) * (1.0 / np.sqrt(D_IN))
    # SAGEConv layer 2 params
    W_l2 = jax.random.normal(ks[4], (D_HID, D_OUT), dtype=jnp.float32) * (1.0 / np.sqrt(D_HID))
    b_l2 = jnp.zeros((D_OUT,), dtype=jnp.float32)
    W_r2 = jax.random.normal(ks[5], (D_HID, D_OUT), dtype=jnp.float32) * (1.0 / np.sqrt(D_HID))
    return {"x": x, "edge_index": edge_index, "W_l1": W_l1, "b_l1": b_l1, "W_r1": W_r1,
            "W_l2": W_l2, "b_l2": b_l2, "W_r2": W_r2}


def _sage_conv(x, edge_index, W_l, b_l, W_r):
    n = x.shape[0]
    src = edge_index[0]
    dst = edge_index[1]
    msgs = jnp.take(x, src, axis=0)                              # gather source features [E, d]
    summed = jax.ops.segment_sum(msgs, dst, num_segments=n)      # scatter-add to dst nodes
    deg = jax.ops.segment_sum(jnp.ones((edge_index.shape[1],), dtype=x.dtype), dst, num_segments=n)
    agg = summed / jnp.maximum(deg, 1.0)[:, None]                # mean aggregation
    return agg @ W_l + b_l + x @ W_r


def reference(x, edge_index, W_l1, b_l1, W_r1, W_l2, b_l2, W_r2):
    # Layer 1 + ReLU (dropout is identity in eval mode)
    h = _sage_conv(x, edge_index, W_l1, b_l1, W_r1)
    h = jax.nn.relu(h)
    # Layer 2 (final, no activation)
    out = _sage_conv(h, edge_index, W_l2, b_l2, W_r2)
    return out

if __name__ == "__main__":
    import jax
    _d = setup_inputs()
    print(jax.jit(kernel)(*tuple(_d.values())))

</pallas_src>

<mosaic_0001>
#map = affine_map<(d0, d1) -> (0, 0)>
#map1 = affine_map<(d0, d1) -> (0)>
#map2 = affine_map<(d0, d1) -> (0, 0, 0)>
module attributes {stable_mosaic.version = 14 : i64} {
  func.func @agg(%arg0: i32, %arg1: i32, %arg2: memref<10240x128xf32, #tpu.memory_space<hbm>>, %arg3: memref<320000xi32, #tpu.memory_space<hbm>>, %arg4: memref<320000xi32, #tpu.memory_space<hbm>>, %arg5: memref<40x128xf32, #tpu.memory_space<hbm>>, %arg6: memref<2x10240x128xf32, #tpu.memory_space<hbm>>, %arg7: memref<10000xi32, #tpu.memory_space<vmem>>, %arg8: memref<10000xi32, #tpu.memory_space<vmem>>, %arg9: memref<40x128xf32, #tpu.memory_space<vmem>>, %arg10: memref<40x128xf32, #tpu.memory_space<vmem>>, %arg11: memref<40x128xf32, #tpu.memory_space<vmem>>, %arg12: memref<40x128xf32, #tpu.memory_space<vmem>>, %arg13: memref<40x128xf32, #tpu.memory_space<vmem>>, %arg14: memref<10240x128xf32, #tpu.memory_space<vmem_shared>>, %arg15: memref<!tpu.dma_semaphore, #tpu.memory_space<semaphore_mem>>, %arg16: memref<!tpu.dma_semaphore, #tpu.memory_space<semaphore_mem>>, %arg17: memref<!tpu.dma_semaphore, #tpu.memory_space<semaphore_mem>>, %arg18: memref<!tpu.dma_semaphore, #tpu.memory_space<semaphore_mem>>, %arg19: memref<!tpu.dma_semaphore, #tpu.memory_space<semaphore_mem>>) attributes {dimension_semantics = [#tpu.dimension_semantics<core_parallel>, #tpu.dimension_semantics<subcore_parallel>], iteration_bounds = array<i64: 2, 16>, scalar_prefetch = 0 : i64, scratch_operands = 13 : i64, tpu.core_type = #tpu.core_type<sc_vector_subcore>, window_params = [{transform_indices = #map}, {transform_indices = #map1}, {transform_indices = #map1}, {transform_indices = #map}, {transform_indices = #map2}]} {
    %mul3A = arith.constant 2 : i32
    %mul3A_0 = arith.muli %arg1, %mul3A : i32
    %add3A = arith.addi %mul3A_0, %arg0 : i32
    %mul3A_1 = arith.constant 640 : i32
    %mul3A_2 = arith.muli %arg1, %mul3A_1 : i32
    %mul3A_3 = arith.constant 10000 : i32
    %mul3A_4 = arith.muli %add3A, %mul3A_3 : i32
    "tpu.region"() ({
      %run_scoped3A = tpu.sem_alloc : memref<!tpu.dma_semaphore, #tpu.memory_space<semaphore_mem>>
      %dma_start3A_51 = arith.constant 0 : i32
      %dma_start3A_52 = arith.constant 0 : i32
      %dma_start3A_53 = tpu.memref_slice %arg5[%dma_start3A_51, %dma_start3A_52] : memref<40x128xf32, #tpu.memory_space<hbm>> -> memref<40x128xf32, #tpu.memory_space<hbm>>
      %dma_start3A_54 = arith.constant 0 : i32
      %dma_start3A_55 = arith.constant 0 : i32
      %dma_start3A_56 = tpu.memref_slice %arg5[%dma_start3A_54, %dma_start3A_55] : memref<40x128xf32, #tpu.memory_space<hbm>> -> memref<40x128xf32, #tpu.memory_space<hbm>>
      tpu.enqueue_dma source(%dma_start3A_56 : memref<40x128xf32, #tpu.memory_space<hbm>>) target(%arg9 : memref<40x128xf32, #tpu.memory_space<vmem>>) target_semaphore(%run_scoped3A : memref<!tpu.dma_semaphore, #tpu.memory_space<semaphore_mem>>)
      %dma_wait3A = arith.constant 0 : i32
      %dma_wait3A_57 = arith.constant 0 : i32
      %dma_wait3A_58 = tpu.memref_slice %arg5[%dma_wait3A, %dma_wait3A_57] : memref<40x128xf32, #tpu.memory_space<hbm>> -> memref<40x128xf32, #tpu.memory_space<hbm>>
      %dma_wait3A_59 = arith.constant 0 : i32
      %dma_wait3A_60 = arith.constant 0 : i32
      %dma_wait3A_61 = tpu.memref_slice %arg5[%dma_wait3A_59, %dma_wait3A_60] : memref<40x128xf32, #tpu.memory_space<hbm>> -> memref<40x128xf32, #tpu.memory_space<hbm>>
      tpu.wait_dma2 semaphore(%run_scoped3A : memref<!tpu.dma_semaphore, #tpu.memory_space<semaphore_mem>>) src(%dma_wait3A_61 : memref<40x128xf32, #tpu.memory_space<hbm>>) dst(%arg9 : memref<40x128xf32, #tpu.memory_space<vmem>>)
      tpu.yield
    }) : () -> ()
    %scan3A = arith.constant 0 : i32
    %scan3A_5 = arith.constant 0 : i32
    %scan3A_6 = arith.constant 16 : i32
    %scan3A_7 = arith.addi %scan3A_5, %scan3A_6 : i32
    %scan3A_8 = arith.constant 1 : i32
    scf.for %scan3A_51 = %scan3A_5 to %scan3A_7 step %scan3A_8  : i32 {
      %mul3A_52 = arith.constant 40 : i32
      %mul3A_53 = arith.muli %scan3A_51, %mul3A_52 : i32
      %add3A_54 = arith.addi %mul3A_2, %mul3A_53 : i32
      "tpu.region"() ({
        %run_scoped3A = tpu.sem_alloc : memref<!tpu.dma_semaphore, #tpu.memory_space<semaphore_mem>>
        %dma_start3A_55 = arith.constant 0 : i32
        %dma_start3A_56 = tpu.memref_slice %arg14[%add3A_54, %dma_start3A_55] : memref<10240x128xf32, #tpu.memory_space<vmem_shared>> -> memref<40x128xf32, #tpu.memory_space<vmem_shared>>
        %dma_start3A_57 = arith.constant 0 : i32
        %dma_start3A_58 = tpu.memref_slice %arg14[%add3A_54, %dma_start3A_57] : memref<10240x128xf32, #tpu.memory_space<vmem_shared>> -> memref<40x128xf32, #tpu.memory_space<vmem_shared>>
        tpu.enqueue_dma source(%arg9 : memref<40x128xf32, #tpu.memory_space<vmem>>) target(%dma_start3A_58 : memref<40x128xf32, #tpu.memory_space<vmem_shared>>) target_semaphore(%run_scoped3A : memref<!tpu.dma_semaphore, #tpu.memory_space<semaphore_mem>>)
        %dma_wait3A = arith.constant 0 : i32
        %dma_wait3A_59 = tpu.memref_slice %arg14[%add3A_54, %dma_wait3A] : memref<10240x128xf32, #tpu.memory_space<vmem_shared>> -> memref<40x128xf32, #tpu.memory_space<vmem_shared>>
        %dma_wait3A_60 = arith.constant 0 : i32
        %dma_wait3A_61 = tpu.memref_slice %arg14[%add3A_54, %dma_wait3A_60] : memref<10240x128xf32, #tpu.memory_space<vmem_shared>> -> memref<40x128xf32, #tpu.memory_space<vmem_shared>>
        tpu.wait_dma2 semaphore(%run_scoped3A : memref<!tpu.dma_semaphore, #tpu.memory_space<semaphore_mem>>) src(%arg9 : memref<40x128xf32, #tpu.memory_space<vmem>>) dst(%dma_wait3A_61 : memref<40x128xf32, #tpu.memory_space<vmem_shared>>)
        tpu.yield
      }) : () -> ()
    }
    %scan3A_9 = arith.constant 16 : i32
    %barrier3A = arith.constant 0 : index
    tpu.barrier barrier_id(%barrier3A)
    %add3A_10 = arith.constant 0 : i32
    %add3A_11 = arith.addi %mul3A_4, %add3A_10 : i32
    "tpu.region"() ({
      %run_scoped3A = tpu.sem_alloc : memref<!tpu.dma_semaphore, #tpu.memory_space<semaphore_mem>>
      %dma_start3A_51 = arith.constant 0 : i32
      %dma_start3A_52 = tpu.memref_slice %arg7[%dma_start3A_51] : memref<10000xi32, #tpu.memory_space<vmem>> -> memref<10000xi32, #tpu.memory_space<vmem>>
      %dma_start3A_53 = tpu.memref_slice %arg3[%add3A_11] : memref<320000xi32, #tpu.memory_space<hbm>> -> memref<10000xi32, #tpu.memory_space<hbm>>
      %dma_start3A_54 = arith.constant 0 : i32
      %dma_start3A_55 = tpu.memref_slice %arg7[%dma_start3A_54] : memref<10000xi32, #tpu.memory_space<vmem>> -> memref<10000xi32, #tpu.memory_space<vmem>>
      %dma_start3A_56 = tpu.memref_slice %arg3[%add3A_11] : memref<320000xi32, #tpu.memory_space<hbm>> -> memref<10000xi32, #tpu.memory_space<hbm>>
      tpu.enqueue_dma source(%dma_start3A_56 : memref<10000xi32, #tpu.memory_space<hbm>>) target(%dma_start3A_55 : memref<10000xi32, #tpu.memory_space<vmem>>) target_semaphore(%run_scoped3A : memref<!tpu.dma_semaphore, #tpu.memory_space<semaphore_mem>>)
      %dma_wait3A = arith.constant 0 : i32
      %dma_wait3A_57 = tpu.memref_slice %arg7[%dma_wait3A] : memref<10000xi32, #tpu.memory_space<vmem>> -> memref<10000xi32, #tpu.memory_space<vmem>>
      %dma_wait3A_58 = tpu.memref_slice %arg3[%add3A_11] : memref<320000xi32, #tpu.memory_space<hbm>> -> memref<10000xi32, #tpu.memory_space<hbm>>
      %dma_wait3A_59 = arith.constant 0 : i32
      %dma_wait3A_60 = tpu.memref_slice %arg7[%dma_wait3A_59] : memref<10000xi32, #tpu.memory_space<vmem>> -> memref<10000xi32, #tpu.memory_space<vmem>>
      %dma_wait3A_61 = tpu.memref_slice %arg3[%add3A_11] : memref<320000xi32, #tpu.memory_space<hbm>> -> memref<10000xi32, #tpu.memory_space<hbm>>
      tpu.wait_dma2 semaphore(%run_scoped3A : memref<!tpu.dma_semaphore, #tpu.memory_space<semaphore_mem>>) src(%dma_wait3A_61 : memref<10000xi32, #tpu.memory_space<hbm>>) dst(%dma_wait3A_60 : memref<10000xi32, #tpu.memory_space<vmem>>)
      tpu.yield
    }) : () -> ()
    %add3A_12 = arith.constant 0 : i32
    %add3A_13 = arith.addi %mul3A_4, %add3A_12 : i32
    "tpu.region"() ({
      %run_scoped3A = tpu.sem_alloc : memref<!tpu.dma_semaphore, #tpu.memory_space<semaphore_mem>>
      %dma_start3A_51 = arith.constant 0 : i32
      %dma_start3A_52 = tpu.memref_slice %arg8[%dma_start3A_51] : memref<10000xi32, #tpu.memory_space<vmem>> -> memref<10000xi32, #tpu.memory_space<vmem>>
      %dma_start3A_53 = tpu.memref_slice %arg4[%add3A_13] : memref<320000xi32, #tpu.memory_space<hbm>> -> memref<10000xi32, #tpu.memory_space<hbm>>
      %dma_start3A_54 = arith.constant 0 : i32
      %dma_start3A_55 = tpu.memref_slice %arg8[%dma_start3A_54] : memref<10000xi32, #tpu.memory_space<vmem>> -> memref<10000xi32, #tpu.memory_space<vmem>>
      %dma_start3A_56 = tpu.memref_slice %arg4[%add3A_13] : memref<320000xi32, #tpu.memory_space<hbm>> -> memref<10000xi32, #tpu.memory_space<hbm>>
      tpu.enqueue_dma source(%dma_start3A_56 : memref<10000xi32, #tpu.memory_space<hbm>>) target(%dma_start3A_55 : memref<10000xi32, #tpu.memory_space<vmem>>) target_semaphore(%run_scoped3A : memref<!tpu.dma_semaphore, #tpu.memory_space<semaphore_mem>>)
      %dma_wait3A = arith.constant 0 : i32
      %dma_wait3A_57 = tpu.memref_slice %arg8[%dma_wait3A] : memref<10000xi32, #tpu.memory_space<vmem>> -> memref<10000xi32, #tpu.memory_space<vmem>>
      %dma_wait3A_58 = tpu.memref_slice %arg4[%add3A_13] : memref<320000xi32, #tpu.memory_space<hbm>> -> memref<10000xi32, #tpu.memory_space<hbm>>
      %dma_wait3A_59 = arith.constant 0 : i32
      %dma_wait3A_60 = tpu.memref_slice %arg8[%dma_wait3A_59] : memref<10000xi32, #tpu.memory_space<vmem>> -> memref<10000xi32, #tpu.memory_space<vmem>>
      %dma_wait3A_61 = tpu.memref_slice %arg4[%add3A_13] : memref<320000xi32, #tpu.memory_space<hbm>> -> memref<10000xi32, #tpu.memory_space<hbm>>
      tpu.wait_dma2 semaphore(%run_scoped3A : memref<!tpu.dma_semaphore, #tpu.memory_space<semaphore_mem>>) src(%dma_wait3A_61 : memref<10000xi32, #tpu.memory_space<hbm>>) dst(%dma_wait3A_60 : memref<10000xi32, #tpu.memory_space<vmem>>)
      tpu.yield
    }) : () -> ()
    %dma_start3A = arith.constant 0 : i32
    %dma_start3A_14 = tpu.memref_slice %arg7[%dma_start3A] : memref<10000xi32, #tpu.memory_space<vmem>> -> memref<40xi32, #tpu.memory_space<vmem>>
    %dma_start3A_15 = arith.constant 0 : i32
    %dma_start3A_16 = arith.constant 0 : i32
    %dma_start3A_17 = tpu.memref_slice %arg2[%dma_start3A_15, %dma_start3A_16] : memref<10240x128xf32, #tpu.memory_space<hbm>> -> memref<10240x128xf32, #tpu.memory_space<hbm>>
    tpu.enqueue_indirect_dma source(%dma_start3A_17 : memref<10240x128xf32, #tpu.memory_space<hbm>>) target(%arg9 : memref<40x128xf32, #tpu.memory_space<vmem>>) offsets(%dma_start3A_14 : memref<40xi32, #tpu.memory_space<vmem>>) semaphore(%arg15 : memref<!tpu.dma_semaphore, #tpu.memory_space<semaphore_mem>>)
    %dma_start3A_18 = arith.constant 40 : i32
    %dma_start3A_19 = tpu.memref_slice %arg7[%dma_start3A_18] : memref<10000xi32, #tpu.memory_space<vmem>> -> memref<40xi32, #tpu.memory_space<vmem>>
    %dma_start3A_20 = arith.constant 0 : i32
    %dma_start3A_21 = arith.constant 0 : i32
    %dma_start3A_22 = tpu.memref_slice %arg2[%dma_start3A_20, %dma_start3A_21] : memref<10240x128xf32, #tpu.memory_space<hbm>> -> memref<10240x128xf32, #tpu.memory_space<hbm>>
    tpu.enqueue_indirect_dma source(%dma_start3A_22 : memref<10240x128xf32, #tpu.memory_space<hbm>>) target(%arg10 : memref<40x128xf32, #tpu.memory_space<vmem>>) offsets(%dma_start3A_19 : memref<40xi32, #tpu.memory_space<vmem>>) semaphore(%arg16 : memref<!tpu.dma_semaphore, #tpu.memory_space<semaphore_mem>>)
    %dma_start3A_23 = arith.constant 80 : i32
    %dma_start3A_24 = tpu.memref_slice %arg7[%dma_start3A_23] : memref<10000xi32, #tpu.memory_space<vmem>> -> memref<40xi32, #tpu.memory_space<vmem>>
    %dma_start3A_25 = arith.constant 0 : i32
    %dma_start3A_26 = arith.constant 0 : i32
    %dma_start3A_27 = tpu.memref_slice %arg2[%dma_start3A_25, %dma_start3A_26] : memref<10240x128xf32, #tpu.memory_space<hbm>> -> memref<10240x128xf32, #tpu.memory_space<hbm>>
    tpu.enqueue_indirect_dma source(%dma_start3A_27 : memref<10240x128xf32, #tpu.memory_space<hbm>>) target(%arg11 : memref<40x128xf32, #tpu.memory_space<vmem>>) offsets(%dma_start3A_24 : memref<40xi32, #tpu.memory_space<vmem>>) semaphore(%arg17 : memref<!tpu.dma_semaphore, #tpu.memory_space<semaphore_mem>>)
    %dma_start3A_28 = arith.constant 120 : i32
    %dma_start3A_29 = tpu.memref_slice %arg7[%dma_start3A_28] : memref<10000xi32, #tpu.memory_space<vmem>> -> memref<40xi32, #tpu.memory_space<vmem>>
    %dma_start3A_30 = arith.constant 0 : i32
    %dma_start3A_31 = arith.constant 0 : i32
    %dma_start3A_32 = tpu.memref_slice %arg2[%dma_start3A_30, %dma_start3A_31] : memref<10240x128xf32, #tpu.memory_space<hbm>> -> memref<10240x128xf32, #tpu.memory_space<hbm>>
    tpu.enqueue_indirect_dma source(%dma_start3A_32 : memref<10240x128xf32, #tpu.memory_space<hbm>>) target(%arg12 : memref<40x128xf32, #tpu.memory_space<vmem>>) offsets(%dma_start3A_29 : memref<40xi32, #tpu.memory_space<vmem>>) semaphore(%arg18 : memref<!tpu.dma_semaphore, #tpu.memory_space<semaphore_mem>>)
    %dma_start3A_33 = arith.constant 160 : i32
    %dma_start3A_34 = tpu.memref_slice %arg7[%dma_start3A_33] : memref<10000xi32, #tpu.memory_space<vmem>> -> memref<40xi32, #tpu.memory_space<vmem>>
    %dma_start3A_35 = arith.constant 0 : i32
    %dma_start3A_36 = arith.constant 0 : i32
    %dma_start3A_37 = tpu.memref_slice %arg2[%dma_start3A_35, %dma_start3A_36] : memref<10240x128xf32, #tpu.memory_space<hbm>> -> memref<10240x128xf32, #tpu.memory_space<hbm>>
    tpu.enqueue_indirect_dma source(%dma_start3A_37 : memref<10240x128xf32, #tpu.memory_space<hbm>>) target(%arg13 : memref<40x128xf32, #tpu.memory_space<vmem>>) offsets(%dma_start3A_34 : memref<40xi32, #tpu.memory_space<vmem>>) semaphore(%arg19 : memref<!tpu.dma_semaphore, #tpu.memory_space<semaphore_mem>>)
    %scan3A_38 = arith.constant 0 : i32
    %scan3A_39 = arith.constant 0 : i32
    %scan3A_40 = arith.constant 50 : i32
    %scan3A_41 = arith.addi %scan3A_39, %scan3A_40 : i32
    %scan3A_42 = arith.constant 1 : i32
    scf.for %scan3A_51 = %scan3A_39 to %scan3A_41 step %scan3A_42  : i32 {
      %mul3A_52 = arith.constant 5 : i32
      %mul3A_53 = arith.muli %scan3A_51, %mul3A_52 : i32
      %add3A_54 = arith.constant 0 : i32
      %add3A_55 = arith.addi %mul3A_53, %add3A_54 : i32
      %mul3A_56 = arith.constant 40 : i32
      %mul3A_57 = arith.muli %add3A_55, %mul3A_56 : i32
      %dma_wait3A = arith.constant 0 : i32
      %dma_wait3A_58 = tpu.memref_slice %arg7[%dma_wait3A] : memref<10000xi32, #tpu.memory_space<vmem>> -> memref<40xi32, #tpu.memory_space<vmem>>
      %dma_wait3A_59 = arith.constant 0 : i32
      %dma_wait3A_60 = arith.constant 0 : i32
      %dma_wait3A_61 = tpu.memref_slice %arg2[%dma_wait3A_59, %dma_wait3A_60] : memref<10240x128xf32, #tpu.memory_space<hbm>> -> memref<10240x128xf32, #tpu.memory_space<hbm>>
      tpu.wait_indirect_dma semaphore(%arg15 : memref<!tpu.dma_semaphore, #tpu.memory_space<semaphore_mem>>) src(%dma_wait3A_61 : memref<10240x128xf32, #tpu.memory_space<hbm>>) dst(%arg9 : memref<40x128xf32, #tpu.memory_space<vmem>>)
      "tpu.region"() ({
        %run_scoped3A = tpu.sem_alloc : memref<!tpu.dma_semaphore, #tpu.memory_space<semaphore_mem>>
        %dma_start3A_130 = tpu.memref_slice %arg8[%mul3A_57] : memref<10000xi32, #tpu.memory_space<vmem>> -> memref<40xi32, #tpu.memory_space<vmem>>
        %dma_start3A_131 = arith.constant 0 : i32
        %dma_start3A_132 = arith.constant 0 : i32
        %dma_start3A_133 = tpu.memref_slice %arg14[%dma_start3A_131, %dma_start3A_132] : memref<10240x128xf32, #tpu.memory_space<vmem_shared>> -> memref<10240x128xf32, #tpu.memory_space<vmem_shared>>
        tpu.enqueue_indirect_dma source(%arg9 : memref<40x128xf32, #tpu.memory_space<vmem>>) target(%dma_start3A_133 : memref<10240x128xf32, #tpu.memory_space<vmem_shared>>) offsets(%dma_start3A_130 : memref<40xi32, #tpu.memory_space<vmem>>) semaphore(%run_scoped3A : memref<!tpu.dma_semaphore, #tpu.memory_space<semaphore_mem>>) {add = true}
        %dma_wait3A_134 = tpu.memref_slice %arg8[%mul3A_57] : memref<10000xi32, #tpu.memory_space<vmem>> -> memref<40xi32, #tpu.memory_space<vmem>>
        %dma_wait3A_135 = arith.constant 0 : i32
        %dma_wait3A_136 = arith.constant 0 : i32
        %dma_wait3A_137 = tpu.memref_slice %arg14[%dma_wait3A_135, %dma_wait3A_136] : memref<10240x128xf32, #tpu.memory_space<vmem_shared>> -> memref<10240x128xf32, #tpu.memory_space<vmem_shared>>
        tpu.wait_indirect_dma semaphore(%run_scoped3A : memref<!tpu.dma_semaphore, #tpu.memory_space<semaphore_mem>>) src(%arg9 : memref<40x128xf32, #tpu.memory_space<vmem>>) dst(%dma_wait3A_137 : memref<10240x128xf32, #tpu.memory_space<vmem_shared>>)
        tpu.yield
      }) : () -> ()
      %add3A_62 = arith.constant 5 : i32
      %add3A_63 = arith.addi %add3A_55, %add3A_62 : i32
      %lt3A = arith.constant 250 : i32
      %lt3A_64 = arith.cmpi slt, %add3A_63, %lt3A : i32
      %convert_element_type3A = arith.extui %lt3A_64 : i1 to i32
      %cond3A = arith.constant 0 : i32
      %cond3A_65 = arith.cmpi ne, %convert_element_type3A, %cond3A : i32
      scf.if %cond3A_65 {
        %add3A_130 = arith.constant 5 : i32
        %add3A_131 = arith.addi %add3A_55, %add3A_130 : i32
        %mul3A_132 = arith.constant 40 : i32
        %mul3A_133 = arith.muli %add3A_131, %mul3A_132 : i32
        %dma_start3A_134 = tpu.memref_slice %arg7[%mul3A_133] : memref<10000xi32, #tpu.memory_space<vmem>> -> memref<40xi32, #tpu.memory_space<vmem>>
        %dma_start3A_135 = arith.constant 0 : i32
        %dma_start3A_136 = arith.constant 0 : i32
        %dma_start3A_137 = tpu.memref_slice %arg2[%dma_start3A_135, %dma_start3A_136] : memref<10240x128xf32, #tpu.memory_space<hbm>> -> memref<10240x128xf32, #tpu.memory_space<hbm>>
        tpu.enqueue_indirect_dma source(%dma_start3A_137 : memref<10240x128xf32, #tpu.memory_space<hbm>>) target(%arg9 : memref<40x128xf32, #tpu.memory_space<vmem>>) offsets(%dma_start3A_134 : memref<40xi32, #tpu.memory_space<vmem>>) semaphore(%arg15 : memref<!tpu.dma_semaphore, #tpu.memory_space<semaphore_mem>>)
      } else {
      }
      %add3A_66 = arith.constant 1 : i32
      %add3A_67 = arith.addi %mul3A_53, %add3A_66 : i32
      %mul3A_68 = arith.constant 40 : i32
      %mul3A_69 = arith.muli %add3A_67, %mul3A_68 : i32
      %dma_wait3A_70 = arith.constant 0 : i32
      %dma_wait3A_71 = tpu.memref_slice %arg7[%dma_wait3A_70] : memref<10000xi32, #tpu.memory_space<vmem>> -> memref<40xi32, #tpu.memory_space<vmem>>
      %dma_wait3A_72 = arith.constant 0 : i32
      %dma_wait3A_73 = arith.constant 0 : i32
      %dma_wait3A_74 = tpu.memref_slice %arg2[%dma_wait3A_72, %dma_wait3A_73] : memref<10240x128xf32, #tpu.memory_space<hbm>> -> memref<10240x128xf32, #tpu.memory_space<hbm>>
      tpu.wait_indirect_dma semaphore(%arg16 : memref<!tpu.dma_semaphore, #tpu.memory_space<semaphore_mem>>) src(%dma_wait3A_74 : memref<10240x128xf32, #tpu.memory_space<hbm>>) dst(%arg10 : memref<40x128xf32, #tpu.memory_space<vmem>>)
      "tpu.region"() ({
        %run_scoped3A = tpu.sem_alloc : memref<!tpu.dma_semaphore, #tpu.memory_space<semaphore_mem>>
        %dma_start3A_130 = tpu.memref_slice %arg8[%mul3A_69] : memref<10000xi32, #tpu.memory_space<vmem>> -> memref<40xi32, #tpu.memory_space<vmem>>
        %dma_start3A_131 = arith.constant 0 : i32
        %dma_start3A_132 = arith.constant 0 : i32
        %dma_start3A_133 = tpu.memref_slice %arg14[%dma_start3A_131, %dma_start3A_132] : memref<10240x128xf32, #tpu.memory_space<vmem_shared>> -> memref<10240x128xf32, #tpu.memory_space<vmem_shared>>
        tpu.enqueue_indirect_dma source(%arg10 : memref<40x128xf32, #tpu.memory_space<vmem>>) target(%dma_start3A_133 : memref<10240x128xf32, #tpu.memory_space<vmem_shared>>) offsets(%dma_start3A_130 : memref<40xi32, #tpu.memory_space<vmem>>) semaphore(%run_scoped3A : memref<!tpu.dma_semaphore, #tpu.memory_space<semaphore_mem>>) {add = true}
        %dma_wait3A_134 = tpu.memref_slice %arg8[%mul3A_69] : memref<10000xi32, #tpu.memory_space<vmem>> -> memref<40xi32, #tpu.memory_space<vmem>>
        %dma_wait3A_135 = arith.constant 0 : i32
        %dma_wait3A_136 = arith.constant 0 : i32
        %dma_wait3A_137 = tpu.memref_slice %arg14[%dma_wait3A_135, %dma_wait3A_136] : memref<10240x128xf32, #tpu.memory_space<vmem_shared>> -> memref<10240x128xf32, #tpu.memory_space<vmem_shared>>
        tpu.wait_indirect_dma semaphore(%run_scoped3A : memref<!tpu.dma_semaphore, #tpu.memory_space<semaphore_mem>>) src(%arg10 : memref<40x128xf32, #tpu.memory_space<vmem>>) dst(%dma_wait3A_137 : memref<10240x128xf32, #tpu.memory_space<vmem_shared>>)
        tpu.yield
      }) : () -> ()
      %add3A_75 = arith.constant 5 : i32
      %add3A_76 = arith.addi %add3A_67, %add3A_75 : i32
      %lt3A_77 = arith.constant 250 : i32
      %lt3A_78 = arith.cmpi slt, %add3A_76, %lt3A_77 : i32
      %convert_element_type3A_79 = arith.extui %lt3A_78 : i1 to i32
      %cond3A_80 = arith.constant 0 : i32
      %cond3A_81 = arith.cmpi ne, %convert_element_type3A_79, %cond3A_80 : i32
      scf.if %cond3A_81 {
        %add3A_130 = arith.constant 5 : i32
        %add3A_131 = arith.addi %add3A_67, %add3A_130 : i32
        %mul3A_132 = arith.constant 40 : i32
        %mul3A_133 = arith.muli %add3A_131, %mul3A_132 : i32
        %dma_start3A_134 = tpu.memref_slice %arg7[%mul3A_133] : memref<10000xi32, #tpu.memory_space<vmem>> -> memref<40xi32, #tpu.memory_space<vmem>>
        %dma_start3A_135 = arith.constant 0 : i32
        %dma_start3A_136 = arith.constant 0 : i32
        %dma_start3A_137 = tpu.memref_slice %arg2[%dma_start3A_135, %dma_start3A_136] : memref<10240x128xf32, #tpu.memory_space<hbm>> -> memref<10240x128xf32, #tpu.memory_space<hbm>>
        tpu.enqueue_indirect_dma source(%dma_start3A_137 : memref<10240x128xf32, #tpu.memory_space<hbm>>) target(%arg10 : memref<40x128xf32, #tpu.memory_space<vmem>>) offsets(%dma_start3A_134 : memref<40xi32, #tpu.memory_space<vmem>>) semaphore(%arg16 : memref<!tpu.dma_semaphore, #tpu.memory_space<semaphore_mem>>)
      } else {
      }
      %add3A_82 = arith.constant 2 : i32
      %add3A_83 = arith.addi %mul3A_53, %add3A_82 : i32
      %mul3A_84 = arith.constant 40 : i32
      %mul3A_85 = arith.muli %add3A_83, %mul3A_84 : i32
      %dma_wait3A_86 = arith.constant 0 : i32
      %dma_wait3A_87 = tpu.memref_slice %arg7[%dma_wait3A_86] : memref<10000xi32, #tpu.memory_space<vmem>> -> memref<40xi32, #tpu.memory_space<vmem>>
      %dma_wait3A_88 = arith.constant 0 : i32
      %dma_wait3A_89 = arith.constant 0 : i32
      %dma_wait3A_90 = tpu.memref_slice %arg2[%dma_wait3A_88, %dma_wait3A_89] : memref<10240x128xf32, #tpu.memory_space<hbm>> -> memref<10240x128xf32, #tpu.memory_space<hbm>>
      tpu.wait_indirect_dma semaphore(%arg17 : memref<!tpu.dma_semaphore, #tpu.memory_space<semaphore_mem>>) src(%dma_wait3A_90 : memref<10240x128xf32, #tpu.memory_space<hbm>>) dst(%arg11 : memref<40x128xf32, #tpu.memory_space<vmem>>)
      "tpu.region"() ({
        %run_scoped3A = tpu.sem_alloc : memref<!tpu.dma_semaphore, #tpu.memory_space<semaphore_mem>>
        %dma_start3A_130 = tpu.memref_slice %arg8[%mul3A_85] : memref<10000xi32, #tpu.memory_space<vmem>> -> memref<40xi32, #tpu.memory_space<vmem>>
        %dma_start3A_131 = arith.constant 0 : i32
        %dma_start3A_132 = arith.constant 0 : i32
        %dma_start3A_133 = tpu.memref_slice %arg14[%dma_start3A_131, %dma_start3A_132] : memref<10240x128xf32, #tpu.memory_space<vmem_shared>> -> memref<10240x128xf32, #tpu.memory_space<vmem_shared>>
        tpu.enqueue_indirect_dma source(%arg11 : memref<40x128xf32, #tpu.memory_space<vmem>>) target(%dma_start3A_133 : memref<10240x128xf32, #tpu.memory_space<vmem_shared>>) offsets(%dma_start3A_130 : memref<40xi32, #tpu.memory_space<vmem>>) semaphore(%run_scoped3A : memref<!tpu.dma_semaphore, #tpu.memory_space<semaphore_mem>>) {add = true}
        %dma_wait3A_134 = tpu.memref_slice %arg8[%mul3A_85] : memref<10000xi32, #tpu.memory_space<vmem>> -> memref<40xi32, #tpu.memory_space<vmem>>
        %dma_wait3A_135 = arith.constant 0 : i32
        %dma_wait3A_136 = arith.constant 0 : i32
        %dma_wait3A_137 = tpu.memref_slice %arg14[%dma_wait3A_135, %dma_wait3A_136] : memref<10240x128xf32, #tpu.memory_space<vmem_shared>> -> memref<10240x128xf32, #tpu.memory_space<vmem_shared>>
        tpu.wait_indirect_dma semaphore(%run_scoped3A : memref<!tpu.dma_semaphore, #tpu.memory_space<semaphore_mem>>) src(%arg11 : memref<40x128xf32, #tpu.memory_space<vmem>>) dst(%dma_wait3A_137 : memref<10240x128xf32, #tpu.memory_space<vmem_shared>>)
        tpu.yield
      }) : () -> ()
      %add3A_91 = arith.constant 5 : i32
      %add3A_92 = arith.addi %add3A_83, %add3A_91 : i32
      %lt3A_93 = arith.constant 250 : i32
      %lt3A_94 = arith.cmpi slt, %add3A_92, %lt3A_93 : i32
      %convert_element_type3A_95 = arith.extui %lt3A_94 : i1 to i32
      %cond3A_96 = arith.constant 0 : i32
      %cond3A_97 = arith.cmpi ne, %convert_element_type3A_95, %cond3A_96 : i32
      scf.if %cond3A_97 {
        %add3A_130 = arith.constant 5 : i32
        %add3A_131 = arith.addi %add3A_83, %add3A_130 : i32
        %mul3A_132 = arith.constant 40 : i32
        %mul3A_133 = arith.muli %add3A_131, %mul3A_132 : i32
        %dma_start3A_134 = tpu.memref_slice %arg7[%mul3A_133] : memref<10000xi32, #tpu.memory_space<vmem>> -> memref<40xi32, #tpu.memory_space<vmem>>
        %dma_start3A_135 = arith.constant 0 : i32
        %dma_start3A_136 = arith.constant 0 : i32
        %dma_start3A_137 = tpu.memref_slice %arg2[%dma_start3A_135, %dma_start3A_136] : memref<10240x128xf32, #tpu.memory_space<hbm>> -> memref<10240x128xf32, #tpu.memory_space<hbm>>
        tpu.enqueue_indirect_dma source(%dma_start3A_137 : memref<10240x128xf32, #tpu.memory_space<hbm>>) target(%arg11 : memref<40x128xf32, #tpu.memory_space<vmem>>) offsets(%dma_start3A_134 : memref<40xi32, #tpu.memory_space<vmem>>) semaphore(%arg17 : memref<!tpu.dma_semaphore, #tpu.memory_space<semaphore_mem>>)
      } else {
      }
      %add3A_98 = arith.constant 3 : i32
      %add3A_99 = arith.addi %mul3A_53, %add3A_98 : i32
      %mul3A_100 = arith.constant 40 : i32
      %mul3A_101 = arith.muli %add3A_99, %mul3A_100 : i32
      %dma_wait3A_102 = arith.constant 0 : i32
      %dma_wait3A_103 = tpu.memref_slice %arg7[%dma_wait3A_102] : memref<10000xi32, #tpu.memory_space<vmem>> -> memref<40xi32, #tpu.memory_space<vmem>>
      %dma_wait3A_104 = arith.constant 0 : i32
      %dma_wait3A_105 = arith.constant 0 : i32
      %dma_wait3A_106 = tpu.memref_slice %arg2[%dma_wait3A_104, %dma_wait3A_105] : memref<10240x128xf32, #tpu.memory_space<hbm>> -> memref<10240x128xf32, #tpu.memory_space<hbm>>
      tpu.wait_indirect_dma semaphore(%arg18 : memref<!tpu.dma_semaphore, #tpu.memory_space<semaphore_mem>>) src(%dma_wait3A_106 : memref<10240x128xf32, #tpu.memory_space<hbm>>) dst(%arg12 : memref<40x128xf32, #tpu.memory_space<vmem>>)
      "tpu.region"() ({
        %run_scoped3A = tpu.sem_alloc : memref<!tpu.dma_semaphore, #tpu.memory_space<semaphore_mem>>
        %dma_start3A_130 = tpu.memref_slice %arg8[%mul3A_101] : memref<10000xi32, #tpu.memory_space<vmem>> -> memref<40xi32, #tpu.memory_space<vmem>>
        %dma_start3A_131 = arith.constant 0 : i32
        %dma_start3A_132 = arith.constant 0 : i32
        %dma_start3A_133 = tpu.memref_slice %arg14[%dma_start3A_131, %dma_start3A_132] : memref<10240x128xf32, #tpu.memory_space<vmem_shared>> -> memref<10240x128xf32, #tpu.memory_space<vmem_shared>>
        tpu.enqueue_indirect_dma source(%arg12 : memref<40x128xf32, #tpu.memory_space<vmem>>) target(%dma_start3A_133 : memref<10240x128xf32, #tpu.memory_space<vmem_shared>>) offsets(%dma_start3A_130 : memref<40xi32, #tpu.memory_space<vmem>>) semaphore(%run_scoped3A : memref<!tpu.dma_semaphore, #tpu.memory_space<semaphore_mem>>) {add = true}
        %dma_wait3A_134 = tpu.memref_slice %arg8[%mul3A_101] : memref<10000xi32, #tpu.memory_space<vmem>> -> memref<40xi32, #tpu.memory_space<vmem>>
        %dma_wait3A_135 = arith.constant 0 : i32
        %dma_wait3A_136 = arith.constant 0 : i32
        %dma_wait3A_137 = tpu.memref_slice %arg14[%dma_wait3A_135, %dma_wait3A_136] : memref<10240x128xf32, #tpu.memory_space<vmem_shared>> -> memref<10240x128xf32, #tpu.memory_space<vmem_shared>>
        tpu.wait_indirect_dma semaphore(%run_scoped3A : memref<!tpu.dma_semaphore, #tpu.memory_space<semaphore_mem>>) src(%arg12 : memref<40x128xf32, #tpu.memory_space<vmem>>) dst(%dma_wait3A_137 : memref<10240x128xf32, #tpu.memory_space<vmem_shared>>)
        tpu.yield
      }) : () -> ()
      %add3A_107 = arith.constant 5 : i32
      %add3A_108 = arith.addi %add3A_99, %add3A_107 : i32
      %lt3A_109 = arith.constant 250 : i32
      %lt3A_110 = arith.cmpi slt, %add3A_108, %lt3A_109 : i32
      %convert_element_type3A_111 = arith.extui %lt3A_110 : i1 to i32
      %cond3A_112 = arith.constant 0 : i32
      %cond3A_113 = arith.cmpi ne, %convert_element_type3A_111, %cond3A_112 : i32
      scf.if %cond3A_113 {
        %add3A_130 = arith.constant 5 : i32
        %add3A_131 = arith.addi %add3A_99, %add3A_130 : i32
        %mul3A_132 = arith.constant 40 : i32
        %mul3A_133 = arith.muli %add3A_131, %mul3A_132 : i32
        %dma_start3A_134 = tpu.memref_slice %arg7[%mul3A_133] : memref<10000xi32, #tpu.memory_space<vmem>> -> memref<40xi32, #tpu.memory_space<vmem>>
        %dma_start3A_135 = arith.constant 0 : i32
        %dma_start3A_136 = arith.constant 0 : i32
        %dma_start3A_137 = tpu.memref_slice %arg2[%dma_start3A_135, %dma_start3A_136] : memref<10240x128xf32, #tpu.memory_space<hbm>> -> memref<10240x128xf32, #tpu.memory_space<hbm>>
        tpu.enqueue_indirect_dma source(%dma_start3A_137 : memref<10240x128xf32, #tpu.memory_space<hbm>>) target(%arg12 : memref<40x128xf32, #tpu.memory_space<vmem>>) offsets(%dma_start3A_134 : memref<40xi32, #tpu.memory_space<vmem>>) semaphore(%arg18 : memref<!tpu.dma_semaphore, #tpu.memory_space<semaphore_mem>>)
      } else {
      }
      %add3A_114 = arith.constant 4 : i32
      %add3A_115 = arith.addi %mul3A_53, %add3A_114 : i32
      %mul3A_116 = arith.constant 40 : i32
      %mul3A_117 = arith.muli %add3A_115, %mul3A_116 : i32
      %dma_wait3A_118 = arith.constant 0 : i32
      %dma_wait3A_119 = tpu.memref_slice %arg7[%dma_wait3A_118] : memref<10000xi32, #tpu.memory_space<vmem>> -> memref<40xi32, #tpu.memory_space<vmem>>
      %dma_wait3A_120 = arith.constant 0 : i32
      %dma_wait3A_121 = arith.constant 0 : i32
      %dma_wait3A_122 = tpu.memref_slice %arg2[%dma_wait3A_120, %dma_wait3A_121] : memref<10240x128xf32, #tpu.memory_space<hbm>> -> memref<10240x128xf32, #tpu.memory_space<hbm>>
      tpu.wait_indirect_dma semaphore(%arg19 : memref<!tpu.dma_semaphore, #tpu.memory_space<semaphore_mem>>) src(%dma_wait3A_122 : memref<10240x128xf32, #tpu.memory_space<hbm>>) dst(%arg13 : memref<40x128xf32, #tpu.memory_space<vmem>>)
      "tpu.region"() ({
        %run_scoped3A = tpu.sem_alloc : memref<!tpu.dma_semaphore, #tpu.memory_space<semaphore_mem>>
        %dma_start3A_130 = tpu.memref_slice %arg8[%mul3A_117] : memref<10000xi32, #tpu.memory_space<vmem>> -> memref<40xi32, #tpu.memory_space<vmem>>
        %dma_start3A_131 = arith.constant 0 : i32
        %dma_start3A_132 = arith.constant 0 : i32
        %dma_start3A_133 = tpu.memref_slice %arg14[%dma_start3A_131, %dma_start3A_132] : memref<10240x128xf32, #tpu.memory_space<vmem_shared>> -> memref<10240x128xf32, #tpu.memory_space<vmem_shared>>
        tpu.enqueue_indirect_dma source(%arg13 : memref<40x128xf32, #tpu.memory_space<vmem>>) target(%dma_start3A_133 : memref<10240x128xf32, #tpu.memory_space<vmem_shared>>) offsets(%dma_start3A_130 : memref<40xi32, #tpu.memory_space<vmem>>) semaphore(%run_scoped3A : memref<!tpu.dma_semaphore, #tpu.memory_space<semaphore_mem>>) {add = true}
        %dma_wait3A_134 = tpu.memref_slice %arg8[%mul3A_117] : memref<10000xi32, #tpu.memory_space<vmem>> -> memref<40xi32, #tpu.memory_space<vmem>>
        %dma_wait3A_135 = arith.constant 0 : i32
        %dma_wait3A_136 = arith.constant 0 : i32
        %dma_wait3A_137 = tpu.memref_slice %arg14[%dma_wait3A_135, %dma_wait3A_136] : memref<10240x128xf32, #tpu.memory_space<vmem_shared>> -> memref<10240x128xf32, #tpu.memory_space<vmem_shared>>
        tpu.wait_indirect_dma semaphore(%run_scoped3A : memref<!tpu.dma_semaphore, #tpu.memory_space<semaphore_mem>>) src(%arg13 : memref<40x128xf32, #tpu.memory_space<vmem>>) dst(%dma_wait3A_137 : memref<10240x128xf32, #tpu.memory_space<vmem_shared>>)
        tpu.yield
      }) : () -> ()
      %add3A_123 = arith.constant 5 : i32
      %add3A_124 = arith.addi %add3A_115, %add3A_123 : i32
      %lt3A_125 = arith.constant 250 : i32
      %lt3A_126 = arith.cmpi slt, %add3A_124, %lt3A_125 : i32
      %convert_element_type3A_127 = arith.extui %lt3A_126 : i1 to i32
      %cond3A_128 = arith.constant 0 : i32
      %cond3A_129 = arith.cmpi ne, %convert_element_type3A_127, %cond3A_128 : i32
      scf.if %cond3A_129 {
        %add3A_130 = arith.constant 5 : i32
        %add3A_131 = arith.addi %add3A_115, %add3A_130 : i32
        %mul3A_132 = arith.constant 40 : i32
        %mul3A_133 = arith.muli %add3A_131, %mul3A_132 : i32
        %dma_start3A_134 = tpu.memref_slice %arg7[%mul3A_133] : memref<10000xi32, #tpu.memory_space<vmem>> -> memref<40xi32, #tpu.memory_space<vmem>>
        %dma_start3A_135 = arith.constant 0 : i32
        %dma_start3A_136 = arith.constant 0 : i32
        %dma_start3A_137 = tpu.memref_slice %arg2[%dma_start3A_135, %dma_start3A_136] : memref<10240x128xf32, #tpu.memory_space<hbm>> -> memref<10240x128xf32, #tpu.memory_space<hbm>>
        tpu.enqueue_indirect_dma source(%dma_start3A_137 : memref<10240x128xf32, #tpu.memory_space<hbm>>) target(%arg13 : memref<40x128xf32, #tpu.memory_space<vmem>>) offsets(%dma_start3A_134 : memref<40xi32, #tpu.memory_space<vmem>>) semaphore(%arg19 : memref<!tpu.dma_semaphore, #tpu.memory_space<semaphore_mem>>)
      } else {
      }
    }
    %scan3A_43 = arith.constant 50 : i32
    %barrier3A_44 = arith.constant 0 : index
    tpu.barrier barrier_id(%barrier3A_44)
    %scan3A_45 = arith.constant 0 : i32
    %scan3A_46 = arith.constant 0 : i32
    %scan3A_47 = arith.constant 16 : i32
    %scan3A_48 = arith.addi %scan3A_46, %scan3A_47 : i32
    %scan3A_49 = arith.constant 1 : i32
    scf.for %scan3A_51 = %scan3A_46 to %scan3A_48 step %scan3A_49  : i32 {
      %mul3A_52 = arith.constant 40 : i32
      %mul3A_53 = arith.muli %scan3A_51, %mul3A_52 : i32
      %add3A_54 = arith.addi %mul3A_2, %mul3A_53 : i32
      "tpu.region"() ({
        %run_scoped3A = tpu.sem_alloc : memref<!tpu.dma_semaphore, #tpu.memory_space<semaphore_mem>>
        %dma_start3A_55 = arith.constant 0 : i32
        %dma_start3A_56 = tpu.memref_slice %arg14[%add3A_54, %dma_start3A_55] : memref<10240x128xf32, #tpu.memory_space<vmem_shared>> -> memref<40x128xf32, #tpu.memory_space<vmem_shared>>
        %dma_start3A_57 = arith.constant 0 : i32
        %dma_start3A_58 = tpu.memref_slice %arg14[%add3A_54, %dma_start3A_57] : memref<10240x128xf32, #tpu.memory_space<vmem_shared>> -> memref<40x128xf32, #tpu.memory_space<vmem_shared>>
        tpu.enqueue_dma source(%dma_start3A_58 : memref<40x128xf32, #tpu.memory_space<vmem_shared>>) target(%arg9 : memref<40x128xf32, #tpu.memory_space<vmem>>) target_semaphore(%run_scoped3A : memref<!tpu.dma_semaphore, #tpu.memory_space<semaphore_mem>>)
        %dma_wait3A = arith.constant 0 : i32
        %dma_wait3A_59 = tpu.memref_slice %arg14[%add3A_54, %dma_wait3A] : memref<10240x128xf32, #tpu.memory_space<vmem_shared>> -> memref<40x128xf32, #tpu.memory_space<vmem_shared>>
        %dma_wait3A_60 = arith.constant 0 : i32
        %dma_wait3A_61 = tpu.memref_slice %arg14[%add3A_54, %dma_wait3A_60] : memref<10240x128xf32, #tpu.memory_space<vmem_shared>> -> memref<40x128xf32, #tpu.memory_space<vmem_shared>>
        tpu.wait_dma2 semaphore(%run_scoped3A : memref<!tpu.dma_semaphore, #tpu.memory_space<semaphore_mem>>) src(%dma_wait3A_61 : memref<40x128xf32, #tpu.memory_space<vmem_shared>>) dst(%arg9 : memref<40x128xf32, #tpu.memory_space<vmem>>)
        tpu.yield
      }) : () -> ()
      "tpu.region"() ({
        %run_scoped3A = tpu.sem_alloc : memref<!tpu.dma_semaphore, #tpu.memory_space<semaphore_mem>>
        %dma_start3A_55 = arith.constant 0 : i32
        %dma_start3A_56 = tpu.memref_slice %arg6[%arg0, %add3A_54, %dma_start3A_55] : memref<2x10240x128xf32, #tpu.memory_space<hbm>> -> memref<1x40x128xf32, #tpu.memory_space<hbm>>
        %dma_start3A_57 = tpu.memref_squeeze %dma_start3A_56 : memref<1x40x128xf32, #tpu.memory_space<hbm>> -> memref<40x128xf32, #tpu.memory_space<hbm>>
        %dma_start3A_58 = arith.constant 0 : i32
        %dma_start3A_59 = tpu.memref_slice %arg6[%arg0, %add3A_54, %dma_start3A_58] : memref<2x10240x128xf32, #tpu.memory_space<hbm>> -> memref<1x40x128xf32, #tpu.memory_space<hbm>>
        %dma_start3A_60 = tpu.memref_squeeze %dma_start3A_59 : memref<1x40x128xf32, #tpu.memory_space<hbm>> -> memref<40x128xf32, #tpu.memory_space<hbm>>
        tpu.enqueue_dma source(%arg9 : memref<40x128xf32, #tpu.memory_space<vmem>>) target(%dma_start3A_60 : memref<40x128xf32, #tpu.memory_space<hbm>>) target_semaphore(%run_scoped3A : memref<!tpu.dma_semaphore, #tpu.memory_space<semaphore_mem>>)
        %dma_wait3A = arith.constant 0 : i32
        %dma_wait3A_61 = tpu.memref_slice %arg6[%arg0, %add3A_54, %dma_wait3A] : memref<2x10240x128xf32, #tpu.memory_space<hbm>> -> memref<1x40x128xf32, #tpu.memory_space<hbm>>
        %dma_wait3A_62 = tpu.memref_squeeze %dma_wait3A_61 : memref<1x40x128xf32, #tpu.memory_space<hbm>> -> memref<40x128xf32, #tpu.memory_space<hbm>>
        %dma_wait3A_63 = arith.constant 0 : i32
        %dma_wait3A_64 = tpu.memref_slice %arg6[%arg0, %add3A_54, %dma_wait3A_63] : memref<2x10240x128xf32, #tpu.memory_space<hbm>> -> memref<1x40x128xf32, #tpu.memory_space<hbm>>
        %dma_wait3A_65 = tpu.memref_squeeze %dma_wait3A_64 : memref<1x40x128xf32, #tpu.memory_space<hbm>> -> memref<40x128xf32, #tpu.memory_space<hbm>>
        tpu.wait_dma2 semaphore(%run_scoped3A : memref<!tpu.dma_semaphore, #tpu.memory_space<semaphore_mem>>) src(%arg9 : memref<40x128xf32, #tpu.memory_space<vmem>>) dst(%dma_wait3A_65 : memref<40x128xf32, #tpu.memory_space<hbm>>)
        tpu.yield
      }) : () -> ()
    }
    %scan3A_50 = arith.constant 16 : i32
    return
  }
}

#map = affine_map<(d0, d1) -> (0, 0)>
#map1 = affine_map<(d0, d1) -> (0)>
#map2 = affine_map<(d0, d1) -> (0, 0, 0)>
module attributes {stable_mosaic.version = 14 : i64} {
  func.func @agg(%arg0: i32, %arg1: i32, %arg2: memref<10240x128xf32, #tpu.memory_space<hbm>>, %arg3: memref<320000xi32, #tpu.memory_space<hbm>>, %arg4: memref<320000xi32, #tpu.memory_space<hbm>>, %arg5: memref<40x128xf32, #tpu.memory_space<hbm>>, %arg6: memref<2x10240x128xf32, #tpu.memory_space<hbm>>, %arg7: memref<32x10240xf32, #tpu.memory_space<hbm>>, %arg8: memref<5120xi32, #tpu.memory_space<vmem>>, %arg9: memref<5120xi32, #tpu.memory_space<vmem>>, %arg10: memref<40x128xf32, #tpu.memory_space<vmem>>, %arg11: memref<40x128xf32, #tpu.memory_space<vmem>>, %arg12: memref<40x128xf32, #tpu.memory_space<vmem>>, %arg13: memref<40x128xf32, #tpu.memory_space<vmem>>, %arg14: memref<10240xf32, #tpu.memory_space<vmem>>, %arg15: memref<10240x128xf32, #tpu.memory_space<vmem_shared>>, %arg16: memref<!tpu.dma_semaphore, #tpu.memory_space<semaphore_mem>>, %arg17: memref<!tpu.dma_semaphore, #tpu.memory_space<semaphore_mem>>, %arg18: memref<!tpu.dma_semaphore, #tpu.memory_space<semaphore_mem>>, %arg19: memref<!tpu.dma_semaphore, #tpu.memory_space<semaphore_mem>>) attributes {dimension_semantics = [#tpu.dimension_semantics<core_parallel>, #tpu.dimension_semantics<subcore_parallel>], iteration_bounds = array<i64: 2, 16>, scalar_prefetch = 0 : i64, scratch_operands = 12 : i64, tpu.core_type = #tpu.core_type<sc_vector_subcore>, window_params = [{transform_indices = #map}, {transform_indices = #map1}, {transform_indices = #map1}, {transform_indices = #map}, {transform_indices = #map2}, {transform_indices = #map}]} {
    %mul3A = arith.constant 2 : i32
    %mul3A_0 = arith.muli %arg1, %mul3A : i32
    %add3A = arith.addi %mul3A_0, %arg0 : i32
    %mul3A_1 = arith.constant 640 : i32
    %mul3A_2 = arith.muli %arg1, %mul3A_1 : i32
    %mul3A_3 = arith.constant 10000 : i32
    %mul3A_4 = arith.muli %add3A, %mul3A_3 : i32
    "tpu.region"() ({
      %run_scoped3A = tpu.sem_alloc : memref<!tpu.dma_semaphore, #tpu.memory_space<semaphore_mem>>
      %dma_start3A_109 = arith.constant 0 : i32
      %dma_start3A_110 = arith.constant 0 : i32
      %dma_start3A_111 = tpu.memref_slice %arg5[%dma_start3A_109, %dma_start3A_110] : memref<40x128xf32, #tpu.memory_space<hbm>> -> memref<40x128xf32, #tpu.memory_space<hbm>>
      %dma_start3A_112 = arith.constant 0 : i32
      %dma_start3A_113 = arith.constant 0 : i32
      %dma_start3A_114 = tpu.memref_slice %arg5[%dma_start3A_112, %dma_start3A_113] : memref<40x128xf32, #tpu.memory_space<hbm>> -> memref<40x128xf32, #tpu.memory_space<hbm>>
      tpu.enqueue_dma source(%dma_start3A_114 : memref<40x128xf32, #tpu.memory_space<hbm>>) target(%arg10 : memref<40x128xf32, #tpu.memory_space<vmem>>) target_semaphore(%run_scoped3A : memref<!tpu.dma_semaphore, #tpu.memory_space<semaphore_mem>>)
      %dma_wait3A_115 = arith.constant 0 : i32
      %dma_wait3A_116 = arith.constant 0 : i32
      %dma_wait3A_117 = tpu.memref_slice %arg5[%dma_wait3A_115, %dma_wait3A_116] : memref<40x128xf32, #tpu.memory_space<hbm>> -> memref<40x128xf32, #tpu.memory_space<hbm>>
      %dma_wait3A_118 = arith.constant 0 : i32
      %dma_wait3A_119 = arith.constant 0 : i32
      %dma_wait3A_120 = tpu.memref_slice %arg5[%dma_wait3A_118, %dma_wait3A_119] : memref<40x128xf32, #tpu.memory_space<hbm>> -> memref<40x128xf32, #tpu.memory_space<hbm>>
      tpu.wait_dma2 semaphore(%run_scoped3A : memref<!tpu.dma_semaphore, #tpu.memory_space<semaphore_mem>>) src(%dma_wait3A_120 : memref<40x128xf32, #tpu.memory_space<hbm>>) dst(%arg10 : memref<40x128xf32, #tpu.memory_space<vmem>>)
      tpu.yield
    }) : () -> ()
    %scan3A = arith.constant 0 : i32
    %scan3A_5 = arith.constant 0 : i32
    %scan3A_6 = arith.constant 16 : i32
    %scan3A_7 = arith.addi %scan3A_5, %scan3A_6 : i32
    %scan3A_8 = arith.constant 1 : i32
    scf.for %scan3A_109 = %scan3A_5 to %scan3A_7 step %scan3A_8  : i32 {
      %mul3A_110 = arith.constant 40 : i32
      %mul3A_111 = arith.muli %scan3A_109, %mul3A_110 : i32
      %add3A_112 = arith.addi %mul3A_2, %mul3A_111 : i32
      "tpu.region"() ({
        %run_scoped3A = tpu.sem_alloc : memref<!tpu.dma_semaphore, #tpu.memory_space<semaphore_mem>>
        %dma_start3A_113 = arith.constant 0 : i32
        %dma_start3A_114 = tpu.memref_slice %arg15[%add3A_112, %dma_start3A_113] : memref<10240x128xf32, #tpu.memory_space<vmem_shared>> -> memref<40x128xf32, #tpu.memory_space<vmem_shared>>
        %dma_start3A_115 = arith.constant 0 : i32
        %dma_start3A_116 = tpu.memref_slice %arg15[%add3A_112, %dma_start3A_115] : memref<10240x128xf32, #tpu.memory_space<vmem_shared>> -> memref<40x128xf32, #tpu.memory_space<vmem_shared>>
        tpu.enqueue_dma source(%arg10 : memref<40x128xf32, #tpu.memory_space<vmem>>) target(%dma_start3A_116 : memref<40x128xf32, #tpu.memory_space<vmem_shared>>) target_semaphore(%run_scoped3A : memref<!tpu.dma_semaphore, #tpu.memory_space<semaphore_mem>>)
        %dma_wait3A_117 = arith.constant 0 : i32
        %dma_wait3A_118 = tpu.memref_slice %arg15[%add3A_112, %dma_wait3A_117] : memref<10240x128xf32, #tpu.memory_space<vmem_shared>> -> memref<40x128xf32, #tpu.memory_space<vmem_shared>>
        %dma_wait3A_119 = arith.constant 0 : i32
        %dma_wait3A_120 = tpu.memref_slice %arg15[%add3A_112, %dma_wait3A_119] : memref<10240x128xf32, #tpu.memory_space<vmem_shared>> -> memref<40x128xf32, #tpu.memory_space<vmem_shared>>
        tpu.wait_dma2 semaphore(%run_scoped3A : memref<!tpu.dma_semaphore, #tpu.memory_space<semaphore_mem>>) src(%arg10 : memref<40x128xf32, #tpu.memory_space<vmem>>) dst(%dma_wait3A_120 : memref<40x128xf32, #tpu.memory_space<vmem_shared>>)
        tpu.yield
      }) : () -> ()
    }
    %scan3A_9 = arith.constant 16 : i32
    %scan3A_10 = arith.constant 0 : i32
    %scan3A_11 = arith.constant 0 : i32
    %scan3A_12 = arith.constant 640 : i32
    %scan3A_13 = arith.addi %scan3A_11, %scan3A_12 : i32
    %scan3A_14 = arith.constant 1 : i32
    scf.for %scan3A_109 = %scan3A_11 to %scan3A_13 step %scan3A_14  : i32 {
      %broadcast_in_dim3A_110 = arith.constant 0.000000e+00 : f32
      %broadcast_in_dim3A_111 = vector.broadcast %broadcast_in_dim3A_110 : f32 to vector<16xf32>
      %mul3A_112 = arith.constant 16 : i32
      %mul3A_113 = arith.muli %scan3A_109, %mul3A_112 : i32
      %swap3A = arith.index_cast %mul3A_113 : i32 to index
      %swap3A_114 = tpu.vector_load %arg14[%swap3A] {strides = array<i32>} : memref<10240xf32, #tpu.memory_space<vmem>>, vector<16xf32>,
      tpu.vector_store %arg14[%swap3A], %broadcast_in_dim3A_111 {strides = array<i32>} : memref<10240xf32, #tpu.memory_space<vmem>>, vector<16xf32>,
    }
    %scan3A_15 = arith.constant 640 : i32
    %barrier3A = arith.constant 0 : index
    tpu.barrier barrier_id(%barrier3A)
    %add3A_16 = arith.constant 0 : i32
    %add3A_17 = arith.addi %mul3A_4, %add3A_16 : i32
    "tpu.region"() ({
      %run_scoped3A = tpu.sem_alloc : memref<!tpu.dma_semaphore, #tpu.memory_space<semaphore_mem>>
      %dma_start3A_109 = arith.constant 0 : i32
      %dma_start3A_110 = tpu.memref_slice %arg8[%dma_start3A_109] : memref<5120xi32, #tpu.memory_space<vmem>> -> memref<5120xi32, #tpu.memory_space<vmem>>
      %dma_start3A_111 = tpu.memref_slice %arg3[%add3A_17] : memref<320000xi32, #tpu.memory_space<hbm>> -> memref<5120xi32, #tpu.memory_space<hbm>>
      %dma_start3A_112 = arith.constant 0 : i32
      %dma_start3A_113 = tpu.memref_slice %arg8[%dma_start3A_112] : memref<5120xi32, #tpu.memory_space<vmem>> -> memref<5120xi32, #tpu.memory_space<vmem>>
      %dma_start3A_114 = tpu.memref_slice %arg3[%add3A_17] : memref<320000xi32, #tpu.memory_space<hbm>> -> memref<5120xi32, #tpu.memory_space<hbm>>
      tpu.enqueue_dma source(%dma_start3A_114 : memref<5120xi32, #tpu.memory_space<hbm>>) target(%dma_start3A_113 : memref<5120xi32, #tpu.memory_space<vmem>>) target_semaphore(%run_scoped3A : memref<!tpu.dma_semaphore, #tpu.memory_space<semaphore_mem>>)
      %dma_wait3A_115 = arith.constant 0 : i32
      %dma_wait3A_116 = tpu.memref_slice %arg8[%dma_wait3A_115] : memref<5120xi32, #tpu.memory_space<vmem>> -> memref<5120xi32, #tpu.memory_space<vmem>>
      %dma_wait3A_117 = tpu.memref_slice %arg3[%add3A_17] : memref<320000xi32, #tpu.memory_space<hbm>> -> memref<5120xi32, #tpu.memory_space<hbm>>
      %dma_wait3A_118 = arith.constant 0 : i32
      %dma_wait3A_119 = tpu.memref_slice %arg8[%dma_wait3A_118] : memref<5120xi32, #tpu.memory_space<vmem>> -> memref<5120xi32, #tpu.memory_space<vmem>>
      %dma_wait3A_120 = tpu.memref_slice %arg3[%add3A_17] : memref<320000xi32, #tpu.memory_space<hbm>> -> memref<5120xi32, #tpu.memory_space<hbm>>
      tpu.wait_dma2 semaphore(%run_scoped3A : memref<!tpu.dma_semaphore, #tpu.memory_space<semaphore_mem>>) src(%dma_wait3A_120 : memref<5120xi32, #tpu.memory_space<hbm>>) dst(%dma_wait3A_119 : memref<5120xi32, #tpu.memory_space<vmem>>)
      tpu.yield
    }) : () -> ()
    %add3A_18 = arith.constant 0 : i32
    %add3A_19 = arith.addi %mul3A_4, %add3A_18 : i32
    "tpu.region"() ({
      %run_scoped3A = tpu.sem_alloc : memref<!tpu.dma_semaphore, #tpu.memory_space<semaphore_mem>>
      %dma_start3A_109 = arith.constant 0 : i32
      %dma_start3A_110 = tpu.memref_slice %arg9[%dma_start3A_109] : memref<5120xi32, #tpu.memory_space<vmem>> -> memref<5120xi32, #tpu.memory_space<vmem>>
      %dma_start3A_111 = tpu.memref_slice %arg4[%add3A_19] : memref<320000xi32, #tpu.memory_space<hbm>> -> memref<5120xi32, #tpu.memory_space<hbm>>
      %dma_start3A_112 = arith.constant 0 : i32
      %dma_start3A_113 = tpu.memref_slice %arg9[%dma_start3A_112] : memref<5120xi32, #tpu.memory_space<vmem>> -> memref<5120xi32, #tpu.memory_space<vmem>>
      %dma_start3A_114 = tpu.memref_slice %arg4[%add3A_19] : memref<320000xi32, #tpu.memory_space<hbm>> -> memref<5120xi32, #tpu.memory_space<hbm>>
      tpu.enqueue_dma source(%dma_start3A_114 : memref<5120xi32, #tpu.memory_space<hbm>>) target(%dma_start3A_113 : memref<5120xi32, #tpu.memory_space<vmem>>) target_semaphore(%run_scoped3A : memref<!tpu.dma_semaphore, #tpu.memory_space<semaphore_mem>>)
      %dma_wait3A_115 = arith.constant 0 : i32
      %dma_wait3A_116 = tpu.memref_slice %arg9[%dma_wait3A_115] : memref<5120xi32, #tpu.memory_space<vmem>> -> memref<5120xi32, #tpu.memory_space<vmem>>
      %dma_wait3A_117 = tpu.memref_slice %arg4[%add3A_19] : memref<320000xi32, #tpu.memory_space<hbm>> -> memref<5120xi32, #tpu.memory_space<hbm>>
      %dma_wait3A_118 = arith.constant 0 : i32
      %dma_wait3A_119 = tpu.memref_slice %arg9[%dma_wait3A_118] : memref<5120xi32, #tpu.memory_space<vmem>> -> memref<5120xi32, #tpu.memory_space<vmem>>
      %dma_wait3A_120 = tpu.memref_slice %arg4[%add3A_19] : memref<320000xi32, #tpu.memory_space<hbm>> -> memref<5120xi32, #tpu.memory_space<hbm>>
      tpu.wait_dma2 semaphore(%run_scoped3A : memref<!tpu.dma_semaphore, #tpu.memory_space<semaphore_mem>>) src(%dma_wait3A_120 : memref<5120xi32, #tpu.memory_space<hbm>>) dst(%dma_wait3A_119 : memref<5120xi32, #tpu.memory_space<vmem>>)
      tpu.yield
    }) : () -> ()
    %dma_start3A = arith.constant 0 : i32
    %dma_start3A_20 = tpu.memref_slice %arg8[%dma_start3A] : memref<5120xi32, #tpu.memory_space<vmem>> -> memref<40xi32, #tpu.memory_space<vmem>>
    %dma_start3A_21 = arith.constant 0 : i32
    %dma_start3A_22 = arith.constant 0 : i32
    %dma_start3A_23 = tpu.memref_slice %arg2[%dma_start3A_21, %dma_start3A_22] : memref<10240x128xf32, #tpu.memory_space<hbm>> -> memref<10240x128xf32, #tpu.memory_space<hbm>>
    tpu.enqueue_indirect_dma source(%dma_start3A_23 : memref<10240x128xf32, #tpu.memory_space<hbm>>) target(%arg10 : memref<40x128xf32, #tpu.memory_space<vmem>>) offsets(%dma_start3A_20 : memref<40xi32, #tpu.memory_space<vmem>>) semaphore(%arg16 : memref<!tpu.dma_semaphore, #tpu.memory_space<semaphore_mem>>)
    %dma_start3A_24 = arith.constant 40 : i32
    %dma_start3A_25 = tpu.memref_slice %arg8[%dma_start3A_24] : memref<5120xi32, #tpu.memory_space<vmem>> -> memref<40xi32, #tpu.memory_space<vmem>>
    %dma_start3A_26 = arith.constant 0 : i32
    %dma_start3A_27 = arith.constant 0 : i32
    %dma_start3A_28 = tpu.memref_slice %arg2[%dma_start3A_26, %dma_start3A_27] : memref<10240x128xf32, #tpu.memory_space<hbm>> -> memref<10240x128xf32, #tpu.memory_space<hbm>>
    tpu.enqueue_indirect_dma source(%dma_start3A_28 : memref<10240x128xf32, #tpu.memory_space<hbm>>) target(%arg11 : memref<40x128xf32, #tpu.memory_space<vmem>>) offsets(%dma_start3A_25 : memref<40xi32, #tpu.memory_space<vmem>>) semaphore(%arg17 : memref<!tpu.dma_semaphore, #tpu.memory_space<semaphore_mem>>)
    %dma_start3A_29 = arith.constant 80 : i32
    %dma_start3A_30 = tpu.memref_slice %arg8[%dma_start3A_29] : memref<5120xi32, #tpu.memory_space<vmem>> -> memref<40xi32, #tpu.memory_space<vmem>>
    %dma_start3A_31 = arith.constant 0 : i32
    %dma_start3A_32 = arith.constant 0 : i32
    %dma_start3A_33 = tpu.memref_slice %arg2[%dma_start3A_31, %dma_start3A_32] : memref<10240x128xf32, #tpu.memory_space<hbm>> -> memref<10240x128xf32, #tpu.memory_space<hbm>>
    tpu.enqueue_indirect_dma source(%dma_start3A_33 : memref<10240x128xf32, #tpu.memory_space<hbm>>) target(%arg12 : memref<40x128xf32, #tpu.memory_space<vmem>>) offsets(%dma_start3A_30 : memref<40xi32, #tpu.memory_space<vmem>>) semaphore(%arg18 : memref<!tpu.dma_semaphore, #tpu.memory_space<semaphore_mem>>)
    %dma_start3A_34 = arith.constant 120 : i32
    %dma_start3A_35 = tpu.memref_slice %arg8[%dma_start3A_34] : memref<5120xi32, #tpu.memory_space<vmem>> -> memref<40xi32, #tpu.memory_space<vmem>>
    %dma_start3A_36 = arith.constant 0 : i32
    %dma_start3A_37 = arith.constant 0 : i32
    %dma_start3A_38 = tpu.memref_slice %arg2[%dma_start3A_36, %dma_start3A_37] : memref<10240x128xf32, #tpu.memory_space<hbm>> -> memref<10240x128xf32, #tpu.memory_space<hbm>>
    tpu.enqueue_indirect_dma source(%dma_start3A_38 : memref<10240x128xf32, #tpu.memory_space<hbm>>) target(%arg13 : memref<40x128xf32, #tpu.memory_space<vmem>>) offsets(%dma_start3A_35 : memref<40xi32, #tpu.memory_space<vmem>>) semaphore(%arg19 : memref<!tpu.dma_semaphore, #tpu.memory_space<semaphore_mem>>)
    %scan3A_39 = arith.constant 0 : i32
    %scan3A_40 = arith.constant 0 : i32
    %scan3A_41 = arith.constant 32 : i32
    %scan3A_42 = arith.addi %scan3A_40, %scan3A_41 : i32
    %scan3A_43 = arith.constant 1 : i32
    scf.for %scan3A_109 = %scan3A_40 to %scan3A_42 step %scan3A_43  : i32 {
      %mul3A_110 = arith.constant 4 : i32
      %mul3A_111 = arith.muli %scan3A_109, %mul3A_110 : i32
      %add3A_112 = arith.constant 0 : i32
      %add3A_113 = arith.addi %mul3A_111, %add3A_112 : i32
      %mul3A_114 = arith.constant 40 : i32
      %mul3A_115 = arith.muli %add3A_113, %mul3A_114 : i32
      %dma_wait3A_116 = arith.constant 0 : i32
      %dma_wait3A_117 = tpu.memref_slice %arg8[%dma_wait3A_116] : memref<5120xi32, #tpu.memory_space<vmem>> -> memref<40xi32, #tpu.memory_space<vmem>>
      %dma_wait3A_118 = arith.constant 0 : i32
      %dma_wait3A_119 = arith.constant 0 : i32
      %dma_wait3A_120 = tpu.memref_slice %arg2[%dma_wait3A_118, %dma_wait3A_119] : memref<10240x128xf32, #tpu.memory_space<hbm>> -> memref<10240x128xf32, #tpu.memory_space<hbm>>
      tpu.wait_indirect_dma semaphore(%arg16 : memref<!tpu.dma_semaphore, #tpu.memory_space<semaphore_mem>>) src(%dma_wait3A_120 : memref<10240x128xf32, #tpu.memory_space<hbm>>) dst(%arg10 : memref<40x128xf32, #tpu.memory_space<vmem>>)
      "tpu.region"() ({
        %run_scoped3A = tpu.sem_alloc : memref<!tpu.dma_semaphore, #tpu.memory_space<semaphore_mem>>
        %dma_start3A_235 = tpu.memref_slice %arg9[%mul3A_115] : memref<5120xi32, #tpu.memory_space<vmem>> -> memref<40xi32, #tpu.memory_space<vmem>>
        %dma_start3A_236 = arith.constant 0 : i32
        %dma_start3A_237 = arith.constant 0 : i32
        %dma_start3A_238 = tpu.memref_slice %arg15[%dma_start3A_236, %dma_start3A_237] : memref<10240x128xf32, #tpu.memory_space<vmem_shared>> -> memref<10240x128xf32, #tpu.memory_space<vmem_shared>>
        tpu.enqueue_indirect_dma source(%arg10 : memref<40x128xf32, #tpu.memory_space<vmem>>) target(%dma_start3A_238 : memref<10240x128xf32, #tpu.memory_space<vmem_shared>>) offsets(%dma_start3A_235 : memref<40xi32, #tpu.memory_space<vmem>>) semaphore(%run_scoped3A : memref<!tpu.dma_semaphore, #tpu.memory_space<semaphore_mem>>) {add = true}
        %dma_wait3A_239 = tpu.memref_slice %arg9[%mul3A_115] : memref<5120xi32, #tpu.memory_space<vmem>> -> memref<40xi32, #tpu.memory_space<vmem>>
        %dma_wait3A_240 = arith.constant 0 : i32
        %dma_wait3A_241 = arith.constant 0 : i32
        %dma_wait3A_242 = tpu.memref_slice %arg15[%dma_wait3A_240, %dma_wait3A_241] : memref<10240x128xf32, #tpu.memory_space<vmem_shared>> -> memref<10240x128xf32, #tpu.memory_space<vmem_shared>>
        tpu.wait_indirect_dma semaphore(%run_scoped3A : memref<!tpu.dma_semaphore, #tpu.memory_space<semaphore_mem>>) src(%arg10 : memref<40x128xf32, #tpu.memory_space<vmem>>) dst(%dma_wait3A_242 : memref<10240x128xf32, #tpu.memory_space<vmem_shared>>)
        tpu.yield
      }) : () -> ()
      %add3A_121 = arith.constant 4 : i32
      %add3A_122 = arith.addi %add3A_113, %add3A_121 : i32
      %lt3A = arith.constant 128 : i32
      %lt3A_123 = arith.cmpi slt, %add3A_122, %lt3A : i32
      %convert_element_type3A = arith.extui %lt3A_123 : i1 to i32
      %cond3A = arith.constant 0 : i32
      %cond3A_124 = arith.cmpi ne, %convert_element_type3A, %cond3A : i32
      scf.if %cond3A_124 {
        %add3A_235 = arith.constant 4 : i32
        %add3A_236 = arith.addi %add3A_113, %add3A_235 : i32
        %mul3A_237 = arith.constant 40 : i32
        %mul3A_238 = arith.muli %add3A_236, %mul3A_237 : i32
        %dma_start3A_239 = tpu.memref_slice %arg8[%mul3A_238] : memref<5120xi32, #tpu.memory_space<vmem>> -> memref<40xi32, #tpu.memory_space<vmem>>
        %dma_start3A_240 = arith.constant 0 : i32
        %dma_start3A_241 = arith.constant 0 : i32
        %dma_start3A_242 = tpu.memref_slice %arg2[%dma_start3A_240, %dma_start3A_241] : memref<10240x128xf32, #tpu.memory_space<hbm>> -> memref<10240x128xf32, #tpu.memory_space<hbm>>
        tpu.enqueue_indirect_dma source(%dma_start3A_242 : memref<10240x128xf32, #tpu.memory_space<hbm>>) target(%arg10 : memref<40x128xf32, #tpu.memory_space<vmem>>) offsets(%dma_start3A_239 : memref<40xi32, #tpu.memory_space<vmem>>) semaphore(%arg16 : memref<!tpu.dma_semaphore, #tpu.memory_space<semaphore_mem>>)
      } else {
      }
      %add3A_125 = arith.constant 1 : i32
      %add3A_126 = arith.addi %mul3A_111, %add3A_125 : i32
      %mul3A_127 = arith.constant 40 : i32
      %mul3A_128 = arith.muli %add3A_126, %mul3A_127 : i32
      %dma_wait3A_129 = arith.constant 0 : i32
      %dma_wait3A_130 = tpu.memref_slice %arg8[%dma_wait3A_129] : memref<5120xi32, #tpu.memory_space<vmem>> -> memref<40xi32, #tpu.memory_space<vmem>>
      %dma_wait3A_131 = arith.constant 0 : i32
      %dma_wait3A_132 = arith.constant 0 : i32
      %dma_wait3A_133 = tpu.memref_slice %arg2[%dma_wait3A_131, %dma_wait3A_132] : memref<10240x128xf32, #tpu.memory_space<hbm>> -> memref<10240x128xf32, #tpu.memory_space<hbm>>
      tpu.wait_indirect_dma semaphore(%arg17 : memref<!tpu.dma_semaphore, #tpu.memory_space<semaphore_mem>>) src(%dma_wait3A_133 : memref<10240x128xf32, #tpu.memory_space<hbm>>) dst(%arg11 : memref<40x128xf32, #tpu.memory_space<vmem>>)
      "tpu.region"() ({
        %run_scoped3A = tpu.sem_alloc : memref<!tpu.dma_semaphore, #tpu.memory_space<semaphore_mem>>
        %dma_start3A_235 = tpu.memref_slice %arg9[%mul3A_128] : memref<5120xi32, #tpu.memory_space<vmem>> -> memref<40xi32, #tpu.memory_space<vmem>>
        %dma_start3A_236 = arith.constant 0 : i32
        %dma_start3A_237 = arith.constant 0 : i32
        %dma_start3A_238 = tpu.memref_slice %arg15[%dma_start3A_236, %dma_start3A_237] : memref<10240x128xf32, #tpu.memory_space<vmem_shared>> -> memref<10240x128xf32, #tpu.memory_space<vmem_shared>>
        tpu.enqueue_indirect_dma source(%arg11 : memref<40x128xf32, #tpu.memory_space<vmem>>) target(%dma_start3A_238 : memref<10240x128xf32, #tpu.memory_space<vmem_shared>>) offsets(%dma_start3A_235 : memref<40xi32, #tpu.memory_space<vmem>>) semaphore(%run_scoped3A : memref<!tpu.dma_semaphore, #tpu.memory_space<semaphore_mem>>) {add = true}
        %dma_wait3A_239 = tpu.memref_slice %arg9[%mul3A_128] : memref<5120xi32, #tpu.memory_space<vmem>> -> memref<40xi32, #tpu.memory_space<vmem>>
        %dma_wait3A_240 = arith.constant 0 : i32
        %dma_wait3A_241 = arith.constant 0 : i32
        %dma_wait3A_242 = tpu.memref_slice %arg15[%dma_wait3A_240, %dma_wait3A_241] : memref<10240x128xf32, #tpu.memory_space<vmem_shared>> -> memref<10240x128xf32, #tpu.memory_space<vmem_shared>>
        tpu.wait_indirect_dma semaphore(%run_scoped3A : memref<!tpu.dma_semaphore, #tpu.memory_space<semaphore_mem>>) src(%arg11 : memref<40x128xf32, #tpu.memory_space<vmem>>) dst(%dma_wait3A_242 : memref<10240x128xf32, #tpu.memory_space<vmem_shared>>)
        tpu.yield
      }) : () -> ()
      %add3A_134 = arith.constant 4 : i32
      %add3A_135 = arith.addi %add3A_126, %add3A_134 : i32
      %lt3A_136 = arith.constant 128 : i32
      %lt3A_137 = arith.cmpi slt, %add3A_135, %lt3A_136 : i32
      %convert_element_type3A_138 = arith.extui %lt3A_137 : i1 to i32
      %cond3A_139 = arith.constant 0 : i32
      %cond3A_140 = arith.cmpi ne, %convert_element_type3A_138, %cond3A_139 : i32
      scf.if %cond3A_140 {
        %add3A_235 = arith.constant 4 : i32
        %add3A_236 = arith.addi %add3A_126, %add3A_235 : i32
        %mul3A_237 = arith.constant 40 : i32
        %mul3A_238 = arith.muli %add3A_236, %mul3A_237 : i32
        %dma_start3A_239 = tpu.memref_slice %arg8[%mul3A_238] : memref<5120xi32, #tpu.memory_space<vmem>> -> memref<40xi32, #tpu.memory_space<vmem>>
        %dma_start3A_240 = arith.constant 0 : i32
        %dma_start3A_241 = arith.constant 0 : i32
        %dma_start3A_242 = tpu.memref_slice %arg2[%dma_start3A_240, %dma_start3A_241] : memref<10240x128xf32, #tpu.memory_space<hbm>> -> memref<10240x128xf32, #tpu.memory_space<hbm>>
        tpu.enqueue_indirect_dma source(%dma_start3A_242 : memref<10240x128xf32, #tpu.memory_space<hbm>>) target(%arg11 : memref<40x128xf32, #tpu.memory_space<vmem>>) offsets(%dma_start3A_239 : memref<40xi32, #tpu.memory_space<vmem>>) semaphore(%arg17 : memref<!tpu.dma_semaphore, #tpu.memory_space<semaphore_mem>>)
      } else {
      }
      %add3A_141 = arith.constant 2 : i32
      %add3A_142 = arith.addi %mul3A_111, %add3A_141 : i32
      %mul3A_143 = arith.constant 40 : i32
      %mul3A_144 = arith.muli %add3A_142, %mul3A_143 : i32
      %dma_wait3A_145 = arith.constant 0 : i32
      %dma_wait3A_146 = tpu.memref_slice %arg8[%dma_wait3A_145] : memref<5120xi32, #tpu.memory_space<vmem>> -> memref<40xi32, #tpu.memory_space<vmem>>
      %dma_wait3A_147 = arith.constant 0 : i32
      %dma_wait3A_148 = arith.constant 0 : i32
      %dma_wait3A_149 = tpu.memref_slice %arg2[%dma_wait3A_147, %dma_wait3A_148] : memref<10240x128xf32, #tpu.memory_space<hbm>> -> memref<10240x128xf32, #tpu.memory_space<hbm>>
      tpu.wait_indirect_dma semaphore(%arg18 : memref<!tpu.dma_semaphore, #tpu.memory_space<semaphore_mem>>) src(%dma_wait3A_149 : memref<10240x128xf32, #tpu.memory_space<hbm>>) dst(%arg12 : memref<40x128xf32, #tpu.memory_space<vmem>>)
      "tpu.region"() ({
        %run_scoped3A = tpu.sem_alloc : memref<!tpu.dma_semaphore, #tpu.memory_space<semaphore_mem>>
        %dma_start3A_235 = tpu.memref_slice %arg9[%mul3A_144] : memref<5120xi32, #tpu.memory_space<vmem>> -> memref<40xi32, #tpu.memory_space<vmem>>
        %dma_start3A_236 = arith.constant 0 : i32
        %dma_start3A_237 = arith.constant 0 : i32
        %dma_start3A_238 = tpu.memref_slice %arg15[%dma_start3A_236, %dma_start3A_237] : memref<10240x128xf32, #tpu.memory_space<vmem_shared>> -> memref<10240x128xf32, #tpu.memory_space<vmem_shared>>
        tpu.enqueue_indirect_dma source(%arg12 : memref<40x128xf32, #tpu.memory_space<vmem>>) target(%dma_start3A_238 : memref<10240x128xf32, #tpu.memory_space<vmem_shared>>) offsets(%dma_start3A_235 : memref<40xi32, #tpu.memory_space<vmem>>) semaphore(%run_scoped3A : memref<!tpu.dma_semaphore, #tpu.memory_space<semaphore_mem>>) {add = true}
        %dma_wait3A_239 = tpu.memref_slice %arg9[%mul3A_144] : memref<5120xi32, #tpu.memory_space<vmem>> -> memref<40xi32, #tpu.memory_space<vmem>>
        %dma_wait3A_240 = arith.constant 0 : i32
        %dma_wait3A_241 = arith.constant 0 : i32
        %dma_wait3A_242 = tpu.memref_slice %arg15[%dma_wait3A_240, %dma_wait3A_241] : memref<10240x128xf32, #tpu.memory_space<vmem_shared>> -> memref<10240x128xf32, #tpu.memory_space<vmem_shared>>
        tpu.wait_indirect_dma semaphore(%run_scoped3A : memref<!tpu.dma_semaphore, #tpu.memory_space<semaphore_mem>>) src(%arg12 : memref<40x128xf32, #tpu.memory_space<vmem>>) dst(%dma_wait3A_242 : memref<10240x128xf32, #tpu.memory_space<vmem_shared>>)
        tpu.yield
      }) : () -> ()
      %add3A_150 = arith.constant 4 : i32
      %add3A_151 = arith.addi %add3A_142, %add3A_150 : i32
      %lt3A_152 = arith.constant 128 : i32
      %lt3A_153 = arith.cmpi slt, %add3A_151, %lt3A_152 : i32
      %convert_element_type3A_154 = arith.extui %lt3A_153 : i1 to i32
      %cond3A_155 = arith.constant 0 : i32
      %cond3A_156 = arith.cmpi ne, %convert_element_type3A_154, %cond3A_155 : i32
      scf.if %cond3A_156 {
        %add3A_235 = arith.constant 4 : i32
        %add3A_236 = arith.addi %add3A_142, %add3A_235 : i32
        %mul3A_237 = arith.constant 40 : i32
        %mul3A_238 = arith.muli %add3A_236, %mul3A_237 : i32
        %dma_start3A_239 = tpu.memref_slice %arg8[%mul3A_238] : memref<5120xi32, #tpu.memory_space<vmem>> -> memref<40xi32, #tpu.memory_space<vmem>>
        %dma_start3A_240 = arith.constant 0 : i32
        %dma_start3A_241 = arith.constant 0 : i32
        %dma_start3A_242 = tpu.memref_slice %arg2[%dma_start3A_240, %dma_start3A_241] : memref<10240x128xf32, #tpu.memory_space<hbm>> -> memref<10240x128xf32, #tpu.memory_space<hbm>>
        tpu.enqueue_indirect_dma source(%dma_start3A_242 : memref<10240x128xf32, #tpu.memory_space<hbm>>) target(%arg12 : memref<40x128xf32, #tpu.memory_space<vmem>>) offsets(%dma_start3A_239 : memref<40xi32, #tpu.memory_space<vmem>>) semaphore(%arg18 : memref<!tpu.dma_semaphore, #tpu.memory_space<semaphore_mem>>)
      } else {
      }
      %add3A_157 = arith.constant 3 : i32
      %add3A_158 = arith.addi %mul3A_111, %add3A_157 : i32
      %mul3A_159 = arith.constant 40 : i32
      %mul3A_160 = arith.muli %add3A_158, %mul3A_159 : i32
      %dma_wait3A_161 = arith.constant 0 : i32
      %dma_wait3A_162 = tpu.memref_slice %arg8[%dma_wait3A_161] : memref<5120xi32, #tpu.memory_space<vmem>> -> memref<40xi32, #tpu.memory_space<vmem>>
      %dma_wait3A_163 = arith.constant 0 : i32
      %dma_wait3A_164 = arith.constant 0 : i32
      %dma_wait3A_165 = tpu.memref_slice %arg2[%dma_wait3A_163, %dma_wait3A_164] : memref<10240x128xf32, #tpu.memory_space<hbm>> -> memref<10240x128xf32, #tpu.memory_space<hbm>>
      tpu.wait_indirect_dma semaphore(%arg19 : memref<!tpu.dma_semaphore, #tpu.memory_space<semaphore_mem>>) src(%dma_wait3A_165 : memref<10240x128xf32, #tpu.memory_space<hbm>>) dst(%arg13 : memref<40x128xf32, #tpu.memory_space<vmem>>)
      "tpu.region"() ({
        %run_scoped3A = tpu.sem_alloc : memref<!tpu.dma_semaphore, #tpu.memory_space<semaphore_mem>>
        %dma_start3A_235 = tpu.memref_slice %arg9[%mul3A_160] : memref<5120xi32, #tpu.memory_space<vmem>> -> memref<40xi32, #tpu.memory_space<vmem>>
        %dma_start3A_236 = arith.constant 0 : i32
        %dma_start3A_237 = arith.constant 0 : i32
        %dma_start3A_238 = tpu.memref_slice %arg15[%dma_start3A_236, %dma_start3A_237] : memref<10240x128xf32, #tpu.memory_space<vmem_shared>> -> memref<10240x128xf32, #tpu.memory_space<vmem_shared>>
        tpu.enqueue_indirect_dma source(%arg13 : memref<40x128xf32, #tpu.memory_space<vmem>>) target(%dma_start3A_238 : memref<10240x128xf32, #tpu.memory_space<vmem_shared>>) offsets(%dma_start3A_235 : memref<40xi32, #tpu.memory_space<vmem>>) semaphore(%run_scoped3A : memref<!tpu.dma_semaphore, #tpu.memory_space<semaphore_mem>>) {add = true}
        %dma_wait3A_239 = tpu.memref_slice %arg9[%mul3A_160] : memref<5120xi32, #tpu.memory_space<vmem>> -> memref<40xi32, #tpu.memory_space<vmem>>
        %dma_wait3A_240 = arith.constant 0 : i32
        %dma_wait3A_241 = arith.constant 0 : i32
        %dma_wait3A_242 = tpu.memref_slice %arg15[%dma_wait3A_240, %dma_wait3A_241] : memref<10240x128xf32, #tpu.memory_space<vmem_shared>> -> memref<10240x128xf32, #tpu.memory_space<vmem_shared>>
        tpu.wait_indirect_dma semaphore(%run_scoped3A : memref<!tpu.dma_semaphore, #tpu.memory_space<semaphore_mem>>) src(%arg13 : memref<40x128xf32, #tpu.memory_space<vmem>>) dst(%dma_wait3A_242 : memref<10240x128xf32, #tpu.memory_space<vmem_shared>>)
        tpu.yield
      }) : () -> ()
      %add3A_166 = arith.constant 4 : i32
      %add3A_167 = arith.addi %add3A_158, %add3A_166 : i32
      %lt3A_168 = arith.constant 128 : i32
      %lt3A_169 = arith.cmpi slt, %add3A_167, %lt3A_168 : i32
      %convert_element_type3A_170 = arith.extui %lt3A_169 : i1 to i32
      %cond3A_171 = arith.constant 0 : i32
      %cond3A_172 = arith.cmpi ne, %convert_element_type3A_170, %cond3A_171 : i32
      scf.if %cond3A_172 {
        %add3A_235 = arith.constant 4 : i32
        %add3A_236 = arith.addi %add3A_158, %add3A_235 : i32
        %mul3A_237 = arith.constant 40 : i32
        %mul3A_238 = arith.muli %add3A_236, %mul3A_237 : i32
        %dma_start3A_239 = tpu.memref_slice %arg8[%mul3A_238] : memref<5120xi32, #tpu.memory_space<vmem>> -> memref<40xi32, #tpu.memory_space<vmem>>
        %dma_start3A_240 = arith.constant 0 : i32
        %dma_start3A_241 = arith.constant 0 : i32
        %dma_start3A_242 = tpu.memref_slice %arg2[%dma_start3A_240, %dma_start3A_241] : memref<10240x128xf32, #tpu.memory_space<hbm>> -> memref<10240x128xf32, #tpu.memory_space<hbm>>
        tpu.enqueue_indirect_dma source(%dma_start3A_242 : memref<10240x128xf32, #tpu.memory_space<hbm>>) target(%arg13 : memref<40x128xf32, #tpu.memory_space<vmem>>) offsets(%dma_start3A_239 : memref<40xi32, #tpu.memory_space<vmem>>) semaphore(%arg19 : memref<!tpu.dma_semaphore, #tpu.memory_space<semaphore_mem>>)
      } else {
      }
      %mul3A_173 = arith.constant 40 : i32
      %mul3A_174 = arith.muli %mul3A_111, %mul3A_173 : i32
      %add3A_175 = arith.constant 0 : i32
      %add3A_176 = arith.addi %mul3A_174, %add3A_175 : i32
      %get3A_177 = arith.index_cast %add3A_176 : i32 to index
      %get3A_178 = tpu.vector_load %arg9[%get3A_177] {strides = array<i32>} : memref<5120xi32, #tpu.memory_space<vmem>>, vector<16xi32>,
      %broadcast_in_dim3A_179 = arith.constant 1.000000e+00 : f32
      %broadcast_in_dim3A_180 = vector.broadcast %broadcast_in_dim3A_179 : f32 to vector<16xf32>
      tpu.vector_store_idx %arg14[%get3A_178], %broadcast_in_dim3A_180 {add = true} : memref<10240xf32, #tpu.memory_space<vmem>>[vector<16xi32>], vector<16xf32>,
      %add3A_181 = arith.constant 16 : i32
      %add3A_182 = arith.addi %mul3A_174, %add3A_181 : i32
      %get3A_183 = arith.index_cast %add3A_182 : i32 to index
      %get3A_184 = tpu.vector_load %arg9[%get3A_183] {strides = array<i32>} : memref<5120xi32, #tpu.memory_space<vmem>>, vector<16xi32>,
      %broadcast_in_dim3A_185 = arith.constant 1.000000e+00 : f32
      %broadcast_in_dim3A_186 = vector.broadcast %broadcast_in_dim3A_185 : f32 to vector<16xf32>
      tpu.vector_store_idx %arg14[%get3A_184], %broadcast_in_dim3A_186 {add = true} : memref<10240xf32, #tpu.memory_space<vmem>>[vector<16xi32>], vector<16xf32>,
      %add3A_187 = arith.constant 32 : i32
      %add3A_188 = arith.addi %mul3A_174, %add3A_187 : i32
      %get3A_189 = arith.index_cast %add3A_188 : i32 to index
      %get3A_190 = tpu.vector_load %arg9[%get3A_189] {strides = array<i32>} : memref<5120xi32, #tpu.memory_space<vmem>>, vector<16xi32>,
      %broadcast_in_dim3A_191 = arith.constant 1.000000e+00 : f32
      %broadcast_in_dim3A_192 = vector.broadcast %broadcast_in_dim3A_191 : f32 to vector<16xf32>
      tpu.vector_store_idx %arg14[%get3A_190], %broadcast_in_dim3A_192 {add = true} : memref<10240xf32, #tpu.memory_space<vmem>>[vector<16xi32>], vector<16xf32>,
      %add3A_193 = arith.constant 48 : i32
      %add3A_194 = arith.addi %mul3A_174, %add3A_193 : i32
      %get3A_195 = arith.index_cast %add3A_194 : i32 to index
      %get3A_196 = tpu.vector_load %arg9[%get3A_195] {strides = array<i32>} : memref<5120xi32, #tpu.memory_space<vmem>>, vector<16xi32>,
      %broadcast_in_dim3A_197 = arith.constant 1.000000e+00 : f32
      %broadcast_in_dim3A_198 = vector.broadcast %broadcast_in_dim3A_197 : f32 to vector<16xf32>
      tpu.vector_store_idx %arg14[%get3A_196], %broadcast_in_dim3A_198 {add = true} : memref<10240xf32, #tpu.memory_space<vmem>>[vector<16xi32>], vector<16xf32>,
      %add3A_199 = arith.constant 64 : i32
      %add3A_200 = arith.addi %mul3A_174, %add3A_199 : i32
      %get3A_201 = arith.index_cast %add3A_200 : i32 to index
      %get3A_202 = tpu.vector_load %arg9[%get3A_201] {strides = array<i32>} : memref<5120xi32, #tpu.memory_space<vmem>>, vector<16xi32>,
      %broadcast_in_dim3A_203 = arith.constant 1.000000e+00 : f32
      %broadcast_in_dim3A_204 = vector.broadcast %broadcast_in_dim3A_203 : f32 to vector<16xf32>
      tpu.vector_store_idx %arg14[%get3A_202], %broadcast_in_dim3A_204 {add = true} : memref<10240xf32, #tpu.memory_space<vmem>>[vector<16xi32>], vector<16xf32>,
      %add3A_205 = arith.constant 80 : i32
      %add3A_206 = arith.addi %mul3A_174, %add3A_205 : i32
      %get3A_207 = arith.index_cast %add3A_206 : i32 to index
      %get3A_208 = tpu.vector_load %arg9[%get3A_207] {strides = array<i32>} : memref<5120xi32, #tpu.memory_space<vmem>>, vector<16xi32>,
      %broadcast_in_dim3A_209 = arith.constant 1.000000e+00 : f32
      %broadcast_in_dim3A_210 = vector.broadcast %broadcast_in_dim3A_209 : f32 to vector<16xf32>
      tpu.vector_store_idx %arg14[%get3A_208], %broadcast_in_dim3A_210 {add = true} : memref<10240xf32, #tpu.memory_space<vmem>>[vector<16xi32>], vector<16xf32>,
      %add3A_211 = arith.constant 96 : i32
      %add3A_212 = arith.addi %mul3A_174, %add3A_211 : i32
      %get3A_213 = arith.index_cast %add3A_212 : i32 to index
      %get3A_214 = tpu.vector_load %arg9[%get3A_213] {strides = array<i32>} : memref<5120xi32, #tpu.memory_space<vmem>>, vector<16xi32>,
      %broadcast_in_dim3A_215 = arith.constant 1.000000e+00 : f32
      %broadcast_in_dim3A_216 = vector.broadcast %broadcast_in_dim3A_215 : f32 to vector<16xf32>
      tpu.vector_store_idx %arg14[%get3A_214], %broadcast_in_dim3A_216 {add = true} : memref<10240xf32, #tpu.memory_space<vmem>>[vector<16xi32>], vector<16xf32>,
      %add3A_217 = arith.constant 112 : i32
      %add3A_218 = arith.addi %mul3A_174, %add3A_217 : i32
      %get3A_219 = arith.index_cast %add3A_218 : i32 to index
      %get3A_220 = tpu.vector_load %arg9[%get3A_219] {strides = array<i32>} : memref<5120xi32, #tpu.memory_space<vmem>>, vector<16xi32>,
      %broadcast_in_dim3A_221 = arith.constant 1.000000e+00 : f32
      %broadcast_in_dim3A_222 = vector.broadcast %broadcast_in_dim3A_221 : f32 to vector<16xf32>
      tpu.vector_store_idx %arg14[%get3A_220], %broadcast_in_dim3A_222 {add = true} : memref<10240xf32, #tpu.memory_space<vmem>>[vector<16xi32>], vector<16xf32>,
      %add3A_223 = arith.constant 128 : i32
      %add3A_224 = arith.addi %mul3A_174, %add3A_223 : i32
      %get3A_225 = arith.index_cast %add3A_224 : i32 to index
      %get3A_226 = tpu.vector_load %arg9[%get3A_225] {strides = array<i32>} : memref<5120xi32, #tpu.memory_space<vmem>>, vector<16xi32>,
      %broadcast_in_dim3A_227 = arith.constant 1.000000e+00 : f32
      %broadcast_in_dim3A_228 = vector.broadcast %broadcast_in_dim3A_227 : f32 to vector<16xf32>
      tpu.vector_store_idx %arg14[%get3A_226], %broadcast_in_dim3A_228 {add = true} : memref<10240xf32, #tpu.memory_space<vmem>>[vector<16xi32>], vector<16xf32>,
      %add3A_229 = arith.constant 144 : i32
      %add3A_230 = arith.addi %mul3A_174, %add3A_229 : i32
      %get3A_231 = arith.index_cast %add3A_230 : i32 to index
      %get3A_232 = tpu.vector_load %arg9[%get3A_231] {strides = array<i32>} : memref<5120xi32, #tpu.memory_space<vmem>>, vector<16xi32>,
      %broadcast_in_dim3A_233 = arith.constant 1.000000e+00 : f32
      %broadcast_in_dim3A_234 = vector.broadcast %broadcast_in_dim3A_233 : f32 to vector<16xf32>
      tpu.vector_store_idx %arg14[%get3A_232], %broadcast_in_dim3A_234 {add = true} : memref<10240xf32, #tpu.memory_space<vmem>>[vector<16xi32>], vector<16xf32>,
    }
    %scan3A_44 = arith.constant 32 : i32
    %add3A_45 = arith.constant 5120 : i32
    %add3A_46 = arith.addi %mul3A_4, %add3A_45 : i32
    "tpu.region"() ({
      %run_scoped3A = tpu.sem_alloc : memref<!tpu.dma_semaphore, #tpu.memory_space<semaphore_mem>>
      %dma_start3A_109 = arith.constant 0 : i32
      %dma_start3A_110 = tpu.memref_slice %arg8[%dma_start3A_109] : memref<5120xi32, #tpu.memory_space<vmem>> -> memref<4880xi32, #tpu.memory_space<vmem>>
      %dma_start3A_111 = tpu.memref_slice %arg3[%add3A_46] : memref<320000xi32, #tpu.memory_space<hbm>> -> memref<4880xi32, #tpu.memory_space<hbm>>
      %dma_start3A_112 = arith.constant 0 : i32
      %dma_start3A_113 = tpu.memref_slice %arg8[%dma_start3A_112] : memref<5120xi32, #tpu.memory_space<vmem>> -> memref<4880xi32, #tpu.memory_space<vmem>>
      %dma_start3A_114 = tpu.memref_slice %arg3[%add3A_46] : memref<320000xi32, #tpu.memory_space<hbm>> -> memref<4880xi32, #tpu.memory_space<hbm>>
      tpu.enqueue_dma source(%dma_start3A_114 : memref<4880xi32, #tpu.memory_space<hbm>>) target(%dma_start3A_113 : memref<4880xi32, #tpu.memory_space<vmem>>) target_semaphore(%run_scoped3A : memref<!tpu.dma_semaphore, #tpu.memory_space<semaphore_mem>>)
      %dma_wait3A_115 = arith.constant 0 : i32
      %dma_wait3A_116 = tpu.memref_slice %arg8[%dma_wait3A_115] : memref<5120xi32, #tpu.memory_space<vmem>> -> memref<4880xi32, #tpu.memory_space<vmem>>
      %dma_wait3A_117 = tpu.memref_slice %arg3[%add3A_46] : memref<320000xi32, #tpu.memory_space<hbm>> -> memref<4880xi32, #tpu.memory_space<hbm>>
      %dma_wait3A_118 = arith.constant 0 : i32
      %dma_wait3A_119 = tpu.memref_slice %arg8[%dma_wait3A_118] : memref<5120xi32, #tpu.memory_space<vmem>> -> memref<4880xi32, #tpu.memory_space<vmem>>
      %dma_wait3A_120 = tpu.memref_slice %arg3[%add3A_46] : memref<320000xi32, #tpu.memory_space<hbm>> -> memref<4880xi32, #tpu.memory_space<hbm>>
      tpu.wait_dma2 semaphore(%run_scoped3A : memref<!tpu.dma_semaphore, #tpu.memory_space<semaphore_mem>>) src(%dma_wait3A_120 : memref<4880xi32, #tpu.memory_space<hbm>>) dst(%dma_wait3A_119 : memref<4880xi32, #tpu.memory_space<vmem>>)
      tpu.yield
    }) : () -> ()
    %add3A_47 = arith.constant 5120 : i32
    %add3A_48 = arith.addi %mul3A_4, %add3A_47 : i32
    "tpu.region"() ({
      %run_scoped3A = tpu.sem_alloc : memref<!tpu.dma_semaphore, #tpu.memory_space<semaphore_mem>>
      %dma_start3A_109 = arith.constant 0 : i32
      %dma_start3A_110 = tpu.memref_slice %arg9[%dma_start3A_109] : memref<5120xi32, #tpu.memory_space<vmem>> -> memref<4880xi32, #tpu.memory_space<vmem>>
      %dma_start3A_111 = tpu.memref_slice %arg4[%add3A_48] : memref<320000xi32, #tpu.memory_space<hbm>> -> memref<4880xi32, #tpu.memory_space<hbm>>
      %dma_start3A_112 = arith.constant 0 : i32
      %dma_start3A_113 = tpu.memref_slice %arg9[%dma_start3A_112] : memref<5120xi32, #tpu.memory_space<vmem>> -> memref<4880xi32, #tpu.memory_space<vmem>>
      %dma_start3A_114 = tpu.memref_slice %arg4[%add3A_48] : memref<320000xi32, #tpu.memory_space<hbm>> -> memref<4880xi32, #tpu.memory_space<hbm>>
      tpu.enqueue_dma source(%dma_start3A_114 : memref<4880xi32, #tpu.memory_space<hbm>>) target(%dma_start3A_113 : memref<4880xi32, #tpu.memory_space<vmem>>) target_semaphore(%run_scoped3A : memref<!tpu.dma_semaphore, #tpu.memory_space<semaphore_mem>>)
      %dma_wait3A_115 = arith.constant 0 : i32
      %dma_wait3A_116 = tpu.memref_slice %arg9[%dma_wait3A_115] : memref<5120xi32, #tpu.memory_space<vmem>> -> memref<4880xi32, #tpu.memory_space<vmem>>
      %dma_wait3A_117 = tpu.memref_slice %arg4[%add3A_48] : memref<320000xi32, #tpu.memory_space<hbm>> -> memref<4880xi32, #tpu.memory_space<hbm>>
      %dma_wait3A_118 = arith.constant 0 : i32
      %dma_wait3A_119 = tpu.memref_slice %arg9[%dma_wait3A_118] : memref<5120xi32, #tpu.memory_space<vmem>> -> memref<4880xi32, #tpu.memory_space<vmem>>
      %dma_wait3A_120 = tpu.memref_slice %arg4[%add3A_48] : memref<320000xi32, #tpu.memory_space<hbm>> -> memref<4880xi32, #tpu.memory_space<hbm>>
      tpu.wait_dma2 semaphore(%run_scoped3A : memref<!tpu.dma_semaphore, #tpu.memory_space<semaphore_mem>>) src(%dma_wait3A_120 : memref<4880xi32, #tpu.memory_space<hbm>>) dst(%dma_wait3A_119 : memref<4880xi32, #tpu.memory_space<vmem>>)
      tpu.yield
    }) : () -> ()
    %dma_start3A_49 = arith.constant 0 : i32
    %dma_start3A_50 = tpu.memref_slice %arg8[%dma_start3A_49] : memref<5120xi32, #tpu.memory_space<vmem>> -> memref<40xi32, #tpu.memory_space<vmem>>
    %dma_start3A_51 = arith.constant 0 : i32
    %dma_start3A_52 = arith.constant 0 : i32
    %dma_start3A_53 = tpu.memref_slice %arg2[%dma_start3A_51, %dma_start3A_52] : memref<10240x128xf32, #tpu.memory_space<hbm>> -> memref<10240x128xf32, #tpu.memory_space<hbm>>
    tpu.enqueue_indirect_dma source(%dma_start3A_53 : memref<10240x128xf32, #tpu.memory_space<hbm>>) target(%arg10 : memref<40x128xf32, #tpu.memory_space<vmem>>) offsets(%dma_start3A_50 : memref<40xi32, #tpu.memory_space<vmem>>) semaphore(%arg16 : memref<!tpu.dma_semaphore, #tpu.memory_space<semaphore_mem>>)
    %dma_start3A_54 = arith.constant 40 : i32
    %dma_start3A_55 = tpu.memref_slice %arg8[%dma_start3A_54] : memref<5120xi32, #tpu.memory_space<vmem>> -> memref<40xi32, #tpu.memory_space<vmem>>
    %dma_start3A_56 = arith.constant 0 : i32
    %dma_start3A_57 = arith.constant 0 : i32
    %dma_start3A_58 = tpu.memref_slice %arg2[%dma_start3A_56, %dma_start3A_57] : memref<10240x128xf32, #tpu.memory_space<hbm>> -> memref<10240x128xf32, #tpu.memory_space<hbm>>
    tpu.enqueue_indirect_dma source(%dma_start3A_58 : memref<10240x128xf32, #tpu.memory_space<hbm>>) target(%arg11 : memref<40x128xf32, #tpu.memory_space<vmem>>) offsets(%dma_start3A_55 : memref<40xi32, #tpu.memory_space<vmem>>) semaphore(%arg17 : memref<!tpu.dma_semaphore, #tpu.memory_space<semaphore_mem>>)
    %dma_start3A_59 = arith.constant 80 : i32
    %dma_start3A_60 = tpu.memref_slice %arg8[%dma_start3A_59] : memref<5120xi32, #tpu.memory_space<vmem>> -> memref<40xi32, #tpu.memory_space<vmem>>
    %dma_start3A_61 = arith.constant 0 : i32
    %dma_start3A_62 = arith.constant 0 : i32
    %dma_start3A_63 = tpu.memref_slice %arg2[%dma_start3A_61, %dma_start3A_62] : memref<10240x128xf32, #tpu.memory_space<hbm>> -> memref<10240x128xf32, #tpu.memory_space<hbm>>
    tpu.enqueue_indirect_dma source(%dma_start3A_63 : memref<10240x128xf32, #tpu.memory_space<hbm>>) target(%arg12 : memref<40x128xf32, #tpu.memory_space<vmem>>) offsets(%dma_start3A_60 : memref<40xi32, #tpu.memory_space<vmem>>) semaphore(%arg18 : memref<!tpu.dma_semaphore, #tpu.memory_space<semaphore_mem>>)
    %dma_start3A_64 = arith.constant 120 : i32
    %dma_start3A_65 = tpu.memref_slice %arg8[%dma_start3A_64] : memref<5120xi32, #tpu.memory_space<vmem>> -> memref<40xi32, #tpu.memory_space<vmem>>
    %dma_start3A_66 = arith.constant 0 : i32
    %dma_start3A_67 = arith.constant 0 : i32
    %dma_start3A_68 = tpu.memref_slice %arg2[%dma_start3A_66, %dma_start3A_67] : memref<10240x128xf32, #tpu.memory_space<hbm>> -> memref<10240x128xf32, #tpu.memory_space<hbm>>
    tpu.enqueue_indirect_dma source(%dma_start3A_68 : memref<10240x128xf32, #tpu.memory_space<hbm>>) target(%arg13 : memref<40x128xf32, #tpu.memory_space<vmem>>) offsets(%dma_start3A_65 : memref<40xi32, #tpu.memory_space<vmem>>) semaphore(%arg19 : memref<!tpu.dma_semaphore, #tpu.memory_space<semaphore_mem>>)
    %scan3A_69 = arith.constant 0 : i32
    %scan3A_70 = arith.constant 0 : i32
    %scan3A_71 = arith.constant 30 : i32
    %scan3A_72 = arith.addi %scan3A_70, %scan3A_71 : i32
    %scan3A_73 = arith.constant 1 : i32
    scf.for %scan3A_109 = %scan3A_70 to %scan3A_72 step %scan3A_73  : i32 {
      %mul3A_110 = arith.constant 4 : i32
      %mul3A_111 = arith.muli %scan3A_109, %mul3A_110 : i32
      %add3A_112 = arith.constant 0 : i32
      %add3A_113 = arith.addi %mul3A_111, %add3A_112 : i32
      %mul3A_114 = arith.constant 40 : i32
      %mul3A_115 = arith.muli %add3A_113, %mul3A_114 : i32
      %dma_wait3A_116 = arith.constant 0 : i32
      %dma_wait3A_117 = tpu.memref_slice %arg8[%dma_wait3A_116] : memref<5120xi32, #tpu.memory_space<vmem>> -> memref<40xi32, #tpu.memory_space<vmem>>
      %dma_wait3A_118 = arith.constant 0 : i32
      %dma_wait3A_119 = arith.constant 0 : i32
      %dma_wait3A_120 = tpu.memref_slice %arg2[%dma_wait3A_118, %dma_wait3A_119] : memref<10240x128xf32, #tpu.memory_space<hbm>> -> memref<10240x128xf32, #tpu.memory_space<hbm>>
      tpu.wait_indirect_dma semaphore(%arg16 : memref<!tpu.dma_semaphore, #tpu.memory_space<semaphore_mem>>) src(%dma_wait3A_120 : memref<10240x128xf32, #tpu.memory_space<hbm>>) dst(%arg10 : memref<40x128xf32, #tpu.memory_space<vmem>>)
      "tpu.region"() ({
        %run_scoped3A = tpu.sem_alloc : memref<!tpu.dma_semaphore, #tpu.memory_space<semaphore_mem>>
        %dma_start3A_235 = tpu.memref_slice %arg9[%mul3A_115] : memref<5120xi32, #tpu.memory_space<vmem>> -> memref<40xi32, #tpu.memory_space<vmem>>
        %dma_start3A_236 = arith.constant 0 : i32
        %dma_start3A_237 = arith.constant 0 : i32
        %dma_start3A_238 = tpu.memref_slice %arg15[%dma_start3A_236, %dma_start3A_237] : memref<10240x128xf32, #tpu.memory_space<vmem_shared>> -> memref<10240x128xf32, #tpu.memory_space<vmem_shared>>
        tpu.enqueue_indirect_dma source(%arg10 : memref<40x128xf32, #tpu.memory_space<vmem>>) target(%dma_start3A_238 : memref<10240x128xf32, #tpu.memory_space<vmem_shared>>) offsets(%dma_start3A_235 : memref<40xi32, #tpu.memory_space<vmem>>) semaphore(%run_scoped3A : memref<!tpu.dma_semaphore, #tpu.memory_space<semaphore_mem>>) {add = true}
        %dma_wait3A_239 = tpu.memref_slice %arg9[%mul3A_115] : memref<5120xi32, #tpu.memory_space<vmem>> -> memref<40xi32, #tpu.memory_space<vmem>>
        %dma_wait3A_240 = arith.constant 0 : i32
        %dma_wait3A_241 = arith.constant 0 : i32
        %dma_wait3A_242 = tpu.memref_slice %arg15[%dma_wait3A_240, %dma_wait3A_241] : memref<10240x128xf32, #tpu.memory_space<vmem_shared>> -> memref<10240x128xf32, #tpu.memory_space<vmem_shared>>
        tpu.wait_indirect_dma semaphore(%run_scoped3A : memref<!tpu.dma_semaphore, #tpu.memory_space<semaphore_mem>>) src(%arg10 : memref<40x128xf32, #tpu.memory_space<vmem>>) dst(%dma_wait3A_242 : memref<10240x128xf32, #tpu.memory_space<vmem_shared>>)
        tpu.yield
      }) : () -> ()
      %add3A_121 = arith.constant 4 : i32
      %add3A_122 = arith.addi %add3A_113, %add3A_121 : i32
      %lt3A = arith.constant 122 : i32
      %lt3A_123 = arith.cmpi slt, %add3A_122, %lt3A : i32
      %convert_element_type3A = arith.extui %lt3A_123 : i1 to i32
      %cond3A = arith.constant 0 : i32
      %cond3A_124 = arith.cmpi ne, %convert_element_type3A, %cond3A : i32
      scf.if %cond3A_124 {
        %add3A_235 = arith.constant 4 : i32
        %add3A_236 = arith.addi %add3A_113, %add3A_235 : i32
        %mul3A_237 = arith.constant 40 : i32
        %mul3A_238 = arith.muli %add3A_236, %mul3A_237 : i32
        %dma_start3A_239 = tpu.memref_slice %arg8[%mul3A_238] : memref<5120xi32, #tpu.memory_space<vmem>> -> memref<40xi32, #tpu.memory_space<vmem>>
        %dma_start3A_240 = arith.constant 0 : i32
        %dma_start3A_241 = arith.constant 0 : i32
        %dma_start3A_242 = tpu.memref_slice %arg2[%dma_start3A_240, %dma_start3A_241] : memref<10240x128xf32, #tpu.memory_space<hbm>> -> memref<10240x128xf32, #tpu.memory_space<hbm>>
        tpu.enqueue_indirect_dma source(%dma_start3A_242 : memref<10240x128xf32, #tpu.memory_space<hbm>>) target(%arg10 : memref<40x128xf32, #tpu.memory_space<vmem>>) offsets(%dma_start3A_239 : memref<40xi32, #tpu.memory_space<vmem>>) semaphore(%arg16 : memref<!tpu.dma_semaphore, #tpu.memory_space<semaphore_mem>>)
      } else {
      }
      %add3A_125 = arith.constant 1 : i32
      %add3A_126 = arith.addi %mul3A_111, %add3A_125 : i32
      %mul3A_127 = arith.constant 40 : i32
      %mul3A_128 = arith.muli %add3A_126, %mul3A_127 : i32
      %dma_wait3A_129 = arith.constant 0 : i32
      %dma_wait3A_130 = tpu.memref_slice %arg8[%dma_wait3A_129] : memref<5120xi32, #tpu.memory_space<vmem>> -> memref<40xi32, #tpu.memory_space<vmem>>
      %dma_wait3A_131 = arith.constant 0 : i32
      %dma_wait3A_132 = arith.constant 0 : i32
      %dma_wait3A_133 = tpu.memref_slice %arg2[%dma_wait3A_131, %dma_wait3A_132] : memref<10240x128xf32, #tpu.memory_space<hbm>> -> memref<10240x128xf32, #tpu.memory_space<hbm>>
      tpu.wait_indirect_dma semaphore(%arg17 : memref<!tpu.dma_semaphore, #tpu.memory_space<semaphore_mem>>) src(%dma_wait3A_133 : memref<10240x128xf32, #tpu.memory_space<hbm>>) dst(%arg11 : memref<40x128xf32, #tpu.memory_space<vmem>>)
      "tpu.region"() ({
        %run_scoped3A = tpu.sem_alloc : memref<!tpu.dma_semaphore, #tpu.memory_space<semaphore_mem>>
        %dma_start3A_235 = tpu.memref_slice %arg9[%mul3A_128] : memref<5120xi32, #tpu.memory_space<vmem>> -> memref<40xi32, #tpu.memory_space<vmem>>
        %dma_start3A_236 = arith.constant 0 : i32
        %dma_start3A_237 = arith.constant 0 : i32
        %dma_start3A_238 = tpu.memref_slice %arg15[%dma_start3A_236, %dma_start3A_237] : memref<10240x128xf32, #tpu.memory_space<vmem_shared>> -> memref<10240x128xf32, #tpu.memory_space<vmem_shared>>
        tpu.enqueue_indirect_dma source(%arg11 : memref<40x128xf32, #tpu.memory_space<vmem>>) target(%dma_start3A_238 : memref<10240x128xf32, #tpu.memory_space<vmem_shared>>) offsets(%dma_start3A_235 : memref<40xi32, #tpu.memory_space<vmem>>) semaphore(%run_scoped3A : memref<!tpu.dma_semaphore, #tpu.memory_space<semaphore_mem>>) {add = true}
        %dma_wait3A_239 = tpu.memref_slice %arg9[%mul3A_128] : memref<5120xi32, #tpu.memory_space<vmem>> -> memref<40xi32, #tpu.memory_space<vmem>>
        %dma_wait3A_240 = arith.constant 0 : i32
        %dma_wait3A_241 = arith.constant 0 : i32
        %dma_wait3A_242 = tpu.memref_slice %arg15[%dma_wait3A_240, %dma_wait3A_241] : memref<10240x128xf32, #tpu.memory_space<vmem_shared>> -> memref<10240x128xf32, #tpu.memory_space<vmem_shared>>
        tpu.wait_indirect_dma semaphore(%run_scoped3A : memref<!tpu.dma_semaphore, #tpu.memory_space<semaphore_mem>>) src(%arg11 : memref<40x128xf32, #tpu.memory_space<vmem>>) dst(%dma_wait3A_242 : memref<10240x128xf32, #tpu.memory_space<vmem_shared>>)
        tpu.yield
      }) : () -> ()
      %add3A_134 = arith.constant 4 : i32
      %add3A_135 = arith.addi %add3A_126, %add3A_134 : i32
      %lt3A_136 = arith.constant 122 : i32
      %lt3A_137 = arith.cmpi slt, %add3A_135, %lt3A_136 : i32
      %convert_element_type3A_138 = arith.extui %lt3A_137 : i1 to i32
      %cond3A_139 = arith.constant 0 : i32
      %cond3A_140 = arith.cmpi ne, %convert_element_type3A_138, %cond3A_139 : i32
      scf.if %cond3A_140 {
        %add3A_235 = arith.constant 4 : i32
        %add3A_236 = arith.addi %add3A_126, %add3A_235 : i32
        %mul3A_237 = arith.constant 40 : i32
        %mul3A_238 = arith.muli %add3A_236, %mul3A_237 : i32
        %dma_start3A_239 = tpu.memref_slice %arg8[%mul3A_238] : memref<5120xi32, #tpu.memory_space<vmem>> -> memref<40xi32, #tpu.memory_space<vmem>>
        %dma_start3A_240 = arith.constant 0 : i32
        %dma_start3A_241 = arith.constant 0 : i32
        %dma_start3A_242 = tpu.memref_slice %arg2[%dma_start3A_240, %dma_start3A_241] : memref<10240x128xf32, #tpu.memory_space<hbm>> -> memref<10240x128xf32, #tpu.memory_space<hbm>>
        tpu.enqueue_indirect_dma source(%dma_start3A_242 : memref<10240x128xf32, #tpu.memory_space<hbm>>) target(%arg11 : memref<40x128xf32, #tpu.memory_space<vmem>>) offsets(%dma_start3A_239 : memref<40xi32, #tpu.memory_space<vmem>>) semaphore(%arg17 : memref<!tpu.dma_semaphore, #tpu.memory_space<semaphore_mem>>)
      } else {
      }
      %add3A_141 = arith.constant 2 : i32
      %add3A_142 = arith.addi %mul3A_111, %add3A_141 : i32
      %mul3A_143 = arith.constant 40 : i32
      %mul3A_144 = arith.muli %add3A_142, %mul3A_143 : i32
      %dma_wait3A_145 = arith.constant 0 : i32
      %dma_wait3A_146 = tpu.memref_slice %arg8[%dma_wait3A_145] : memref<5120xi32, #tpu.memory_space<vmem>> -> memref<40xi32, #tpu.memory_space<vmem>>
      %dma_wait3A_147 = arith.constant 0 : i32
      %dma_wait3A_148 = arith.constant 0 : i32
      %dma_wait3A_149 = tpu.memref_slice %arg2[%dma_wait3A_147, %dma_wait3A_148] : memref<10240x128xf32, #tpu.memory_space<hbm>> -> memref<10240x128xf32, #tpu.memory_space<hbm>>
      tpu.wait_indirect_dma semaphore(%arg18 : memref<!tpu.dma_semaphore, #tpu.memory_space<semaphore_mem>>) src(%dma_wait3A_149 : memref<10240x128xf32, #tpu.memory_space<hbm>>) dst(%arg12 : memref<40x128xf32, #tpu.memory_space<vmem>>)
      "tpu.region"() ({
        %run_scoped3A = tpu.sem_alloc : memref<!tpu.dma_semaphore, #tpu.memory_space<semaphore_mem>>
        %dma_start3A_235 = tpu.memref_slice %arg9[%mul3A_144] : memref<5120xi32, #tpu.memory_space<vmem>> -> memref<40xi32, #tpu.memory_space<vmem>>
        %dma_start3A_236 = arith.constant 0 : i32
        %dma_start3A_237 = arith.constant 0 : i32
        %dma_start3A_238 = tpu.memref_slice %arg15[%dma_start3A_236, %dma_start3A_237] : memref<10240x128xf32, #tpu.memory_space<vmem_shared>> -> memref<10240x128xf32, #tpu.memory_space<vmem_shared>>
        tpu.enqueue_indirect_dma source(%arg12 : memref<40x128xf32, #tpu.memory_space<vmem>>) target(%dma_start3A_238 : memref<10240x128xf32, #tpu.memory_space<vmem_shared>>) offsets(%dma_start3A_235 : memref<40xi32, #tpu.memory_space<vmem>>) semaphore(%run_scoped3A : memref<!tpu.dma_semaphore, #tpu.memory_space<semaphore_mem>>) {add = true}
        %dma_wait3A_239 = tpu.memref_slice %arg9[%mul3A_144] : memref<5120xi32, #tpu.memory_space<vmem>> -> memref<40xi32, #tpu.memory_space<vmem>>
        %dma_wait3A_240 = arith.constant 0 : i32
        %dma_wait3A_241 = arith.constant 0 : i32
        %dma_wait3A_242 = tpu.memref_slice %arg15[%dma_wait3A_240, %dma_wait3A_241] : memref<10240x128xf32, #tpu.memory_space<vmem_shared>> -> memref<10240x128xf32, #tpu.memory_space<vmem_shared>>
        tpu.wait_indirect_dma semaphore(%run_scoped3A : memref<!tpu.dma_semaphore, #tpu.memory_space<semaphore_mem>>) src(%arg12 : memref<40x128xf32, #tpu.memory_space<vmem>>) dst(%dma_wait3A_242 : memref<10240x128xf32, #tpu.memory_space<vmem_shared>>)
        tpu.yield
      }) : () -> ()
      %add3A_150 = arith.constant 4 : i32
      %add3A_151 = arith.addi %add3A_142, %add3A_150 : i32
      %lt3A_152 = arith.constant 122 : i32
      %lt3A_153 = arith.cmpi slt, %add3A_151, %lt3A_152 : i32
      %convert_element_type3A_154 = arith.extui %lt3A_153 : i1 to i32
      %cond3A_155 = arith.constant 0 : i32
      %cond3A_156 = arith.cmpi ne, %convert_element_type3A_154, %cond3A_155 : i32
      scf.if %cond3A_156 {
        %add3A_235 = arith.constant 4 : i32
        %add3A_236 = arith.addi %add3A_142, %add3A_235 : i32
        %mul3A_237 = arith.constant 40 : i32
        %mul3A_238 = arith.muli %add3A_236, %mul3A_237 : i32
        %dma_start3A_239 = tpu.memref_slice %arg8[%mul3A_238] : memref<5120xi32, #tpu.memory_space<vmem>> -> memref<40xi32, #tpu.memory_space<vmem>>
        %dma_start3A_240 = arith.constant 0 : i32
        %dma_start3A_241 = arith.constant 0 : i32
        %dma_start3A_242 = tpu.memref_slice %arg2[%dma_start3A_240, %dma_start3A_241] : memref<10240x128xf32, #tpu.memory_space<hbm>> -> memref<10240x128xf32, #tpu.memory_space<hbm>>
        tpu.enqueue_indirect_dma source(%dma_start3A_242 : memref<10240x128xf32, #tpu.memory_space<hbm>>) target(%arg12 : memref<40x128xf32, #tpu.memory_space<vmem>>) offsets(%dma_start3A_239 : memref<40xi32, #tpu.memory_space<vmem>>) semaphore(%arg18 : memref<!tpu.dma_semaphore, #tpu.memory_space<semaphore_mem>>)
      } else {
      }
      %add3A_157 = arith.constant 3 : i32
      %add3A_158 = arith.addi %mul3A_111, %add3A_157 : i32
      %mul3A_159 = arith.constant 40 : i32
      %mul3A_160 = arith.muli %add3A_158, %mul3A_159 : i32
      %dma_wait3A_161 = arith.constant 0 : i32
      %dma_wait3A_162 = tpu.memref_slice %arg8[%dma_wait3A_161] : memref<5120xi32, #tpu.memory_space<vmem>> -> memref<40xi32, #tpu.memory_space<vmem>>
      %dma_wait3A_163 = arith.constant 0 : i32
      %dma_wait3A_164 = arith.constant 0 : i32
      %dma_wait3A_165 = tpu.memref_slice %arg2[%dma_wait3A_163, %dma_wait3A_164] : memref<10240x128xf32, #tpu.memory_space<hbm>> -> memref<10240x128xf32, #tpu.memory_space<hbm>>
      tpu.wait_indirect_dma semaphore(%arg19 : memref<!tpu.dma_semaphore, #tpu.memory_space<semaphore_mem>>) src(%dma_wait3A_165 : memref<10240x128xf32, #tpu.memory_space<hbm>>) dst(%arg13 : memref<40x128xf32, #tpu.memory_space<vmem>>)
      "tpu.region"() ({
        %run_scoped3A = tpu.sem_alloc : memref<!tpu.dma_semaphore, #tpu.memory_space<semaphore_mem>>
        %dma_start3A_235 = tpu.memref_slice %arg9[%mul3A_160] : memref<5120xi32, #tpu.memory_space<vmem>> -> memref<40xi32, #tpu.memory_space<vmem>>
        %dma_start3A_236 = arith.constant 0 : i32
        %dma_start3A_237 = arith.constant 0 : i32
        %dma_start3A_238 = tpu.memref_slice %arg15[%dma_start3A_236, %dma_start3A_237] : memref<10240x128xf32, #tpu.memory_space<vmem_shared>> -> memref<10240x128xf32, #tpu.memory_space<vmem_shared>>
        tpu.enqueue_indirect_dma source(%arg13 : memref<40x128xf32, #tpu.memory_space<vmem>>) target(%dma_start3A_238 : memref<10240x128xf32, #tpu.memory_space<vmem_shared>>) offsets(%dma_start3A_235 : memref<40xi32, #tpu.memory_space<vmem>>) semaphore(%run_scoped3A : memref<!tpu.dma_semaphore, #tpu.memory_space<semaphore_mem>>) {add = true}
        %dma_wait3A_239 = tpu.memref_slice %arg9[%mul3A_160] : memref<5120xi32, #tpu.memory_space<vmem>> -> memref<40xi32, #tpu.memory_space<vmem>>
        %dma_wait3A_240 = arith.constant 0 : i32
        %dma_wait3A_241 = arith.constant 0 : i32
        %dma_wait3A_242 = tpu.memref_slice %arg15[%dma_wait3A_240, %dma_wait3A_241] : memref<10240x128xf32, #tpu.memory_space<vmem_shared>> -> memref<10240x128xf32, #tpu.memory_space<vmem_shared>>
        tpu.wait_indirect_dma semaphore(%run_scoped3A : memref<!tpu.dma_semaphore, #tpu.memory_space<semaphore_mem>>) src(%arg13 : memref<40x128xf32, #tpu.memory_space<vmem>>) dst(%dma_wait3A_242 : memref<10240x128xf32, #tpu.memory_space<vmem_shared>>)
        tpu.yield
      }) : () -> ()
      %add3A_166 = arith.constant 4 : i32
      %add3A_167 = arith.addi %add3A_158, %add3A_166 : i32
      %lt3A_168 = arith.constant 122 : i32
      %lt3A_169 = arith.cmpi slt, %add3A_167, %lt3A_168 : i32
      %convert_element_type3A_170 = arith.extui %lt3A_169 : i1 to i32
      %cond3A_171 = arith.constant 0 : i32
      %cond3A_172 = arith.cmpi ne, %convert_element_type3A_170, %cond3A_171 : i32
      scf.if %cond3A_172 {
        %add3A_235 = arith.constant 4 : i32
        %add3A_236 = arith.addi %add3A_158, %add3A_235 : i32
        %mul3A_237 = arith.constant 40 : i32
        %mul3A_238 = arith.muli %add3A_236, %mul3A_237 : i32
        %dma_start3A_239 = tpu.memref_slice %arg8[%mul3A_238] : memref<5120xi32, #tpu.memory_space<vmem>> -> memref<40xi32, #tpu.memory_space<vmem>>
        %dma_start3A_240 = arith.constant 0 : i32
        %dma_start3A_241 = arith.constant 0 : i32
        %dma_start3A_242 = tpu.memref_slice %arg2[%dma_start3A_240, %dma_start3A_241] : memref<10240x128xf32, #tpu.memory_space<hbm>> -> memref<10240x128xf32, #tpu.memory_space<hbm>>
        tpu.enqueue_indirect_dma source(%dma_start3A_242 : memref<10240x128xf32, #tpu.memory_space<hbm>>) target(%arg13 : memref<40x128xf32, #tpu.memory_space<vmem>>) offsets(%dma_start3A_239 : memref<40xi32, #tpu.memory_space<vmem>>) semaphore(%arg19 : memref<!tpu.dma_semaphore, #tpu.memory_space<semaphore_mem>>)
      } else {
      }
      %mul3A_173 = arith.constant 40 : i32
      %mul3A_174 = arith.muli %mul3A_111, %mul3A_173 : i32
      %add3A_175 = arith.constant 0 : i32
      %add3A_176 = arith.addi %mul3A_174, %add3A_175 : i32
      %get3A_177 = arith.index_cast %add3A_176 : i32 to index
      %get3A_178 = tpu.vector_load %arg9[%get3A_177] {strides = array<i32>} : memref<5120xi32, #tpu.memory_space<vmem>>, vector<16xi32>,
      %broadcast_in_dim3A_179 = arith.constant 1.000000e+00 : f32
      %broadcast_in_dim3A_180 = vector.broadcast %broadcast_in_dim3A_179 : f32 to vector<16xf32>
      tpu.vector_store_idx %arg14[%get3A_178], %broadcast_in_dim3A_180 {add = true} : memref<10240xf32, #tpu.memory_space<vmem>>[vector<16xi32>], vector<16xf32>,
      %add3A_181 = arith.constant 16 : i32
      %add3A_182 = arith.addi %mul3A_174, %add3A_181 : i32
      %get3A_183 = arith.index_cast %add3A_182 : i32 to index
      %get3A_184 = tpu.vector_load %arg9[%get3A_183] {strides = array<i32>} : memref<5120xi32, #tpu.memory_space<vmem>>, vector<16xi32>,
      %broadcast_in_dim3A_185 = arith.constant 1.000000e+00 : f32
      %broadcast_in_dim3A_186 = vector.broadcast %broadcast_in_dim3A_185 : f32 to vector<16xf32>
      tpu.vector_store_idx %arg14[%get3A_184], %broadcast_in_dim3A_186 {add = true} : memref<10240xf32, #tpu.memory_space<vmem>>[vector<16xi32>], vector<16xf32>,
      %add3A_187 = arith.constant 32 : i32
      %add3A_188 = arith.addi %mul3A_174, %add3A_187 : i32
      %get3A_189 = arith.index_cast %add3A_188 : i32 to index
      %get3A_190 = tpu.vector_load %arg9[%get3A_189] {strides = array<i32>} : memref<5120xi32, #tpu.memory_space<vmem>>, vector<16xi32>,
      %broadcast_in_dim3A_191 = arith.constant 1.000000e+00 : f32
      %broadcast_in_dim3A_192 = vector.broadcast %broadcast_in_dim3A_191 : f32 to vector<16xf32>
      tpu.vector_store_idx %arg14[%get3A_190], %broadcast_in_dim3A_192 {add = true} : memref<10240xf32, #tpu.memory_space<vmem>>[vector<16xi32>], vector<16xf32>,
      %add3A_193 = arith.constant 48 : i32
      %add3A_194 = arith.addi %mul3A_174, %add3A_193 : i32
      %get3A_195 = arith.index_cast %add3A_194 : i32 to index
      %get3A_196 = tpu.vector_load %arg9[%get3A_195] {strides = array<i32>} : memref<5120xi32, #tpu.memory_space<vmem>>, vector<16xi32>,
      %broadcast_in_dim3A_197 = arith.constant 1.000000e+00 : f32
      %broadcast_in_dim3A_198 = vector.broadcast %broadcast_in_dim3A_197 : f32 to vector<16xf32>
      tpu.vector_store_idx %arg14[%get3A_196], %broadcast_in_dim3A_198 {add = true} : memref<10240xf32, #tpu.memory_space<vmem>>[vector<16xi32>], vector<16xf32>,
      %add3A_199 = arith.constant 64 : i32
      %add3A_200 = arith.addi %mul3A_174, %add3A_199 : i32
      %get3A_201 = arith.index_cast %add3A_200 : i32 to index
      %get3A_202 = tpu.vector_load %arg9[%get3A_201] {strides = array<i32>} : memref<5120xi32, #tpu.memory_space<vmem>>, vector<16xi32>,
      %broadcast_in_dim3A_203 = arith.constant 1.000000e+00 : f32
      %broadcast_in_dim3A_204 = vector.broadcast %broadcast_in_dim3A_203 : f32 to vector<16xf32>
      tpu.vector_store_idx %arg14[%get3A_202], %broadcast_in_dim3A_204 {add = true} : memref<10240xf32, #tpu.memory_space<vmem>>[vector<16xi32>], vector<16xf32>,
      %add3A_205 = arith.constant 80 : i32
      %add3A_206 = arith.addi %mul3A_174, %add3A_205 : i32
      %get3A_207 = arith.index_cast %add3A_206 : i32 to index
      %get3A_208 = tpu.vector_load %arg9[%get3A_207] {strides = array<i32>} : memref<5120xi32, #tpu.memory_space<vmem>>, vector<16xi32>,
      %broadcast_in_dim3A_209 = arith.constant 1.000000e+00 : f32
      %broadcast_in_dim3A_210 = vector.broadcast %broadcast_in_dim3A_209 : f32 to vector<16xf32>
      tpu.vector_store_idx %arg14[%get3A_208], %broadcast_in_dim3A_210 {add = true} : memref<10240xf32, #tpu.memory_space<vmem>>[vector<16xi32>], vector<16xf32>,
      %add3A_211 = arith.constant 96 : i32
      %add3A_212 = arith.addi %mul3A_174, %add3A_211 : i32
      %get3A_213 = arith.index_cast %add3A_212 : i32 to index
      %get3A_214 = tpu.vector_load %arg9[%get3A_213] {strides = array<i32>} : memref<5120xi32, #tpu.memory_space<vmem>>, vector<16xi32>,
      %broadcast_in_dim3A_215 = arith.constant 1.000000e+00 : f32
      %broadcast_in_dim3A_216 = vector.broadcast %broadcast_in_dim3A_215 : f32 to vector<16xf32>
      tpu.vector_store_idx %arg14[%get3A_214], %broadcast_in_dim3A_216 {add = true} : memref<10240xf32, #tpu.memory_space<vmem>>[vector<16xi32>], vector<16xf32>,
      %add3A_217 = arith.constant 112 : i32
      %add3A_218 = arith.addi %mul3A_174, %add3A_217 : i32
      %get3A_219 = arith.index_cast %add3A_218 : i32 to index
      %get3A_220 = tpu.vector_load %arg9[%get3A_219] {strides = array<i32>} : memref<5120xi32, #tpu.memory_space<vmem>>, vector<16xi32>,
      %broadcast_in_dim3A_221 = arith.constant 1.000000e+00 : f32
      %broadcast_in_dim3A_222 = vector.broadcast %broadcast_in_dim3A_221 : f32 to vector<16xf32>
      tpu.vector_store_idx %arg14[%get3A_220], %broadcast_in_dim3A_222 {add = true} : memref<10240xf32, #tpu.memory_space<vmem>>[vector<16xi32>], vector<16xf32>,
      %add3A_223 = arith.constant 128 : i32
      %add3A_224 = arith.addi %mul3A_174, %add3A_223 : i32
      %get3A_225 = arith.index_cast %add3A_224 : i32 to index
      %get3A_226 = tpu.vector_load %arg9[%get3A_225] {strides = array<i32>} : memref<5120xi32, #tpu.memory_space<vmem>>, vector<16xi32>,
      %broadcast_in_dim3A_227 = arith.constant 1.000000e+00 : f32
      %broadcast_in_dim3A_228 = vector.broadcast %broadcast_in_dim3A_227 : f32 to vector<16xf32>
      tpu.vector_store_idx %arg14[%get3A_226], %broadcast_in_dim3A_228 {add = true} : memref<10240xf32, #tpu.memory_space<vmem>>[vector<16xi32>], vector<16xf32>,
      %add3A_229 = arith.constant 144 : i32
      %add3A_230 = arith.addi %mul3A_174, %add3A_229 : i32
      %get3A_231 = arith.index_cast %add3A_230 : i32 to index
      %get3A_232 = tpu.vector_load %arg9[%get3A_231] {strides = array<i32>} : memref<5120xi32, #tpu.memory_space<vmem>>, vector<16xi32>,
      %broadcast_in_dim3A_233 = arith.constant 1.000000e+00 : f32
      %broadcast_in_dim3A_234 = vector.broadcast %broadcast_in_dim3A_233 : f32 to vector<16xf32>
      tpu.vector_store_idx %arg14[%get3A_232], %broadcast_in_dim3A_234 {add = true} : memref<10240xf32, #tpu.memory_space<vmem>>[vector<16xi32>], vector<16xf32>,
    }
    %scan3A_74 = arith.constant 30 : i32
    %dma_wait3A = arith.constant 0 : i32
    %dma_wait3A_75 = tpu.memref_slice %arg8[%dma_wait3A] : memref<5120xi32, #tpu.memory_space<vmem>> -> memref<40xi32, #tpu.memory_space<vmem>>
    %dma_wait3A_76 = arith.constant 0 : i32
    %dma_wait3A_77 = arith.constant 0 : i32
    %dma_wait3A_78 = tpu.memref_slice %arg2[%dma_wait3A_76, %dma_wait3A_77] : memref<10240x128xf32, #tpu.memory_space<hbm>> -> memref<10240x128xf32, #tpu.memory_space<hbm>>
    tpu.wait_indirect_dma semaphore(%arg16 : memref<!tpu.dma_semaphore, #tpu.memory_space<semaphore_mem>>) src(%dma_wait3A_78 : memref<10240x128xf32, #tpu.memory_space<hbm>>) dst(%arg10 : memref<40x128xf32, #tpu.memory_space<vmem>>)
    "tpu.region"() ({
      %run_scoped3A = tpu.sem_alloc : memref<!tpu.dma_semaphore, #tpu.memory_space<semaphore_mem>>
      %dma_start3A_109 = arith.constant 4800 : i32
      %dma_start3A_110 = tpu.memref_slice %arg9[%dma_start3A_109] : memref<5120xi32, #tpu.memory_space<vmem>> -> memref<40xi32, #tpu.memory_space<vmem>>
      %dma_start3A_111 = arith.constant 0 : i32
      %dma_start3A_112 = arith.constant 0 : i32
      %dma_start3A_113 = tpu.memref_slice %arg15[%dma_start3A_111, %dma_start3A_112] : memref<10240x128xf32, #tpu.memory_space<vmem_shared>> -> memref<10240x128xf32, #tpu.memory_space<vmem_shared>>
      tpu.enqueue_indirect_dma source(%arg10 : memref<40x128xf32, #tpu.memory_space<vmem>>) target(%dma_start3A_113 : memref<10240x128xf32, #tpu.memory_space<vmem_shared>>) offsets(%dma_start3A_110 : memref<40xi32, #tpu.memory_space<vmem>>) semaphore(%run_scoped3A : memref<!tpu.dma_semaphore, #tpu.memory_space<semaphore_mem>>) {add = true}
      %dma_wait3A_114 = arith.constant 4800 : i32
      %dma_wait3A_115 = tpu.memref_slice %arg9[%dma_wait3A_114] : memref<5120xi32, #tpu.memory_space<vmem>> -> memref<40xi32, #tpu.memory_space<vmem>>
      %dma_wait3A_116 = arith.constant 0 : i32
      %dma_wait3A_117 = arith.constant 0 : i32
      %dma_wait3A_118 = tpu.memref_slice %arg15[%dma_wait3A_116, %dma_wait3A_117] : memref<10240x128xf32, #tpu.memory_space<vmem_shared>> -> memref<10240x128xf32, #tpu.memory_space<vmem_shared>>
      tpu.wait_indirect_dma semaphore(%run_scoped3A : memref<!tpu.dma_semaphore, #tpu.memory_space<semaphore_mem>>) src(%arg10 : memref<40x128xf32, #tpu.memory_space<vmem>>) dst(%dma_wait3A_118 : memref<10240x128xf32, #tpu.memory_space<vmem_shared>>)
      tpu.yield
    }) : () -> ()
    %dma_wait3A_79 = arith.constant 0 : i32
    %dma_wait3A_80 = tpu.memref_slice %arg8[%dma_wait3A_79] : memref<5120xi32, #tpu.memory_space<vmem>> -> memref<40xi32, #tpu.memory_space<vmem>>
    %dma_wait3A_81 = arith.constant 0 : i32
    %dma_wait3A_82 = arith.constant 0 : i32
    %dma_wait3A_83 = tpu.memref_slice %arg2[%dma_wait3A_81, %dma_wait3A_82] : memref<10240x128xf32, #tpu.memory_space<hbm>> -> memref<10240x128xf32, #tpu.memory_space<hbm>>
    tpu.wait_indirect_dma semaphore(%arg17 : memref<!tpu.dma_semaphore, #tpu.memory_space<semaphore_mem>>) src(%dma_wait3A_83 : memref<10240x128xf32, #tpu.memory_space<hbm>>) dst(%arg11 : memref<40x128xf32, #tpu.memory_space<vmem>>)
    "tpu.region"() ({
      %run_scoped3A = tpu.sem_alloc : memref<!tpu.dma_semaphore, #tpu.memory_space<semaphore_mem>>
      %dma_start3A_109 = arith.constant 4840 : i32
      %dma_start3A_110 = tpu.memref_slice %arg9[%dma_start3A_109] : memref<5120xi32, #tpu.memory_space<vmem>> -> memref<40xi32, #tpu.memory_space<vmem>>
      %dma_start3A_111 = arith.constant 0 : i32
      %dma_start3A_112 = arith.constant 0 : i32
      %dma_start3A_113 = tpu.memref_slice %arg15[%dma_start3A_111, %dma_start3A_112] : memref<10240x128xf32, #tpu.memory_space<vmem_shared>> -> memref<10240x128xf32, #tpu.memory_space<vmem_shared>>
      tpu.enqueue_indirect_dma source(%arg11 : memref<40x128xf32, #tpu.memory_space<vmem>>) target(%dma_start3A_113 : memref<10240x128xf32, #tpu.memory_space<vmem_shared>>) offsets(%dma_start3A_110 : memref<40xi32, #tpu.memory_space<vmem>>) semaphore(%run_scoped3A : memref<!tpu.dma_semaphore, #tpu.memory_space<semaphore_mem>>) {add = true}
      %dma_wait3A_114 = arith.constant 4840 : i32
      %dma_wait3A_115 = tpu.memref_slice %arg9[%dma_wait3A_114] : memref<5120xi32, #tpu.memory_space<vmem>> -> memref<40xi32, #tpu.memory_space<vmem>>
      %dma_wait3A_116 = arith.constant 0 : i32
      %dma_wait3A_117 = arith.constant 0 : i32
      %dma_wait3A_118 = tpu.memref_slice %arg15[%dma_wait3A_116, %dma_wait3A_117] : memref<10240x128xf32, #tpu.memory_space<vmem_shared>> -> memref<10240x128xf32, #tpu.memory_space<vmem_shared>>
      tpu.wait_indirect_dma semaphore(%run_scoped3A : memref<!tpu.dma_semaphore, #tpu.memory_space<semaphore_mem>>) src(%arg11 : memref<40x128xf32, #tpu.memory_space<vmem>>) dst(%dma_wait3A_118 : memref<10240x128xf32, #tpu.memory_space<vmem_shared>>)
      tpu.yield
    }) : () -> ()
    %get3A = arith.constant 4800 : index
    %get3A_84 = tpu.vector_load %arg9[%get3A] {strides = array<i32>} : memref<5120xi32, #tpu.memory_space<vmem>>, vector<16xi32>,
    %broadcast_in_dim3A = arith.constant 1.000000e+00 : f32
    %broadcast_in_dim3A_85 = vector.broadcast %broadcast_in_dim3A : f32 to vector<16xf32>
    tpu.vector_store_idx %arg14[%get3A_84], %broadcast_in_dim3A_85 {add = true} : memref<10240xf32, #tpu.memory_space<vmem>>[vector<16xi32>], vector<16xf32>,
    %get3A_86 = arith.constant 4816 : index
    %get3A_87 = tpu.vector_load %arg9[%get3A_86] {strides = array<i32>} : memref<5120xi32, #tpu.memory_space<vmem>>, vector<16xi32>,
    %broadcast_in_dim3A_88 = arith.constant 1.000000e+00 : f32
    %broadcast_in_dim3A_89 = vector.broadcast %broadcast_in_dim3A_88 : f32 to vector<16xf32>
    tpu.vector_store_idx %arg14[%get3A_87], %broadcast_in_dim3A_89 {add = true} : memref<10240xf32, #tpu.memory_space<vmem>>[vector<16xi32>], vector<16xf32>,
    %get3A_90 = arith.constant 4832 : index
    %get3A_91 = tpu.vector_load %arg9[%get3A_90] {strides = array<i32>} : memref<5120xi32, #tpu.memory_space<vmem>>, vector<16xi32>,
    %broadcast_in_dim3A_92 = arith.constant 1.000000e+00 : f32
    %broadcast_in_dim3A_93 = vector.broadcast %broadcast_in_dim3A_92 : f32 to vector<16xf32>
    tpu.vector_store_idx %arg14[%get3A_91], %broadcast_in_dim3A_93 {add = true} : memref<10240xf32, #tpu.memory_space<vmem>>[vector<16xi32>], vector<16xf32>,
    %get3A_94 = arith.constant 4848 : index
    %get3A_95 = tpu.vector_load %arg9[%get3A_94] {strides = array<i32>} : memref<5120xi32, #tpu.memory_space<vmem>>, vector<16xi32>,
    %broadcast_in_dim3A_96 = arith.constant 1.000000e+00 : f32
    %broadcast_in_dim3A_97 = vector.broadcast %broadcast_in_dim3A_96 : f32 to vector<16xf32>
    tpu.vector_store_idx %arg14[%get3A_95], %broadcast_in_dim3A_97 {add = true} : memref<10240xf32, #tpu.memory_space<vmem>>[vector<16xi32>], vector<16xf32>,
    %get3A_98 = arith.constant 4864 : index
    %get3A_99 = tpu.vector_load %arg9[%get3A_98] {strides = array<i32>} : memref<5120xi32, #tpu.memory_space<vmem>>, vector<16xi32>,
    %broadcast_in_dim3A_100 = arith.constant 1.000000e+00 : f32
    %broadcast_in_dim3A_101 = vector.broadcast %broadcast_in_dim3A_100 : f32 to vector<16xf32>
    tpu.vector_store_idx %arg14[%get3A_99], %broadcast_in_dim3A_101 {add = true} : memref<10240xf32, #tpu.memory_space<vmem>>[vector<16xi32>], vector<16xf32>,
    %barrier3A_102 = arith.constant 0 : index
    tpu.barrier barrier_id(%barrier3A_102)
    %scan3A_103 = arith.constant 0 : i32
    %scan3A_104 = arith.constant 0 : i32
    %scan3A_105 = arith.constant 16 : i32
    %scan3A_106 = arith.addi %scan3A_104, %scan3A_105 : i32
    %scan3A_107 = arith.constant 1 : i32
    scf.for %scan3A_109 = %scan3A_104 to %scan3A_106 step %scan3A_107  : i32 {
      %mul3A_110 = arith.constant 40 : i32
      %mul3A_111 = arith.muli %scan3A_109, %mul3A_110 : i32
      %add3A_112 = arith.addi %mul3A_2, %mul3A_111 : i32
      "tpu.region"() ({
        %run_scoped3A = tpu.sem_alloc : memref<!tpu.dma_semaphore, #tpu.memory_space<semaphore_mem>>
        %dma_start3A_113 = arith.constant 0 : i32
        %dma_start3A_114 = tpu.memref_slice %arg15[%add3A_112, %dma_start3A_113] : memref<10240x128xf32, #tpu.memory_space<vmem_shared>> -> memref<40x128xf32, #tpu.memory_space<vmem_shared>>
        %dma_start3A_115 = arith.constant 0 : i32
        %dma_start3A_116 = tpu.memref_slice %arg15[%add3A_112, %dma_start3A_115] : memref<10240x128xf32, #tpu.memory_space<vmem_shared>> -> memref<40x128xf32, #tpu.memory_space<vmem_shared>>
        tpu.enqueue_dma source(%dma_start3A_116 : memref<40x128xf32, #tpu.memory_space<vmem_shared>>) target(%arg10 : memref<40x128xf32, #tpu.memory_space<vmem>>) target_semaphore(%run_scoped3A : memref<!tpu.dma_semaphore, #tpu.memory_space<semaphore_mem>>)
        %dma_wait3A_117 = arith.constant 0 : i32
        %dma_wait3A_118 = tpu.memref_slice %arg15[%add3A_112, %dma_wait3A_117] : memref<10240x128xf32, #tpu.memory_space<vmem_shared>> -> memref<40x128xf32, #tpu.memory_space<vmem_shared>>
        %dma_wait3A_119 = arith.constant 0 : i32
        %dma_wait3A_120 = tpu.memref_slice %arg15[%add3A_112, %dma_wait3A_119] : memref<10240x128xf32, #tpu.memory_space<vmem_shared>> -> memref<40x128xf32, #tpu.memory_space<vmem_shared>>
        tpu.wait_dma2 semaphore(%run_scoped3A : memref<!tpu.dma_semaphore, #tpu.memory_space<semaphore_mem>>) src(%dma_wait3A_120 : memref<40x128xf32, #tpu.memory_space<vmem_shared>>) dst(%arg10 : memref<40x128xf32, #tpu.memory_space<vmem>>)
        tpu.yield
      }) : () -> ()
      "tpu.region"() ({
        %run_scoped3A = tpu.sem_alloc : memref<!tpu.dma_semaphore, #tpu.memory_space<semaphore_mem>>
        %dma_start3A_113 = arith.constant 0 : i32
        %dma_start3A_114 = tpu.memref_slice %arg6[%arg0, %add3A_112, %dma_start3A_113] : memref<2x10240x128xf32, #tpu.memory_space<hbm>> -> memref<1x40x128xf32, #tpu.memory_space<hbm>>
        %dma_start3A_115 = tpu.memref_squeeze %dma_start3A_114 : memref<1x40x128xf32, #tpu.memory_space<hbm>> -> memref<40x128xf32, #tpu.memory_space<hbm>>
        %dma_start3A_116 = arith.constant 0 : i32
        %dma_start3A_117 = tpu.memref_slice %arg6[%arg0, %add3A_112, %dma_start3A_116] : memref<2x10240x128xf32, #tpu.memory_space<hbm>> -> memref<1x40x128xf32, #tpu.memory_space<hbm>>
        %dma_start3A_118 = tpu.memref_squeeze %dma_start3A_117 : memref<1x40x128xf32, #tpu.memory_space<hbm>> -> memref<40x128xf32, #tpu.memory_space<hbm>>
        tpu.enqueue_dma source(%arg10 : memref<40x128xf32, #tpu.memory_space<vmem>>) target(%dma_start3A_118 : memref<40x128xf32, #tpu.memory_space<hbm>>) target_semaphore(%run_scoped3A : memref<!tpu.dma_semaphore, #tpu.memory_space<semaphore_mem>>)
        %dma_wait3A_119 = arith.constant 0 : i32
        %dma_wait3A_120 = tpu.memref_slice %arg6[%arg0, %add3A_112, %dma_wait3A_119] : memref<2x10240x128xf32, #tpu.memory_space<hbm>> -> memref<1x40x128xf32, #tpu.memory_space<hbm>>
        %dma_wait3A_121 = tpu.memref_squeeze %dma_wait3A_120 : memref<1x40x128xf32, #tpu.memory_space<hbm>> -> memref<40x128xf32, #tpu.memory_space<hbm>>
        %dma_wait3A_122 = arith.constant 0 : i32
        %dma_wait3A_123 = tpu.memref_slice %arg6[%arg0, %add3A_112, %dma_wait3A_122] : memref<2x10240x128xf32, #tpu.memory_space<hbm>> -> memref<1x40x128xf32, #tpu.memory_space<hbm>>
        %dma_wait3A_124 = tpu.memref_squeeze %dma_wait3A_123 : memref<1x40x128xf32, #tpu.memory_space<hbm>> -> memref<40x128xf32, #tpu.memory_space<hbm>>
        tpu.wait_dma2 semaphore(%run_scoped3A : memref<!tpu.dma_semaphore, #tpu.memory_space<semaphore_mem>>) src(%arg10 : memref<40x128xf32, #tpu.memory_space<vmem>>) dst(%dma_wait3A_124 : memref<40x128xf32, #tpu.memory_space<hbm>>)
        tpu.yield
      }) : () -> ()
    }
    %scan3A_108 = arith.constant 16 : i32
    "tpu.region"() ({
      %run_scoped3A = tpu.sem_alloc : memref<!tpu.dma_semaphore, #tpu.memory_space<semaphore_mem>>
      %dma_start3A_109 = arith.constant 0 : i32
      %dma_start3A_110 = tpu.memref_slice %arg7[%add3A, %dma_start3A_109] : memref<32x10240xf32, #tpu.memory_space<hbm>> -> memref<1x10240xf32, #tpu.memory_space<hbm>>
      %dma_start3A_111 = tpu.memref_squeeze %dma_start3A_110 : memref<1x10240xf32, #tpu.memory_space<hbm>> -> memref<10240xf32, #tpu.memory_space<hbm>>
      %dma_start3A_112 = arith.constant 0 : i32
      %dma_start3A_113 = tpu.memref_slice %arg7[%add3A, %dma_start3A_112] : memref<32x10240xf32, #tpu.memory_space<hbm>> -> memref<1x10240xf32, #tpu.memory_space<hbm>>
      %dma_start3A_114 = tpu.memref_squeeze %dma_start3A_113 : memref<1x10240xf32, #tpu.memory_space<hbm>> -> memref<10240xf32, #tpu.memory_space<hbm>>
      tpu.enqueue_dma source(%arg14 : memref<10240xf32, #tpu.memory_space<vmem>>) target(%dma_start3A_114 : memref<10240xf32, #tpu.memory_space<hbm>>) target_semaphore(%run_scoped3A : memref<!tpu.dma_semaphore, #tpu.memory_space<semaphore_mem>>)
      %dma_wait3A_115 = arith.constant 0 : i32
      %dma_wait3A_116 = tpu.memref_slice %arg7[%add3A, %dma_wait3A_115] : memref<32x10240xf32, #tpu.memory_space<hbm>> -> memref<1x10240xf32, #tpu.memory_space<hbm>>
      %dma_wait3A_117 = tpu.memref_squeeze %dma_wait3A_116 : memref<1x10240xf32, #tpu.memory_space<hbm>> -> memref<10240xf32, #tpu.memory_space<hbm>>
      %dma_wait3A_118 = arith.constant 0 : i32
      %dma_wait3A_119 = tpu.memref_slice %arg7[%add3A, %dma_wait3A_118] : memref<32x10240xf32, #tpu.memory_space<hbm>> -> memref<1x10240xf32, #tpu.memory_space<hbm>>
      %dma_wait3A_120 = tpu.memref_squeeze %dma_wait3A_119 : memref<1x10240xf32, #tpu.memory_space<hbm>> -> memref<10240xf32, #tpu.memory_space<hbm>>
      tpu.wait_dma2 semaphore(%run_scoped3A : memref<!tpu.dma_semaphore, #tpu.memory_space<semaphore_mem>>) src(%arg14 : memref<10240xf32, #tpu.memory_space<vmem>>) dst(%dma_wait3A_120 : memref<10240xf32, #tpu.memory_space<hbm>>)
      tpu.yield
    }) : () -> ()
    return
  }
}

module attributes {stable_mosaic.version = 14 : i64} {
  func.func @_pre_body(%arg0: i32, %arg1: memref<1024x128xf32, #tpu.memory_space<vmem>>, %arg2: memref<128x128xf32, #tpu.memory_space<vmem>>, %arg3: memref<1024x128xf32, #tpu.memory_space<vmem>>) attributes {dimension_semantics = [#tpu.dimension_semantics<arbitrary>], iteration_bounds = array<i64: 10>, scalar_prefetch = 0 : i64, scratch_operands = 0 : i64, tpu.core_type = #tpu.core_type<tc>, window_params = [{transform_indices = @transform_0, window_bounds = array<i64: 1024, 128>}, {pipeline_mode = #tpu.pipeline_mode<synchronous>, transform_indices = @transform_1, window_bounds = array<i64: 128, 128>}, {transform_indices = @transform_2, window_bounds = array<i64: 1024, 128>}]} {
    %get3A = arith.constant 0 : index
    %get3A_0 = arith.constant 0 : index
    %get3A_1 = vector.load %arg1[%get3A, %get3A_0] : memref<1024x128xf32, #tpu.memory_space<vmem>>, vector<1024x128xf32>
    %get3A_2 = arith.constant 0 : index
    %get3A_3 = arith.constant 0 : index
    %get3A_4 = vector.load %arg2[%get3A_2, %get3A_3] : memref<128x128xf32, #tpu.memory_space<vmem>>, vector<128x128xf32>
    %dot_general3A = arith.constant dense<0.000000e+00> : vector<1024x128xf32>
    %dot_general3A_5 = tpu.matmul %get3A_1, %get3A_4, %dot_general3A {dimension_numbers = #tpu.dot_dimension_numbers<[1], [0], [0], [1], [0, 0, 1, 1], [], []>, transpose_lhs_hint = false} : vector<1024x128xf32>, vector<128x128xf32>, vector<1024x128xf32> -> vector<1024x128xf32>
    %swap3A = arith.constant 0 : index
    %swap3A_6 = arith.constant 0 : index
    %swap3A_7 = vector.load %arg3[%swap3A, %swap3A_6] : memref<1024x128xf32, #tpu.memory_space<vmem>>, vector<1024x128xf32>
    tpu.vector_store %arg3[%swap3A, %swap3A_6], %dot_general3A_5 {strides = array<i32>} : memref<1024x128xf32, #tpu.memory_space<vmem>>, vector<1024x128xf32>,
    return
  }
  func.func @transform_0(%arg0: i32) -> (i32, i32) {
    %c0_i32 = arith.constant 0 : i32
    %c0_i32_0 = arith.constant 0 : i32
    return %arg0, %c0_i32 : i32, i32
  }
  func.func @transform_1(%arg0: i32) -> (i32, i32) {
    %c0_i32 = arith.constant 0 : i32
    %c0_i32_0 = arith.constant 0 : i32
    %c0_i32_1 = arith.constant 0 : i32
    return %c0_i32, %c0_i32_0 : i32, i32
  }
  func.func @transform_2(%arg0: i32) -> (i32, i32) {
    %c0_i32 = arith.constant 0 : i32
    %c0_i32_0 = arith.constant 0 : i32
    return %arg0, %c0_i32 : i32, i32
  }
}

module attributes {stable_mosaic.version = 14 : i64} {
  func.func @_post_body_relu(%arg0: i32, %arg1: memref<2x1024x128xf32, #tpu.memory_space<vmem>>, %arg2: memref<32x1024xf32, #tpu.memory_space<vmem>>, %arg3: memref<1024x128xf32, #tpu.memory_space<vmem>>, %arg4: memref<128x128xf32, #tpu.memory_space<vmem>>, %arg5: memref<1x128xf32, #tpu.memory_space<vmem>>, %arg6: memref<1024x128xf32, #tpu.memory_space<vmem>>) attributes {dimension_semantics = [#tpu.dimension_semantics<arbitrary>], iteration_bounds = array<i64: 10>, scalar_prefetch = 0 : i64, scratch_operands = 0 : i64, tpu.core_type = #tpu.core_type<tc>, window_params = [{transform_indices = @transform_0, window_bounds = array<i64: 2, 1024, 128>}, {transform_indices = @transform_1, window_bounds = array<i64: 32, 1024>}, {transform_indices = @transform_2, window_bounds = array<i64: 1024, 128>}, {pipeline_mode = #tpu.pipeline_mode<synchronous>, transform_indices = @transform_3, window_bounds = array<i64: 128, 128>}, {pipeline_mode = #tpu.pipeline_mode<synchronous>, transform_indices = @transform_4, window_bounds = array<i64: 1, 128>}, {transform_indices = @transform_5, window_bounds = array<i64: 1024, 128>}]} {
    %get3A = arith.constant 0 : index
    %get3A_0 = arith.constant 0 : index
    %get3A_1 = arith.constant 0 : index
    %get3A_2 = vector.load %arg1[%get3A, %get3A_0, %get3A_1] : memref<2x1024x128xf32, #tpu.memory_space<vmem>>, vector<1x1024x128xf32>
    %get3A_3 = vector.shape_cast %get3A_2 : vector<1x1024x128xf32> to vector<1024x128xf32>
    %get3A_4 = arith.constant 1 : index
    %get3A_5 = arith.constant 0 : index
    %get3A_6 = arith.constant 0 : index
    %get3A_7 = vector.load %arg1[%get3A_4, %get3A_5, %get3A_6] : memref<2x1024x128xf32, #tpu.memory_space<vmem>>, vector<1x1024x128xf32>
    %get3A_8 = vector.shape_cast %get3A_7 : vector<1x1024x128xf32> to vector<1024x128xf32>
    %add3A = arith.addf %get3A_3, %get3A_8 : vector<1024x128xf32>
    %get3A_9 = arith.constant 0 : index
    %get3A_10 = arith.constant 0 : index
    %get3A_11 = vector.load %arg2[%get3A_9, %get3A_10] : memref<32x1024xf32, #tpu.memory_space<vmem>>, vector<32x1024xf32>
    %reduce_sum3A = arith.constant dense<0.000000e+00> : vector<1024xf32>
    %reduce_sum3A_12 = vector.multi_reduction <add>, %get3A_11, %reduce_sum3A [0] : vector<32x1024xf32> to vector<1024xf32>
    %reshape3A = vector.shape_cast %reduce_sum3A_12 : vector<1024xf32> to vector<1024x1xf32>
    %max3A = arith.constant 1.000000e+00 : f32
    %max3A_13 = vector.broadcast %max3A : f32 to vector<1024x1xf32>
    %max3A_14 = arith.maximumf %reshape3A, %max3A_13 : vector<1024x1xf32>
    %div3A = arith.constant 1.000000e+00 : f32
    %div3A_15 = vector.broadcast %div3A : f32 to vector<1024x1xf32>
    %div3A_16 = arith.divf %div3A_15, %max3A_14 : vector<1024x1xf32>
    %mul3A = vector.broadcast %div3A_16 : vector<1024x1xf32> to vector<1024x128xf32>
    %mul3A_17 = arith.mulf %add3A, %mul3A : vector<1024x128xf32>
    %get3A_18 = arith.constant 0 : index
    %get3A_19 = arith.constant 0 : index
    %get3A_20 = vector.load %arg4[%get3A_18, %get3A_19] : memref<128x128xf32, #tpu.memory_space<vmem>>, vector<128x128xf32>
    %dot_general3A = arith.constant dense<0.000000e+00> : vector<1024x128xf32>
    %dot_general3A_21 = tpu.matmul %mul3A_17, %get3A_20, %dot_general3A {dimension_numbers = #tpu.dot_dimension_numbers<[1], [0], [0], [1], [0, 0, 1, 1], [], []>, transpose_lhs_hint = false} : vector<1024x128xf32>, vector<128x128xf32>, vector<1024x128xf32> -> vector<1024x128xf32>
    %get3A_22 = arith.constant 0 : index
    %get3A_23 = arith.constant 0 : index
    %get3A_24 = vector.load %arg5[%get3A_22, %get3A_23] : memref<1x128xf32, #tpu.memory_space<vmem>>, vector<1x128xf32>
    %add3A_25 = vector.broadcast %get3A_24 : vector<1x128xf32> to vector<1024x128xf32>
    %add3A_26 = arith.addf %dot_general3A_21, %add3A_25 : vector<1024x128xf32>
    %get3A_27 = arith.constant 0 : index
    %get3A_28 = arith.constant 0 : index
    %get3A_29 = vector.load %arg3[%get3A_27, %get3A_28] : memref<1024x128xf32, #tpu.memory_space<vmem>>, vector<1024x128xf32>
    %add3A_30 = arith.addf %add3A_26, %get3A_29 : vector<1024x128xf32>
    %max3A_31 = arith.constant 0.000000e+00 : f32
    %max3A_32 = vector.broadcast %max3A_31 : f32 to vector<1024x128xf32>
    %max3A_33 = arith.maximumf %add3A_30, %max3A_32 : vector<1024x128xf32>
    %swap3A = arith.constant 0 : index
    %swap3A_34 = arith.constant 0 : index
    %swap3A_35 = vector.load %arg6[%swap3A, %swap3A_34] : memref<1024x128xf32, #tpu.memory_space<vmem>>, vector<1024x128xf32>
    tpu.vector_store %arg6[%swap3A, %swap3A_34], %max3A_33 {strides = array<i32>} : memref<1024x128xf32, #tpu.memory_space<vmem>>, vector<1024x128xf32>,
    return
  }
  func.func @transform_0(%arg0: i32) -> (i32, i32, i32) {
    %c0_i32 = arith.constant 0 : i32
    %c0_i32_0 = arith.constant 0 : i32
    %c0_i32_1 = arith.constant 0 : i32
    return %c0_i32, %arg0, %c0_i32_0 : i32, i32, i32
  }
  func.func @transform_1(%arg0: i32) -> (i32, i32) {
    %c0_i32 = arith.constant 0 : i32
    %c0_i32_0 = arith.constant 0 : i32
    return %c0_i32, %arg0 : i32, i32
  }
  func.func @transform_2(%arg0: i32) -> (i32, i32) {
    %c0_i32 = arith.constant 0 : i32
    %c0_i32_0 = arith.constant 0 : i32
    return %arg0, %c0_i32 : i32, i32
  }
  func.func @transform_3(%arg0: i32) -> (i32, i32) {
    %c0_i32 = arith.constant 0 : i32
    %c0_i32_0 = arith.constant 0 : i32
    %c0_i32_1 = arith.constant 0 : i32
    return %c0_i32, %c0_i32_0 : i32, i32
  }
  func.func @transform_4(%arg0: i32) -> (i32, i32) {
    %c0_i32 = arith.constant 0 : i32
    %c0_i32_0 = arith.constant 0 : i32
    %c0_i32_1 = arith.constant 0 : i32
    return %c0_i32, %c0_i32_0 : i32, i32
  }
  func.func @transform_5(%arg0: i32) -> (i32, i32) {
    %c0_i32 = arith.constant 0 : i32
    %c0_i32_0 = arith.constant 0 : i32
    return %arg0, %c0_i32 : i32, i32
  }
}

module attributes {stable_mosaic.version = 14 : i64} {
  func.func @_post_body_lin(%arg0: i32, %arg1: memref<2x1024x128xf32, #tpu.memory_space<vmem>>, %arg2: memref<32x1024xf32, #tpu.memory_space<vmem>>, %arg3: memref<1024x128xf32, #tpu.memory_space<vmem>>, %arg4: memref<128x128xf32, #tpu.memory_space<vmem>>, %arg5: memref<1x128xf32, #tpu.memory_space<vmem>>, %arg6: memref<1024x128xf32, #tpu.memory_space<vmem>>) attributes {dimension_semantics = [#tpu.dimension_semantics<arbitrary>], iteration_bounds = array<i64: 10>, scalar_prefetch = 0 : i64, scratch_operands = 0 : i64, tpu.core_type = #tpu.core_type<tc>, window_params = [{transform_indices = @transform_0, window_bounds = array<i64: 2, 1024, 128>}, {transform_indices = @transform_1, window_bounds = array<i64: 32, 1024>}, {transform_indices = @transform_2, window_bounds = array<i64: 1024, 128>}, {pipeline_mode = #tpu.pipeline_mode<synchronous>, transform_indices = @transform_3, window_bounds = array<i64: 128, 128>}, {pipeline_mode = #tpu.pipeline_mode<synchronous>, transform_indices = @transform_4, window_bounds = array<i64: 1, 128>}, {transform_indices = @transform_5, window_bounds = array<i64: 1024, 128>}]} {
    %get3A = arith.constant 0 : index
    %get3A_0 = arith.constant 0 : index
    %get3A_1 = arith.constant 0 : index
    %get3A_2 = vector.load %arg1[%get3A, %get3A_0, %get3A_1] : memref<2x1024x128xf32, #tpu.memory_space<vmem>>, vector<1x1024x128xf32>
    %get3A_3 = vector.shape_cast %get3A_2 : vector<1x1024x128xf32> to vector<1024x128xf32>
    %get3A_4 = arith.constant 1 : index
    %get3A_5 = arith.constant 0 : index
    %get3A_6 = arith.constant 0 : index
    %get3A_7 = vector.load %arg1[%get3A_4, %get3A_5, %get3A_6] : memref<2x1024x128xf32, #tpu.memory_space<vmem>>, vector<1x1024x128xf32>
    %get3A_8 = vector.shape_cast %get3A_7 : vector<1x1024x128xf32> to vector<1024x128xf32>
    %add3A = arith.addf %get3A_3, %get3A_8 : vector<1024x128xf32>
    %get3A_9 = arith.constant 0 : index
    %get3A_10 = arith.constant 0 : index
    %get3A_11 = vector.load %arg2[%get3A_9, %get3A_10] : memref<32x1024xf32, #tpu.memory_space<vmem>>, vector<32x1024xf32>
    %reduce_sum3A = arith.constant dense<0.000000e+00> : vector<1024xf32>
    %reduce_sum3A_12 = vector.multi_reduction <add>, %get3A_11, %reduce_sum3A [0] : vector<32x1024xf32> to vector<1024xf32>
    %reshape3A = vector.shape_cast %reduce_sum3A_12 : vector<1024xf32> to vector<1024x1xf32>
    %max3A = arith.constant 1.000000e+00 : f32
    %max3A_13 = vector.broadcast %max3A : f32 to vector<1024x1xf32>
    %max3A_14 = arith.maximumf %reshape3A, %max3A_13 : vector<1024x1xf32>
    %div3A = arith.constant 1.000000e+00 : f32
    %div3A_15 = vector.broadcast %div3A : f32 to vector<1024x1xf32>
    %div3A_16 = arith.divf %div3A_15, %max3A_14 : vector<1024x1xf32>
    %mul3A = vector.broadcast %div3A_16 : vector<1024x1xf32> to vector<1024x128xf32>
    %mul3A_17 = arith.mulf %add3A, %mul3A : vector<1024x128xf32>
    %get3A_18 = arith.constant 0 : index
    %get3A_19 = arith.constant 0 : index
    %get3A_20 = vector.load %arg4[%get3A_18, %get3A_19] : memref<128x128xf32, #tpu.memory_space<vmem>>, vector<128x128xf32>
    %dot_general3A = arith.constant dense<0.000000e+00> : vector<1024x128xf32>
    %dot_general3A_21 = tpu.matmul %mul3A_17, %get3A_20, %dot_general3A {dimension_numbers = #tpu.dot_dimension_numbers<[1], [0], [0], [1], [0, 0, 1, 1], [], []>, transpose_lhs_hint = false} : vector<1024x128xf32>, vector<128x128xf32>, vector<1024x128xf32> -> vector<1024x128xf32>
    %get3A_22 = arith.constant 0 : index
    %get3A_23 = arith.constant 0 : index
    %get3A_24 = vector.load %arg5[%get3A_22, %get3A_23] : memref<1x128xf32, #tpu.memory_space<vmem>>, vector<1x128xf32>
    %add3A_25 = vector.broadcast %get3A_24 : vector<1x128xf32> to vector<1024x128xf32>
    %add3A_26 = arith.addf %dot_general3A_21, %add3A_25 : vector<1024x128xf32>
    %get3A_27 = arith.constant 0 : index
    %get3A_28 = arith.constant 0 : index
    %get3A_29 = vector.load %arg3[%get3A_27, %get3A_28] : memref<1024x128xf32, #tpu.memory_space<vmem>>, vector<1024x128xf32>
    %add3A_30 = arith.addf %add3A_26, %get3A_29 : vector<1024x128xf32>
    %swap3A = arith.constant 0 : index
    %swap3A_31 = arith.constant 0 : index
    %swap3A_32 = vector.load %arg6[%swap3A, %swap3A_31] : memref<1024x128xf32, #tpu.memory_space<vmem>>, vector<1024x128xf32>
    tpu.vector_store %arg6[%swap3A, %swap3A_31], %add3A_30 {strides = array<i32>} : memref<1024x128xf32, #tpu.memory_space<vmem>>, vector<1024x128xf32>,
    return
  }
  func.func @transform_0(%arg0: i32) -> (i32, i32, i32) {
    %c0_i32 = arith.constant 0 : i32
    %c0_i32_0 = arith.constant 0 : i32
    %c0_i32_1 = arith.constant 0 : i32
    return %c0_i32, %arg0, %c0_i32_0 : i32, i32, i32
  }
  func.func @transform_1(%arg0: i32) -> (i32, i32) {
    %c0_i32 = arith.constant 0 : i32
    %c0_i32_0 = arith.constant 0 : i32
    return %c0_i32, %arg0 : i32, i32
  }
  func.func @transform_2(%arg0: i32) -> (i32, i32) {
    %c0_i32 = arith.constant 0 : i32
    %c0_i32_0 = arith.constant 0 : i32
    return %arg0, %c0_i32 : i32, i32
  }
  func.func @transform_3(%arg0: i32) -> (i32, i32) {
    %c0_i32 = arith.constant 0 : i32
    %c0_i32_0 = arith.constant 0 : i32
    %c0_i32_1 = arith.constant 0 : i32
    return %c0_i32, %c0_i32_0 : i32, i32
  }
  func.func @transform_4(%arg0: i32) -> (i32, i32) {
    %c0_i32 = arith.constant 0 : i32
    %c0_i32_0 = arith.constant 0 : i32
    %c0_i32_1 = arith.constant 0 : i32
    return %c0_i32, %c0_i32_0 : i32, i32
  }
  func.func @transform_5(%arg0: i32) -> (i32, i32) {
    %c0_i32 = arith.constant 0 : i32
    %c0_i32_0 = arith.constant 0 : i32
    return %arg0, %c0_i32 : i32, i32
  }
}

</mosaic_0001>

<sc_bundles>
// kernel: kernel.11.cloned.1.call-start
scs
__scs_entry_jumppad:
0x0: {  	(pc) =	sbr.rel $0x88, $3  }
0x1: {  	(tag) =	ssettag $0x0;
	lr =	simm.s32 $0x1  }
0x2: {  	[smem:$0x3F99] =	sst lr;
	_ =	strace $0xD0000000  }
0x3: {  	_ = 	snop  }
0x4: {  	_ = 	snop  }
0x5: {  	_ = 	snop  }
0x6: {  	_ = 	snop  }
0x7: {  	_ = 	snop  }
__scs_overlays_trampoline_lowered:
0x8: {  	[smem:$0x3FA8] =	sst s0  }
0x9: {  	[smem:$0x3FA9] =	sst s1  }
0xa: {  	[smem:$0x3FAA] =	sst s2  }
0xb: {  	[smem:$0x3FAB] =	sst s3  }
0xc: {  	[smem:$0x3FAC] =	sst s4  }
0xd: {  	[smem:$0x3FAD] =	sst s5  }
0xe: {  	[smem:$0x3FAE] =	sst s6  }
0xf: {  	[smem:$0x3FAF] =	sst s7  }
0x10: {  	[smem:$0x3FB0] =	sst s8  }
0x11: {  	[smem:$0x3FB1] =	sst s9;
	s0 =	simm.s32 @!p0 $0x0  }
0x12: {  	s1 =	sld [smem:$0x3F97];
	s0 =	simm.s32 @p0 $0x1  }
0x13: {  	[smem:$0x3FB2] =	sst s0;
	s0 =	simm.s32 @!p1 $0x0  }
0x14: {  	s2 =	sld [smem:$0x3F96];
	s0 =	simm.s32 @p1 $0x1  }
0x15: {  	[smem:$0x3FB3] =	sst s0;
	s0 =	simm.s32 @!p2 $0x0  }
0x16: {  	s3 =	sld [smem:$0x3FDB];
	s0 =	simm.s32 @p2 $0x1  }
0x17: {  	s4 =	simm.s32 $0x1BF5;
	[smem:$0x3FB5] =	sst s0  }
0x18: {  	s0 =	sld [smem:$0x3F98];
	_ =	swait.ge [sflag:s4], $0x0  }
0x19: {  	s7 =	sld [smem:$0x3F99]  }
0x1a: {  	s8 =	sadd.s32 $0xFFFFE003, lr  }
0x1b: {  	s9 =	sadd.s32 $0xFFFFFEF7, lr;
	s5 =	simm.s32 $0xFFFFFFFF;
	p2 =	slt.u32 s8, $0xFFFFF086  }
0x1c: {  	p1 =	slt.u32 s9, $0xF7A;
	s5 =	simm.s32 @!p2 $0x0  }
0x1d: {  	s5 =	simm.s32 @p1 $0x1;
	p0 =	seq.s32 s7, s2  }
0x1e: {  	s7 =	smul.u32 @!p0 $0xF7A, s2;
	p2 =	seq.s32 @!p0 s5, $0x0  }
0x1f: {  	s9 =	smul.u32 $0xF7A, s1;
	s8 =	simm.s32 @!p0 $0x1BF5;
	p2 =	por !p2, p0  }
0x20: {  	[sflag:s8] =	ssyncset.s32 @!p0 $0xFFFFF086;
	s6 =	sadd.s32 @!p0 s3, s7;
	s7 =	simm.s32 @!p0 $0x108  }
0x21: {  	s3 =	sadd.s32 s3, s9;
	s6 =	sadd.s32 @!p0 $0x88, s6;
	s7 =	simm.s32 @p2 $0x1082  }
0x22: {  	[simem:s7], [sflag:s8] =	dma.local @!p0 [hbm:s6], $0xF7A  }
0x23: {  	s9 =	sor.u32 $0xD0000000, s2;
	s6 =	simm.s32 $0x108;
	_ =	swait.ge @!p0 [sflag:s8], $0x0  }
0x24: {  	s3 =	sadd.s32 $0x88, s3;
	s6 =	simm.s32 @!p1 $0x1082;
	[sflag:s4] =	ssyncset.s32 $0xFFFFF086  }
0x25: {  	[simem:s6], [sflag:s4] =	dma.local [hbm:s3], $0xF7A  }
0x26: {  	[smem:$0x3F99] =	sst s1;
	(tag) =	ssettag s2;
	_ =	strace s9  }
0x27: {  	s1 =	sld [smem:$0x3FA9]  }
0x28: {  	s2 =	sld [smem:$0x3FAA]  }
0x29: {  	s4 =	sld [smem:$0x3FAC]  }
0x2a: {  	p0 =	seq.s32 s5, $0x0;
	s5 =	sld [smem:$0x3FAD]  }
0x2b: {  	s6 =	sld [smem:$0x3FAE]  }
0x2c: {  	s7 =	sld [smem:$0x3FAF]  }
0x2d: {  	s3 =	simm.s32 $0x108;
	s8 =	sld [smem:$0x3FB0]  }
0x2e: {  	s3 =	simm.s32 @!p0 $0x1082;
	s9 =	sld [smem:$0x3FB1]  }
0x2f: {  	lr =	sadd.s32 s0, s3;
	s0 =	sld [smem:$0x3FA8]  }
0x30: {  	s3 =	sld [smem:$0x3FAB]  }
0x31: {  	[smem:$0x3FB4] =	sst s10  }
0x32: {  	s10 =	sld [smem:$0x3FB2];
	_ =	sdelay $0x3  }
0x33: {  	p0 =	seq.s32 s10, $0x1;
	s10 =	sld [smem:$0x3FB4];
	_ =	sdelay $0x3  }
0x34: {  	[smem:$0x3FB4] =	sst s10  }
0x35: {  	s10 =	sld [smem:$0x3FB3];
	_ =	sdelay $0x3  }
0x36: {  	p1 =	seq.s32 s10, $0x1;
	s10 =	sld [smem:$0x3FB4];
	_ =	sdelay $0x3  }
0x37: {  	[smem:$0x3FB4] =	sst s10  }
0x38: {  	s10 =	sld [smem:$0x3FB5]  }
0x39: {  	_ = 	snop;
	(pc) =	sbr.ind lr, $3  }
0x3a: {  	_ = 	snop  }
0x3b: {  	_ = 	snop  }
0x3c: {  	p2 =	seq.s32 s10, $0x1;
	s10 =	sld [smem:$0x3FB4]  }
0x3d: {  	_ =	shalt  }
0x3e: {  	_ =	shalt  }
0x3f: {  	_ =	shalt  }
0x40: {  	_ =	shalt  }
0x41: {  	_ =	shalt  }
0x42: {  	_ =	shalt  }
0x43: {  	_ =	shalt  }
0x44: {  	_ =	shalt  }
0x45: {  	_ =	shalt  }
0x46: {  	_ =	shalt  }
0x47: {  	_ =	shalt  }
0x48: {  	_ =	shalt  }
0x49: {  	_ =	shalt  }
0x4a: {  	_ =	shalt  }
0x4b: {  	_ =	shalt  }
0x4c: {  	_ =	shalt  }
0x4d: {  	_ =	shalt  }
0x4e: {  	_ =	shalt  }
0x4f: {  	_ =	shalt  }
0x50: {  	_ =	shalt  }
0x51: {  	_ =	shalt  }
0x52: {  	_ =	shalt  }
0x53: {  	_ =	shalt  }
0x54: {  	_ =	shalt  }
0x55: {  	_ =	shalt  }
0x56: {  	_ =	shalt  }
0x57: {  	_ =	shalt  }
0x58: {  	_ =	shalt  }
0x59: {  	_ =	shalt  }
0x5a: {  	_ =	shalt  }
0x5b: {  	_ =	shalt  }
0x5c: {  	_ =	shalt  }
0x5d: {  	_ =	shalt  }
0x5e: {  	_ =	shalt  }
0x5f: {  	_ =	shalt  }
0x60: {  	_ =	shalt  }
0x61: {  	_ =	shalt  }
0x62: {  	_ =	shalt  }
0x63: {  	_ =	shalt  }
0x64: {  	_ =	shalt  }
0x65: {  	_ =	shalt  }
0x66: {  	_ =	shalt  }
0x67: {  	_ =	shalt  }
0x68: {  	_ =	shalt  }
0x69: {  	_ =	shalt  }
0x6a: {  	_ =	shalt  }
0x6b: {  	_ =	shalt  }
0x6c: {  	_ =	shalt  }
0x6d: {  	_ =	shalt  }
0x6e: {  	_ =	shalt  }
0x6f: {  	_ =	shalt  }
0x70: {  	_ =	shalt  }
0x71: {  	_ =	shalt  }
0x72: {  	_ =	shalt  }
0x73: {  	_ =	shalt  }
0x74: {  	_ =	shalt  }
0x75: {  	_ =	shalt  }
0x76: {  	_ =	shalt  }
0x77: {  	_ =	shalt  }
0x78: {  	_ =	shalt  }
0x79: {  	_ =	shalt  }
0x7a: {  	_ =	shalt  }
0x7b: {  	_ =	shalt  }
0x7c: {  	_ =	shalt  }
0x7d: {  	_ =	shalt  }
0x7e: {  	_ =	shalt  }
0x7f: {  	_ =	shalt  }
0x80: {  	_ =	shalt  }
0x81: {  	_ =	shalt  }
0x82: {  	_ =	shalt  }
0x83: {  	_ =	shalt  }
0x84: {  	_ =	shalt  }
0x85: {  	_ =	shalt  }
0x86: {  	_ =	shalt  }
0x87: {  	_ =	shalt  }
.Lfunc_end0:
.L_simem_size_0:
called_computation.1_lowered:
.L_overlay_start_0:
0x88: {  	s2 =	sld [smem:$0x3FD9]  }
0x89: {  	s3 =	sld [smem:$0x3FFE];
	_ =	sdelay $0x1  }
0x8a: {  	s1 =	srdreg.scid  }
0x8b: {  	s0 =	sand.u32 $0x1, s1  }
0x8c: {  	s16 =	sshll.u32 s0, $0xA;
	s2 =	sadd.s32 s3, s2  }
0x8d: {  	s2 =	sadd.s32 s2, s16  }
0x8e: {  	[smem:$0x3FC0] =	sst s2  }
0x8f: {  	_ = 	snop  }
0x90: {  	(tm) =	ssettm $0x1  }
0x91: {  	s17 =	sld [smem:$0x3FFB];
	_ =	sdelay $0x3  }
0x92: {  	_ =	strace s17  }
0x93: {  	s2 =	sld [smem:$0x3FFC];
	_ =	sdelay $0x3  }
0x94: {  	_ =	strace s2  }
0x95: {  	s2 =	sld [smem:$0x3FFD];
	_ =	sdelay $0x3  }
0x96: {  	_ =	strace s2  }
0x97: {  	_ =	strace $0x8FFFFFFF  }
0x98: {  	s18 =	sld [smem:$0x3FDB];
	_ =	sdelay $0x1  }
0x99: {  	s19 =	simm.s32 $_scs_section_size  }
0x9a: {  	s4 =	simm.s32 $_size__tile_overlayer_lowered;
	s5 =	simm.s32 $_tile_overlayer_lowered  }
0x9b: {  	s22 =	simm.s32 $0x1BFF;
	s21 =	sshll.u32 s5, $0x1;
	s2 =	sadd.s32 s19, s18  }
0x9c: {  	s6 =	simm.s32 $0x0;
	s20 =	sshll.u32 s4, $0x1;
	s4 =	sadd.s32 s21, s2  }
0x9d: {  	[timem:s6], [sflag:s22] =	dma.local [hbm:s4], s20  }
0x9e: {  	_ =	swait.ge [sflag:s22], s20  }
0x9f: {  	s3 =	ssub.s32 $0x0, s20;
	[sflag:s22] =	ssyncset.done $0x0  }
0xa0: {  	[sflag:s22] =	ssyncadd.s32 s3;
	_ =	sdelay $0x1  }
0xa1: {  	s23 =	simm.s32 $0x1B8B  }
0xa2: {  	_ =	swait.ge [sflag:s23], $0x1  }
0xa3: {  	[sflag:s23] =	ssyncset.done $0x0  }
0xa4: {  	s25 =	simm.s32 $0x1B8E;
	s24 =	sld [smem:$0x3FFE];
	[sflag:s23] =	ssyncadd.s32 $0xFFFFFFFF  }
0xa5: {  	s26 =	simm.s32 $execute0_lowered;
	[smem:$0x3FD2] =	sst s25  }
0xa6: {  	s4 =	sshll.u32 s26, $0x1;
	_ =	strace $0x80000049;
	[dreg:$0x1] =	wrdreg $0xFFFFFFFF  }
0xa7: {  	s28 =	simm.s32 $_size_execute0_lowered;
	s2 =	sadd.s32 s2, s4;
	[dreg:$0x0] =	wrdreg $0x0  }
0xa8: {  	s4 =	sshll.u32 s28, $0x1;
	[dreg:$0x2] =	wrdreg s2  }
0xa9: {  	[dreg:$0x3] =	wrdreg s4  }
0xaa: {  	[dreg:$0x4] =	wrdreg $0xC0  }
0xab: {  	_ =	task [dreg:s6], $0x5FFFF  }
0xac: {  	[dreg:$0x1] =	wrdreg $0xFFFFFFFF  }
0xad: {  	[dreg:$0x0] =	wrdreg $0x60  }
0xae: {  	[dreg:$0x2] =	wrdreg s24  }
0xaf: {  	[dreg:$0x3] =	wrdreg $0xB3000  }
0xb0: {  	[dreg:$0x4] =	wrdreg $0x9  }
0xb1: {  	_ =	task.clear_ibuf [dreg:s6], $0x5FFFF;
	_ =	strace $0x90000049  }
0xb2: {  	s29 =	simm.s32 $0x9;
	_ =	strace $0x8000004B  }
0xb3: {  	_ =	swait.ge [sflag:s29], $0x1  }
0xb4: {  	[sflag:s29] =	ssyncadd.s32 $0xFFFFFFFF  }
0xb5: {  	_ =	strace $0x9000004B  }
0xb6: {  	_ =	sfence  }
0xb7: {  	s30 =	sld [smem:$0x0];
	_ =	sdelay $0x2  }
0xb8: {  	s31 =	sshll.u32 s1, $0xD;
	s1 =	sshrl.u32 s1, $0x2  }
0xb9: {  	s3 =	sand.u32 $0x4000, s31;
	s1 =	sadd.s32 s1, s30  }
0xba: {  	s0 =	sor.u32 s3, s0;
	s1 =	sshll.u32 s1, $0x11  }
0xbb: {  	s0 =	sor.u32 s1, s0  }
0xbc: {  	s0 =	sadd.s32 $0x8F2B, s0  }
0xbd: {  	[sflag:s0] =	ssyncadd.remote.s32 $0x1  }
0xbe: {  	_ =	sfence.sel $0xFFFF  }
0xbf: {  	[dreg:$0x0] =	wrdreg $0xFFFFFFFF;
	(pc) =	sbr.abs _section_cstart, $3  }
0xc0: {  	[dreg:$0x1] =	wrdreg $0xFFFFFFFF  }
0xc1: {  	_ =	task.clear_ibuf [dreg:s6], $0x2FFFF;
	_ =	strace $0x9FFFFFFF  }
0xc2: {  	(tm) =	ssettm $0x7FFFFFFF  }
0xc3: {  	_ =	shalt  }
tec
execute0_lowered:
.L_overlay_start_1:
0x0: {  	(tag) =	ssettag $0x1  }
0x1: {  	s0 =	srdreg.scid  }
0x2: {  	s8 =	stileid.u32;
	s5 =	rddreg [dreg:$0x0]  }
0x3: {  	s2 =	rddreg [dreg:$0x1];
	s3 =	simm.s32 $0x0;
	s28 =	simm.s32 $0x6  }
0x4: {  	s30 =	simm.s32 $0x28;
	s31 =	simm.s32 $0x6300;
	s29 =	simm.s32 $0x9F00  }
0x5: {  	s9 =	simm.s32 $0x4;
	s10 =	simm.s32 $0x5;
	s11 =	simm.s32 $0x0  }
0x6: {  	s0 =	sand.u32 $0x1, s0;
	s1 =	sshll.u32 s8, $0x1;
	s7 =	smul.u32 $0x14000, s8  }
0x7: {  	[smem:$0x7FF] =	sst s3;
	s4 =	sadd.s32 $0x15C00, s5;
	s17 =	smul.u32 $0x50000, s8  }
0x8: {  	s18 =	sadd.s32 $0x3DC00, s5;
	s1 =	sor.u32 s0, s1;
	s6 =	smul.u32 $0x140000, s0  }
0x9: {  	_ =	strace $0x8000004A;
	s0 =	ssub.s32 $0x2, s0;
	[dreg:$0x3] =	wrdreg s18  }
0xa: {  	s1 =	smul.u32 $0x4E2, s1;
	s19 =	sshrl.u32 s0, $0x1;
	s20 =	sshrl.u32 s17, $0x2  }
0xb: {  	s6 =	sadd.s32 s7, s6;
	s0 =	ssub.s32 s0, s19;
	s8 =	sadd.s32 s20, s2  }
0xc: {  	s7 =	simm.s32 $0x3;
	s1 =	sadd.s32 s1, s5;
	s6 =	sshrl.u32 s6, $0x3  }
0xd: {  	s0 =	smax.u32 s0, $0x1;
	s22 =	sadd.s32 $0x1400, s8;
	s23 =	sadd.s32 $0x2800, s8  }
0xe: {  	s24 =	sadd.s32 $0x3C00, s8;
	s25 =	sadd.s32 $0x5000, s8;
	[dreg:$0x6] =	wrdreg s0  }
0xf: {  	s26 =	sadd.s32 $0x6400, s8;
	s15 =	sadd.s32 $0x7800, s8;
	[dreg:$0x7] =	wrdreg s22  }
0x10: {  	s16 =	sadd.s32 $0x8C00, s8;
	s17 =	sadd.s32 $0xA000, s8;
	[dreg:$0x8] =	wrdreg s23  }
0x11: {  	s18 =	sadd.s32 $0xB400, s8;
	s19 =	sadd.s32 $0xC800, s8;
	[dreg:$0x9] =	wrdreg s24  }
0x12: {  	s20 =	sadd.s32 $0xDC00, s8;
	s5 =	sadd.s32 s6, s5;
	[dreg:$0xa] =	wrdreg s25  }
0x13: {  	s21 =	sadd.s32 $0xBE00, s1;
	s1 =	sadd.s32 $0x2000, s1;
	[dreg:$0xb] =	wrdreg s26  }
0x14: {  	s22 =	sadd.s32 $0x10400, s8;
	s23 =	sadd.s32 $0x11800, s8;
	s24 =	sadd.s32 $0x12C00, s8  }
0x15: {  	s26 =	simm.s32 $0x4F00;
	s0 =	simm.s32 $0x7700;
	[dreg:$0x4] =	wrdreg s21  }
0x16: {  	s6 =	simm.s32 $0x2;
	[dreg:$0x5] =	wrdreg s1;
	s21 =	sadd.s32 $0xF000, s8  }
0x17: {  	s25 =	sadd.s32 $0x3E000, s5;
	s1 =	simm.s32 $0x8B00;
	s5 =	simm.s32 $0x1  }
.LBB2_1:
0x18: {  	s12 =	rddreg [dreg:$0x3]  }
0x19: {  	[tilespmem:s26], [sflag:$0x6] =	stream.linear.gather [hbm4b:s12+s3], $0x1400, $0x38;
	[tilespmem:$0x1F300] =	vst v63  }
0x1a: {  	_ =	swait.ge [sflag:s28], $0x1400  }
0x1b: {  	[sflag:s28] =	ssyncset.done $0x0  }
0x1c: {  	[sflag:s28] =	ssyncadd.s32 $0xFFFFEC00  }
0x1d: {  	[spmem:s8] =	stream.linear.scatter [tilespmem:s26], [sflag:$0x6], $0x1400, $0x38;
	[tilespmem:$0x1F300] =	vst v63  }
0x1e: {  	_ =	swait.ge [sflag:s28], $0x1400  }
0x1f: {  	[sflag:s28] =	ssyncset.done $0x0  }
0x20: {  	s14 =	rddreg [dreg:$0x7];
	[sflag:s28] =	ssyncadd.s32 $0xFFFFEC00  }
0x21: {  	[spmem:s14] =	stream.linear.scatter [tilespmem:s26], [sflag:$0x6], $0x1400, $0x38;
	[tilespmem:$0x1F300] =	vst v63  }
0x22: {  	_ =	swait.ge [sflag:s28], $0x1400  }
0x23: {  	[sflag:s28] =	ssyncset.done $0x0  }
0x24: {  	s13 =	rddreg [dreg:$0x8];
	[sflag:s28] =	ssyncadd.s32 $0xFFFFEC00  }
0x25: {  	[spmem:s13] =	stream.linear.scatter [tilespmem:s26], [sflag:$0x6], $0x1400, $0x38;
	[tilespmem:$0x1F300] =	vst v63  }
0x26: {  	_ =	swait.ge [sflag:s28], $0x1400  }
0x27: {  	[sflag:s28] =	ssyncset.done $0x0  }
0x28: {  	s14 =	rddreg [dreg:$0x9];
	[sflag:s28] =	ssyncadd.s32 $0xFFFFEC00  }
0x29: {  	[spmem:s14] =	stream.linear.scatter [tilespmem:s26], [sflag:$0x6], $0x1400, $0x38;
	[tilespmem:$0x1F300] =	vst v63  }
0x2a: {  	_ =	swait.ge [sflag:s28], $0x1400  }
0x2b: {  	[sflag:s28] =	ssyncset.done $0x0  }
0x2c: {  	s13 =	rddreg [dreg:$0xa];
	[sflag:s28] =	ssyncadd.s32 $0xFFFFEC00  }
0x2d: {  	[spmem:s13] =	stream.linear.scatter [tilespmem:s26], [sflag:$0x6], $0x1400, $0x38;
	[tilespmem:$0x1F300] =	vst v63  }
0x2e: {  	_ =	swait.ge [sflag:s28], $0x1400  }
0x2f: {  	[sflag:s28] =	ssyncset.done $0x0  }
0x30: {  	s14 =	rddreg [dreg:$0xb];
	[sflag:s28] =	ssyncadd.s32 $0xFFFFEC00  }
0x31: {  	[spmem:s14] =	stream.linear.scatter [tilespmem:s26], [sflag:$0x6], $0x1400, $0x38;
	[tilespmem:$0x1F300] =	vst v63  }
0x32: {  	_ =	swait.ge [sflag:s28], $0x1400  }
0x33: {  	[sflag:s28] =	ssyncset.done $0x0  }
0x34: {  	[sflag:s28] =	ssyncadd.s32 $0xFFFFEC00  }
0x35: {  	[spmem:s15] =	stream.linear.scatter [tilespmem:s26], [sflag:$0x6], $0x1400, $0x38;
	[tilespmem:$0x1F300] =	vst v63  }
0x36: {  	_ =	swait.ge [sflag:s28], $0x1400  }
0x37: {  	[sflag:s28] =	ssyncset.done $0x0  }
0x38: {  	[sflag:s28] =	ssyncadd.s32 $0xFFFFEC00  }
0x39: {  	[spmem:s16] =	stream.linear.scatter [tilespmem:s26], [sflag:$0x6], $0x1400, $0x38;
	[tilespmem:$0x1F300] =	vst v63  }
0x3a: {  	_ =	swait.ge [sflag:s28], $0x1400  }
0x3b: {  	[sflag:s28] =	ssyncset.done $0x0  }
0x3c: {  	[sflag:s28] =	ssyncadd.s32 $0xFFFFEC00  }
0x3d: {  	[spmem:s17] =	stream.linear.scatter [tilespmem:s26], [sflag:$0x6], $0x1400, $0x38;
	[tilespmem:$0x1F300] =	vst v63  }
0x3e: {  	_ =	swait.ge [sflag:s28], $0x1400  }
0x3f: {  	[sflag:s28] =	ssyncset.done $0x0  }
0x40: {  	[sflag:s28] =	ssyncadd.s32 $0xFFFFEC00  }
0x41: {  	[spmem:s18] =	stream.linear.scatter [tilespmem:s26], [sflag:$0x6], $0x1400, $0x38;
	[tilespmem:$0x1F300] =	vst v63  }
0x42: {  	_ =	swait.ge [sflag:s28], $0x1400  }
0x43: {  	[sflag:s28] =	ssyncset.done $0x0  }
0x44: {  	[sflag:s28] =	ssyncadd.s32 $0xFFFFEC00  }
0x45: {  	[spmem:s19] =	stream.linear.scatter [tilespmem:s26], [sflag:$0x6], $0x1400, $0x38;
	[tilespmem:$0x1F300] =	vst v63  }
0x46: {  	_ =	swait.ge [sflag:s28], $0x1400  }
0x47: {  	[sflag:s28] =	ssyncset.done $0x0  }
0x48: {  	[sflag:s28] =	ssyncadd.s32 $0xFFFFEC00  }
0x49: {  	[spmem:s20] =	stream.linear.scatter [tilespmem:s26], [sflag:$0x6], $0x1400, $0x38;
	[tilespmem:$0x1F300] =	vst v63  }
0x4a: {  	_ =	swait.ge [sflag:s28], $0x1400  }
0x4b: {  	[sflag:s28] =	ssyncset.done $0x0  }
0x4c: {  	[sflag:s28] =	ssyncadd.s32 $0xFFFFEC00  }
0x4d: {  	[spmem:s21] =	stream.linear.scatter [tilespmem:s26], [sflag:$0x6], $0x1400, $0x38;
	[tilespmem:$0x1F300] =	vst v63  }
0x4e: {  	_ =	swait.ge [sflag:s28], $0x1400  }
0x4f: {  	[sflag:s28] =	ssyncset.done $0x0  }
0x50: {  	[sflag:s28] =	ssyncadd.s32 $0xFFFFEC00  }
0x51: {  	[spmem:s22] =	stream.linear.scatter [tilespmem:s26], [sflag:$0x6], $0x1400, $0x38;
	[tilespmem:$0x1F300] =	vst v63  }
0x52: {  	_ =	swait.ge [sflag:s28], $0x1400  }
0x53: {  	[sflag:s28] =	ssyncset.done $0x0  }
0x54: {  	[sflag:s28] =	ssyncadd.s32 $0xFFFFEC00  }
0x55: {  	[spmem:s23] =	stream.linear.scatter [tilespmem:s26], [sflag:$0x6], $0x1400, $0x38;
	[tilespmem:$0x1F300] =	vst v63  }
0x56: {  	_ =	swait.ge [sflag:s28], $0x1400  }
0x57: {  	[sflag:s28] =	ssyncset.done $0x0  }
0x58: {  	[sflag:s28] =	ssyncadd.s32 $0xFFFFEC00  }
0x59: {  	[spmem:s24] =	stream.linear.scatter [tilespmem:s26], [sflag:$0x6], $0x1400, $0x38;
	[tilespmem:$0x1F300] =	vst v63  }
0x5a: {  	_ =	swait.ge [sflag:s28], $0x1400  }
0x5b: {  	[sflag:s28] =	ssyncset.done $0x0  }
0x5c: {  	[sflag:s28] =	ssyncadd.s32 $0xFFFFEC00  }
0x5d: {  	[bflag:$0x0] =	sbarrier.arrive $0xFFFF  }
0x5e: {  	s13 =	rddreg [dreg:$0x4]  }
0x5f: {  	[tilespmem:s3], [sflag:$0x6] =	stream.linear.gather [hbm4b:s13+s3], $0x2710, $0x38;
	[tilespmem:$0x1F300] =	vst v63  }
0x60: {  	_ =	swait.ge [sflag:s28], $0x2710  }
0x61: {  	[sflag:s28] =	ssyncset.done $0x0  }
0x62: {  	s13 =	simm.s32 $0x2780;
	s14 =	rddreg [dreg:$0x5];
	[sflag:s28] =	ssyncadd.s32 $0xFFFFD8F0  }
0x63: {  	[tilespmem:s13], [sflag:$0x6] =	stream.linear.gather [hbm4b:s14+s3], $0x2710, $0x38;
	[tilespmem:$0x1F300] =	vst v63  }
0x64: {  	_ =	swait.ge [sflag:s28], $0x2710  }
0x65: {  	[sflag:s28] =	ssyncset.done $0x0  }
0x66: {  	[sflag:s28] =	ssyncadd.s32 $0xFFFFD8F0  }
0x67: {  	[tilespmem:s26], [sflag:$0x1] =	stream.indirect.gather [hbm4b:s4+s30], $0x80, s3, s30, $0xb8;
	[tilespmem:$0x1F300] =	vst v63  }
0x68: {  	_ = 	snop  }
0x69: {  	[tilespmem:s31], [sflag:$0x2] =	stream.indirect.gather [hbm4b:s4+s30], $0x80, s30, s30, $0xb8;
	[tilespmem:$0x1F300] =	vst v63  }
0x6a: {  	s13 =	simm.s32 $0x50  }
0x6b: {  	[tilespmem:s0], [sflag:$0x3] =	stream.indirect.gather [hbm4b:s4+s30], $0x80, s13, s30, $0xb8;
	[tilespmem:$0x1F300] =	vst v63  }
0x6c: {  	s14 =	simm.s32 $0x78  }
0x6d: {  	[tilespmem:s1], [sflag:$0x4] =	stream.indirect.gather [hbm4b:s4+s30], $0x80, s14, s30, $0xb8;
	[tilespmem:$0x1F300] =	vst v63  }
0x6e: {  	s13 =	simm.s32 $0xA0  }
0x6f: {  	[tilespmem:s29], [sflag:$0x5] =	stream.indirect.gather [hbm4b:s4+s30], $0x80, s13, s30, $0xb8;
	[tilespmem:$0x1F300] =	vst v63  }
0x70: {  	_ =	swait.ge [sflag:s5], $0x1400  }
0x71: {  	[sflag:s5] =	ssyncset.done $0x0  }
0x72: {  	s14 =	simm.s32 $0x2780;
	[sflag:s5] =	ssyncadd.s32 $0xFFFFEC00  }
0x73: {  	[spmem:s2] =	stream.indirect.scatter.add.f32 [tilespmem:s26], [sflag:$0x6], $0x80, s14, s30, $0xb8;
	[tilespmem:$0x1F300] =	vst v63  }
0x74: {  	_ =	swait.ge [sflag:s28], $0x1400  }
0x75: {  	[sflag:s28] =	ssyncset.done $0x0  }
0x76: {  	s13 =	simm.s32 $0xC8;
	[sflag:s28] =	ssyncadd.s32 $0xFFFFEC00  }
0x77: {  	[tilespmem:s26], [sflag:$0x1] =	stream.indirect.gather [hbm4b:s4+s30], $0x80, s13, s30, $0xb8;
	[tilespmem:$0x1F300] =	vst v63  }
0x78: {  	_ =	swait.ge [sflag:s6], $0x1400  }
0x79: {  	[sflag:s6] =	ssyncset.done $0x0  }
0x7a: {  	s14 =	simm.s32 $0x27A8;
	[sflag:s6] =	ssyncadd.s32 $0xFFFFEC00  }
0x7b: {  	[spmem:s2] =	stream.indirect.scatter.add.f32 [tilespmem:s31], [sflag:$0x6], $0x80, s14, s30, $0xb8;
	[tilespmem:$0x1F300] =	vst v63  }
0x7c: {  	_ =	swait.ge [sflag:s28], $0x1400  }
0x7d: {  	[sflag:s28] =	ssyncset.done $0x0  }
0x7e: {  	s13 =	simm.s32 $0xF0;
	[sflag:s28] =	ssyncadd.s32 $0xFFFFEC00  }
0x7f: {  	[tilespmem:s31], [sflag:$0x2] =	stream.indirect.gather [hbm4b:s4+s30], $0x80, s13, s30, $0xb8;
	[tilespmem:$0x1F300] =	vst v63  }
0x80: {  	_ =	swait.ge [sflag:s7], $0x1400  }
0x81: {  	[sflag:s7] =	ssyncset.done $0x0  }
0x82: {  	s14 =	simm.s32 $0x27D0;
	[sflag:s7] =	ssyncadd.s32 $0xFFFFEC00  }
0x83: {  	[spmem:s2] =	stream.indirect.scatter.add.f32 [tilespmem:s0], [sflag:$0x6], $0x80, s14, s30, $0xb8;
	[tilespmem:$0x1F300] =	vst v63  }
0x84: {  	_ =	swait.ge [sflag:s28], $0x1400  }
0x85: {  	[sflag:s28] =	ssyncset.done $0x0  }
0x86: {  	s13 =	simm.s32 $0x118;
	[sflag:s28] =	ssyncadd.s32 $0xFFFFEC00  }
0x87: {  	[tilespmem:s0], [sflag:$0x3] =	stream.indirect.gather [hbm4b:s4+s30], $0x80, s13, s30, $0xb8;
	[tilespmem:$0x1F300] =	vst v63  }
0x88: {  	_ =	swait.ge [sflag:s9], $0x1400  }
0x89: {  	[sflag:s9] =	ssyncset.done $0x0  }
0x8a: {  	s14 =	simm.s32 $0x27F8;
	[sflag:s9] =	ssyncadd.s32 $0xFFFFEC00  }
0x8b: {  	[spmem:s2] =	stream.indirect.scatter.add.f32 [tilespmem:s1], [sflag:$0x6], $0x80, s14, s30, $0xb8;
	[tilespmem:$0x1F300] =	vst v63  }
0x8c: {  	_ =	swait.ge [sflag:s28], $0x1400  }
0x8d: {  	[sflag:s28] =	ssyncset.done $0x0  }
0x8e: {  	s13 =	simm.s32 $0x140;
	[sflag:s28] =	ssyncadd.s32 $0xFFFFEC00  }
0x8f: {  	[tilespmem:s1], [sflag:$0x4] =	stream.indirect.gather [hbm4b:s4+s30], $0x80, s13, s30, $0xb8;
	[tilespmem:$0x1F300] =	vst v63  }
0x90: {  	_ =	swait.ge [sflag:s10], $0x1400  }
0x91: {  	[sflag:s10] =	ssyncset.done $0x0  }
0x92: {  	s14 =	simm.s32 $0x2820;
	[sflag:s10] =	ssyncadd.s32 $0xFFFFEC00  }
0x93: {  	[spmem:s2] =	stream.indirect.scatter.add.f32 [tilespmem:s29], [sflag:$0x6], $0x80, s14, s30, $0xb8;
	[tilespmem:$0x1F300] =	vst v63  }
0x94: {  	_ =	swait.ge [sflag:s28], $0x1400  }
0x95: {  	[sflag:s28] =	ssyncset.done $0x0  }
0x96: {  	s12 =	simm.s32 $0x320;
	s13 =	simm.s32 $0x168;
	[sflag:s28] =	ssyncadd.s32 $0xFFFFEC00  }
.LBB2_2:
0x97: {  	[tilespmem:s29], [sflag:$0x5] =	stream.indirect.gather [hbm4b:s4+s30], $0x80, s13, s30, $0xb8;
	[tilespmem:$0x1F300] =	vst v63  }
0x98: {  	s13 =	smov.u32 s12  }
0x99: {  	p0 =	sne.s32 s12, $0x9600;
	s12 =	sadd.s32 $0x320, s12;
	_ =	swait.ge [sflag:s5], $0x1400  }
0x9a: {  	s13 =	sshra.s32 s13, $0x2;
	[sflag:s5] =	ssyncset.done $0x0  }
0x9b: {  	s14 =	sadd.s32 $0x2780, s13;
	[sflag:s5] =	ssyncadd.s32 $0xFFFFEC00  }
0x9c: {  	[spmem:s2] =	stream.indirect.scatter.add.f32 [tilespmem:s26], [sflag:$0x6], $0x80, s14, s30, $0xb8;
	[tilespmem:$0x1F300] =	vst v63  }
0x9d: {  	_ =	swait.ge [sflag:s28], $0x1400  }
0x9e: {  	[sflag:s28] =	ssyncset.done $0x0  }
0x9f: {  	s14 =	sadd.s32 $0xC8, s13;
	[sflag:s28] =	ssyncadd.s32 $0xFFFFEC00  }
0xa0: {  	[tilespmem:s26], [sflag:$0x1] =	stream.indirect.gather [hbm4b:s4+s30], $0x80, s14, s30, $0xb8;
	[tilespmem:$0x1F300] =	vst v63  }
0xa1: {  	_ =	swait.ge [sflag:s6], $0x1400  }
0xa2: {  	[sflag:s6] =	ssyncset.done $0x0  }
0xa3: {  	s14 =	sadd.s32 $0x27A8, s13;
	[sflag:s6] =	ssyncadd.s32 $0xFFFFEC00  }
0xa4: {  	[spmem:s2] =	stream.indirect.scatter.add.f32 [tilespmem:s31], [sflag:$0x6], $0x80, s14, s30, $0xb8;
	[tilespmem:$0x1F300] =	vst v63  }
0xa5: {  	_ =	swait.ge [sflag:s28], $0x1400  }
0xa6: {  	[sflag:s28] =	ssyncset.done $0x0  }
0xa7: {  	s14 =	sadd.s32 $0xF0, s13;
	[sflag:s28] =	ssyncadd.s32 $0xFFFFEC00  }
0xa8: {  	[tilespmem:s31], [sflag:$0x2] =	stream.indirect.gather [hbm4b:s4+s30], $0x80, s14, s30, $0xb8;
	[tilespmem:$0x1F300] =	vst v63  }
0xa9: {  	_ =	swait.ge [sflag:s7], $0x1400  }
0xaa: {  	[sflag:s7] =	ssyncset.done $0x0  }
0xab: {  	s14 =	sadd.s32 $0x27D0, s13;
	[sflag:s7] =	ssyncadd.s32 $0xFFFFEC00  }
0xac: {  	[spmem:s2] =	stream.indirect.scatter.add.f32 [tilespmem:s0], [sflag:$0x6], $0x80, s14, s30, $0xb8;
	[tilespmem:$0x1F300] =	vst v63  }
0xad: {  	_ =	swait.ge [sflag:s28], $0x1400  }
0xae: {  	[sflag:s28] =	ssyncset.done $0x0  }
0xaf: {  	s14 =	sadd.s32 $0x118, s13;
	[sflag:s28] =	ssyncadd.s32 $0xFFFFEC00  }
0xb0: {  	[tilespmem:s0], [sflag:$0x3] =	stream.indirect.gather [hbm4b:s4+s30], $0x80, s14, s30, $0xb8;
	[tilespmem:$0x1F300] =	vst v63  }
0xb1: {  	_ =	swait.ge [sflag:s9], $0x1400  }
0xb2: {  	[sflag:s9] =	ssyncset.done $0x0  }
0xb3: {  	s14 =	sadd.s32 $0x27F8, s13;
	[sflag:s9] =	ssyncadd.s32 $0xFFFFEC00  }
0xb4: {  	[spmem:s2] =	stream.indirect.scatter.add.f32 [tilespmem:s1], [sflag:$0x6], $0x80, s14, s30, $0xb8;
	[tilespmem:$0x1F300] =	vst v63  }
0xb5: {  	_ =	swait.ge [sflag:s28], $0x1400  }
0xb6: {  	[sflag:s28] =	ssyncset.done $0x0  }
0xb7: {  	s14 =	sadd.s32 $0x140, s13;
	[sflag:s28] =	ssyncadd.s32 $0xFFFFEC00  }
0xb8: {  	[tilespmem:s1], [sflag:$0x4] =	stream.indirect.gather [hbm4b:s4+s30], $0x80, s14, s30, $0xb8;
	[tilespmem:$0x1F300] =	vst v63  }
0xb9: {  	_ =	swait.ge [sflag:s10], $0x1400  }
0xba: {  	[sflag:s10] =	ssyncset.done $0x0  }
.Ltmp0:
0xbb: {  	s14 =	sadd.s32 $0x2820, s13;
	[sflag:s10] =	ssyncadd.s32 $0xFFFFEC00;
	(pc) =	sbr.rel @p0 .LBB2_2-.Ltmp0, $4  }
0xbc: {  	[spmem:s2] =	stream.indirect.scatter.add.f32 [tilespmem:s29], [sflag:$0x6], $0x80, s14, s30, $0xb8;
	[tilespmem:$0x1F300] =	vst v63  }
0xbd: {  	_ =	swait.ge [sflag:s28], $0x1400  }
0xbe: {  	[sflag:s28] =	ssyncset.done $0x0  }
0xbf: {  	s13 =	sadd.s32 $0x168, s13;
	[sflag:s28] =	ssyncadd.s32 $0xFFFFEC00  }
0xc0: {  	[tilespmem:s29], [sflag:$0x5] =	stream.indirect.gather [hbm4b:s4+s30], $0x80, s13, s30, $0xb8;
	[tilespmem:$0x1F300] =	vst v63  }
0xc1: {  	_ =	swait.ge [sflag:s5], $0x1400  }
0xc2: {  	[sflag:s5] =	ssyncset.done $0x0  }
0xc3: {  	s12 =	simm.s32 $0x4DC8;
	[sflag:s5] =	ssyncadd.s32 $0xFFFFEC00  }
0xc4: {  	[spmem:s2] =	stream.indirect.scatter.add.f32 [tilespmem:s26], [sflag:$0x6], $0x80, s12, s30, $0xb8;
	[tilespmem:$0x1F300] =	vst v63  }
0xc5: {  	_ =	swait.ge [sflag:s28], $0x1400  }
0xc6: {  	[sflag:s28] =	ssyncset.done $0x0  }
0xc7: {  	[sflag:s28] =	ssyncadd.s32 $0xFFFFEC00  }
0xc8: {  	_ =	swait.ge [sflag:s6], $0x1400  }
0xc9: {  	[sflag:s6] =	ssyncset.done $0x0  }
0xca: {  	s14 =	simm.s32 $0x4DF0;
	[sflag:s6] =	ssyncadd.s32 $0xFFFFEC00  }
0xcb: {  	[spmem:s2] =	stream.indirect.scatter.add.f32 [tilespmem:s31], [sflag:$0x6], $0x80, s14, s30, $0xb8;
	[tilespmem:$0x1F300] =	vst v63  }
0xcc: {  	_ =	swait.ge [sflag:s28], $0x1400  }
0xcd: {  	[sflag:s28] =	ssyncset.done $0x0  }
0xce: {  	[sflag:s28] =	ssyncadd.s32 $0xFFFFEC00  }
0xcf: {  	_ =	swait.ge [sflag:s7], $0x1400  }
0xd0: {  	[sflag:s7] =	ssyncset.done $0x0  }
0xd1: {  	s13 =	simm.s32 $0x4E18;
	[sflag:s7] =	ssyncadd.s32 $0xFFFFEC00  }
0xd2: {  	[spmem:s2] =	stream.indirect.scatter.add.f32 [tilespmem:s0], [sflag:$0x6], $0x80, s13, s30, $0xb8;
	[tilespmem:$0x1F300] =	vst v63  }
0xd3: {  	_ =	swait.ge [sflag:s28], $0x1400  }
0xd4: {  	[sflag:s28] =	ssyncset.done $0x0  }
0xd5: {  	[sflag:s28] =	ssyncadd.s32 $0xFFFFEC00  }
0xd6: {  	_ =	swait.ge [sflag:s9], $0x1400  }
0xd7: {  	[sflag:s9] =	ssyncset.done $0x0  }
0xd8: {  	s14 =	simm.s32 $0x4E40;
	[sflag:s9] =	ssyncadd.s32 $0xFFFFEC00  }
0xd9: {  	[spmem:s2] =	stream.indirect.scatter.add.f32 [tilespmem:s1], [sflag:$0x6], $0x80, s14, s30, $0xb8;
	[tilespmem:$0x1F300] =	vst v63  }
0xda: {  	_ =	swait.ge [sflag:s28], $0x1400  }
0xdb: {  	[sflag:s28] =	ssyncset.done $0x0  }
0xdc: {  	[sflag:s28] =	ssyncadd.s32 $0xFFFFEC00  }
0xdd: {  	_ =	swait.ge [sflag:s10], $0x1400  }
0xde: {  	[sflag:s10] =	ssyncset.done $0x0  }
0xdf: {  	s13 =	simm.s32 $0x4E68;
	[sflag:s10] =	ssyncadd.s32 $0xFFFFEC00  }
0xe0: {  	[spmem:s2] =	stream.indirect.scatter.add.f32 [tilespmem:s29], [sflag:$0x6], $0x80, s13, s30, $0xb8;
	[tilespmem:$0x1F300] =	vst v63  }
0xe1: {  	_ =	swait.ge [sflag:s28], $0x1400  }
0xe2: {  	[sflag:s28] =	ssyncset.done $0x0  }
0xe3: {  	[sflag:s28] =	ssyncadd.s32 $0xFFFFEC00  }
0xe4: {  	[bflag:$0x0] =	sbarrier.arrive $0xFFFF  }
0xe5: {  	[tilespmem:s26], [sflag:$0x6] =	stream.linear.gather [spmem:s8], $0x1400, $0x38;
	[tilespmem:$0x1F300] =	vst v63  }
0xe6: {  	_ =	swait.ge [sflag:s28], $0x1400  }
0xe7: {  	[sflag:s28] =	ssyncset.done $0x0  }
0xe8: {  	s14 =	sadd.s32 $0x0, s25;
	[sflag:s28] =	ssyncadd.s32 $0xFFFFEC00  }
0xe9: {  	[hbm4b:s14+s3] =	stream.linear.scatter [tilespmem:s26], [sflag:$0x6], $0x1400, $0x38;
	[tilespmem:$0x1F300] =	vst v63  }
0xea: {  	_ =	swait.ge [sflag:s28], $0x1400  }
0xeb: {  	s12 =	simm.s32 $0x280;
	s13 =	smov.u32 s8;
	[sflag:s28] =	ssyncset.done $0x0  }
.LBB2_4:
0xec: {  	p0 =	sne.s32 s12, $0x2580;
	[sflag:s28] =	ssyncadd.s32 $0xFFFFEC00;
	s13 =	sadd.s32 $0x1400, s13  }
0xed: {  	[tilespmem:s26], [sflag:$0x6] =	stream.linear.gather [spmem:s13], $0x1400, $0x38;
	[tilespmem:$0x1F300] =	vst v63  }
0xee: {  	s14 =	smov.u32 s12;
	s12 =	sadd.s32 $0x280, s12;
	_ =	swait.ge [sflag:s28], $0x1400  }
.Ltmp1:
0xef: {  	[sflag:s28] =	ssyncset.done $0x0;
	(pc) =	sbr.rel @p0 .LBB2_4-.Ltmp1, $4  }
0xf0: {  	s14 =	sadd.s32 s14, s25;
	[sflag:s28] =	ssyncadd.s32 $0xFFFFEC00  }
0xf1: {  	[hbm4b:s14+s3] =	stream.linear.scatter [tilespmem:s26], [sflag:$0x6], $0x1400, $0x38;
	[tilespmem:$0x1F300] =	vst v63  }
0xf2: {  	_ =	swait.ge [sflag:s28], $0x1400  }
0xf3: {  	[sflag:s28] =	ssyncset.done $0x0  }
0xf4: {  	s11 =	sadd.s32 $0x1, s11;
	s12 =	rddreg [dreg:$0x6]  }
0xf5: {  	p0 =	sne.s32 s11, s12  }
.Ltmp2:
0xf6: {  	_ = 	snop;
	(pc) =	sbr.rel @p0 .LBB2_1-.Ltmp2, $2  }
0xf7: {  	_ =	sdelay $0x2  }
0xf8: {  	[sflag:s28] =	ssyncadd.s32 $0xFFFFEC00  }
0xf9: {  	_ =	sfence.sel $0x180000  }
0xfa: {  	[bflag:$0x0] =	sbarrier.arrive $0xFFFF  }
0xfb: {  	_ =	strace $0x9000004A  }
0xfc: {  	s0 =	stileid.u32;
	[bflag:$0x2] =	sbarrier.arrive $0xFFFF  }
0xfd: {  	p0 =	sne.s32 s0, $0x0;
	s0 =	rddreg [dreg:$0x2]  }
0xfe: {  	s0 =	sadd.s32 @!p0 $0x100000, s0  }
0xff: {  	[sflag:s0] =	ssyncadd.tile.s32 @!p0 $0x1;
	_ =	shalt  }
.Lfunc_end2:
_tile_overlayer_lowered:
.L_overlay_start_2:
0x100: {  	(tag) =	ssettag $0x2  }
0x101: {  	s0 =	rddreg [dreg:$0x0];
	s2 =	stileid.u32  }
0x102: {  	s1 =	rddreg [dreg:$0x1];
	p0 =	sne.s32 s2, $0x0  }
0x103: {  	s3 =	rddreg [dreg:$0x2];
	[bflag:$0x3] =	sbarrier.arrive $0xFFFF;
	s2 =	simm.s32 @!p0 $0x1C06  }
0x104: {  	[timem:s3], [sflag:s2] =	dma.local @!p0 [hbm:s0], s1  }
0x105: {  	s0 =	simm.s32 @!p0 $0x6  }
0x106: {  	_ =	swait.ge @!p0 [sflag:s0], s1  }
0x107: {  	s1 =	ssub.s32 @!p0 $0x0, s1;
	[sflag:s0] =	ssyncset.done @!p0 $0x0  }
0x108: {  	[sflag:s0] =	ssyncadd.s32 @!p0 s1  }
0x109: {  	[bflag:$0x3] =	sbarrier.arrive $0xFFFF  }
0x10a: {  	_ =	shalt  }

// kernel: kernel.8.cloned.1.call-start
scs
__scs_entry_jumppad:
0x0: {  	(pc) =	sbr.rel $0x88, $3  }
0x1: {  	(tag) =	ssettag $0x0;
	lr =	simm.s32 $0x1  }
0x2: {  	[smem:$0x3F99] =	sst lr;
	_ =	strace $0xD0000000  }
0x3: {  	_ = 	snop  }
0x4: {  	_ = 	snop  }
0x5: {  	_ = 	snop  }
0x6: {  	_ = 	snop  }
0x7: {  	_ = 	snop  }
__scs_overlays_trampoline_lowered:
0x8: {  	[smem:$0x3FA8] =	sst s0  }
0x9: {  	[smem:$0x3FA9] =	sst s1  }
0xa: {  	[smem:$0x3FAA] =	sst s2  }
0xb: {  	[smem:$0x3FAB] =	sst s3  }
0xc: {  	[smem:$0x3FAC] =	sst s4  }
0xd: {  	[smem:$0x3FAD] =	sst s5  }
0xe: {  	[smem:$0x3FAE] =	sst s6  }
0xf: {  	[smem:$0x3FAF] =	sst s7  }
0x10: {  	[smem:$0x3FB0] =	sst s8  }
0x11: {  	[smem:$0x3FB1] =	sst s9;
	s0 =	simm.s32 @!p0 $0x0  }
0x12: {  	s1 =	sld [smem:$0x3F97];
	s0 =	simm.s32 @p0 $0x1  }
0x13: {  	[smem:$0x3FB2] =	sst s0;
	s0 =	simm.s32 @!p1 $0x0  }
0x14: {  	s2 =	sld [smem:$0x3F96];
	s0 =	simm.s32 @p1 $0x1  }
0x15: {  	[smem:$0x3FB3] =	sst s0;
	s0 =	simm.s32 @!p2 $0x0  }
0x16: {  	s3 =	sld [smem:$0x3FDB];
	s0 =	simm.s32 @p2 $0x1  }
0x17: {  	s4 =	simm.s32 $0x1BF5;
	[smem:$0x3FB5] =	sst s0  }
0x18: {  	s0 =	sld [smem:$0x3F98];
	_ =	swait.ge [sflag:s4], $0x0  }
0x19: {  	s7 =	sld [smem:$0x3F99]  }
0x1a: {  	s8 =	sadd.s32 $0xFFFFE003, lr  }
0x1b: {  	s9 =	sadd.s32 $0xFFFFFEF7, lr;
	s5 =	simm.s32 $0xFFFFFFFF;
	p2 =	slt.u32 s8, $0xFFFFF086  }
0x1c: {  	p1 =	slt.u32 s9, $0xF7A;
	s5 =	simm.s32 @!p2 $0x0  }
0x1d: {  	s5 =	simm.s32 @p1 $0x1;
	p0 =	seq.s32 s7, s2  }
0x1e: {  	s7 =	smul.u32 @!p0 $0xF7A, s2;
	p2 =	seq.s32 @!p0 s5, $0x0  }
0x1f: {  	s9 =	smul.u32 $0xF7A, s1;
	s8 =	simm.s32 @!p0 $0x1BF5;
	p2 =	por !p2, p0  }
0x20: {  	[sflag:s8] =	ssyncset.s32 @!p0 $0xFFFFF086;
	s6 =	sadd.s32 @!p0 s3, s7;
	s7 =	simm.s32 @!p0 $0x108  }
0x21: {  	s3 =	sadd.s32 s3, s9;
	s6 =	sadd.s32 @!p0 $0x88, s6;
	s7 =	simm.s32 @p2 $0x1082  }
0x22: {  	[simem:s7], [sflag:s8] =	dma.local @!p0 [hbm:s6], $0xF7A  }
0x23: {  	s9 =	sor.u32 $0xD0000000, s2;
	s6 =	simm.s32 $0x108;
	_ =	swait.ge @!p0 [sflag:s8], $0x0  }
0x24: {  	s3 =	sadd.s32 $0x88, s3;
	s6 =	simm.s32 @!p1 $0x1082;
	[sflag:s4] =	ssyncset.s32 $0xFFFFF086  }
0x25: {  	[simem:s6], [sflag:s4] =	dma.local [hbm:s3], $0xF7A  }
0x26: {  	[smem:$0x3F99] =	sst s1;
	(tag) =	ssettag s2;
	_ =	strace s9  }
0x27: {  	s1 =	sld [smem:$0x3FA9]  }
0x28: {  	s2 =	sld [smem:$0x3FAA]  }
0x29: {  	s4 =	sld [smem:$0x3FAC]  }
0x2a: {  	p0 =	seq.s32 s5, $0x0;
	s5 =	sld [smem:$0x3FAD]  }
0x2b: {  	s6 =	sld [smem:$0x3FAE]  }
0x2c: {  	s7 =	sld [smem:$0x3FAF]  }
0x2d: {  	s3 =	simm.s32 $0x108;
	s8 =	sld [smem:$0x3FB0]  }
0x2e: {  	s3 =	simm.s32 @!p0 $0x1082;
	s9 =	sld [smem:$0x3FB1]  }
0x2f: {  	lr =	sadd.s32 s0, s3;
	s0 =	sld [smem:$0x3FA8]  }
0x30: {  	s3 =	sld [smem:$0x3FAB]  }
0x31: {  	[smem:$0x3FB4] =	sst s10  }
0x32: {  	s10 =	sld [smem:$0x3FB2];
	_ =	sdelay $0x3  }
0x33: {  	p0 =	seq.s32 s10, $0x1;
	s10 =	sld [smem:$0x3FB4];
	_ =	sdelay $0x3  }
0x34: {  	[smem:$0x3FB4] =	sst s10  }
0x35: {  	s10 =	sld [smem:$0x3FB3];
	_ =	sdelay $0x3  }
0x36: {  	p1 =	seq.s32 s10, $0x1;
	s10 =	sld [smem:$0x3FB4];
	_ =	sdelay $0x3  }
0x37: {  	[smem:$0x3FB4] =	sst s10  }
0x38: {  	s10 =	sld [smem:$0x3FB5]  }
0x39: {  	_ = 	snop;
	(pc) =	sbr.ind lr, $3  }
0x3a: {  	_ = 	snop  }
0x3b: {  	_ = 	snop  }
0x3c: {  	p2 =	seq.s32 s10, $0x1;
	s10 =	sld [smem:$0x3FB4]  }
0x3d: {  	_ =	shalt  }
0x3e: {  	_ =	shalt  }
0x3f: {  	_ =	shalt  }
0x40: {  	_ =	shalt  }
0x41: {  	_ =	shalt  }
0x42: {  	_ =	shalt  }
0x43: {  	_ =	shalt  }
0x44: {  	_ =	shalt  }
0x45: {  	_ =	shalt  }
0x46: {  	_ =	shalt  }
0x47: {  	_ =	shalt  }
0x48: {  	_ =	shalt  }
0x49: {  	_ =	shalt  }
0x4a: {  	_ =	shalt  }
0x4b: {  	_ =	shalt  }
0x4c: {  	_ =	shalt  }
0x4d: {  	_ =	shalt  }
0x4e: {  	_ =	shalt  }
0x4f: {  	_ =	shalt  }
0x50: {  	_ =	shalt  }
0x51: {  	_ =	shalt  }
0x52: {  	_ =	shalt  }
0x53: {  	_ =	shalt  }
0x54: {  	_ =	shalt  }
0x55: {  	_ =	shalt  }
0x56: {  	_ =	shalt  }
0x57: {  	_ =	shalt  }
0x58: {  	_ =	shalt  }
0x59: {  	_ =	shalt  }
0x5a: {  	_ =	shalt  }
0x5b: {  	_ =	shalt  }
0x5c: {  	_ =	shalt  }
0x5d: {  	_ =	shalt  }
0x5e: {  	_ =	shalt  }
0x5f: {  	_ =	shalt  }
0x60: {  	_ =	shalt  }
0x61: {  	_ =	shalt  }
0x62: {  	_ =	shalt  }
0x63: {  	_ =	shalt  }
0x64: {  	_ =	shalt  }
0x65: {  	_ =	shalt  }
0x66: {  	_ =	shalt  }
0x67: {  	_ =	shalt  }
0x68: {  	_ =	shalt  }
0x69: {  	_ =	shalt  }
0x6a: {  	_ =	shalt  }
0x6b: {  	_ =	shalt  }
0x6c: {  	_ =	shalt  }
0x6d: {  	_ =	shalt  }
0x6e: {  	_ =	shalt  }
0x6f: {  	_ =	shalt  }
0x70: {  	_ =	shalt  }
0x71: {  	_ =	shalt  }
0x72: {  	_ =	shalt  }
0x73: {  	_ =	shalt  }
0x74: {  	_ =	shalt  }
0x75: {  	_ =	shalt  }
0x76: {  	_ =	shalt  }
0x77: {  	_ =	shalt  }
0x78: {  	_ =	shalt  }
0x79: {  	_ =	shalt  }
0x7a: {  	_ =	shalt  }
0x7b: {  	_ =	shalt  }
0x7c: {  	_ =	shalt  }
0x7d: {  	_ =	shalt  }
0x7e: {  	_ =	shalt  }
0x7f: {  	_ =	shalt  }
0x80: {  	_ =	shalt  }
0x81: {  	_ =	shalt  }
0x82: {  	_ =	shalt  }
0x83: {  	_ =	shalt  }
0x84: {  	_ =	shalt  }
0x85: {  	_ =	shalt  }
0x86: {  	_ =	shalt  }
0x87: {  	_ =	shalt  }
.Lfunc_end0:
.L_simem_size_0:
called_computation_lowered:
.L_overlay_start_0:
0x88: {  	s2 =	sld [smem:$0x3FD9]  }
0x89: {  	s3 =	sld [smem:$0x3FFE];
	_ =	sdelay $0x1  }
0x8a: {  	s1 =	srdreg.scid  }
0x8b: {  	s0 =	sand.u32 $0x1, s1  }
0x8c: {  	s17 =	sshll.u32 s0, $0xA;
	s2 =	sadd.s32 s3, s2  }
0x8d: {  	s2 =	sadd.s32 s2, s17  }
0x8e: {  	[smem:$0x3FC0] =	sst s2  }
0x8f: {  	_ = 	snop  }
0x90: {  	s2 =	sld [smem:$0x3FD0];
	(tm) =	ssettm $0x1  }
0x91: {  	s18 =	sld [smem:$0x3FFB];
	_ =	sdelay $0x3  }
0x92: {  	_ =	strace s18  }
0x93: {  	s3 =	sld [smem:$0x3FFC];
	_ =	sdelay $0x3  }
0x94: {  	_ =	strace s3  }
0x95: {  	s3 =	sld [smem:$0x3FFD];
	_ =	sdelay $0x3  }
0x96: {  	_ =	strace s3  }
0x97: {  	_ =	strace $0x8FFFFFFF  }
0x98: {  	s19 =	sld [smem:$0x3FDB];
	_ =	sdelay $0x1  }
0x99: {  	s4 =	simm.s32 $_scs_section_size  }
0x9a: {  	s5 =	simm.s32 $_size__tile_overlayer_lowered;
	s6 =	simm.s32 $_tile_overlayer_lowered  }
0x9b: {  	s22 =	simm.s32 $0x1BFF;
	s21 =	sshll.u32 s6, $0x1;
	s3 =	sadd.s32 s4, s19  }
0x9c: {  	s7 =	simm.s32 $0x0;
	s20 =	sshll.u32 s5, $0x1;
	s5 =	sadd.s32 s21, s3  }
0x9d: {  	[timem:s7], [sflag:s22] =	dma.local [hbm:s5], s20  }
0x9e: {  	_ =	swait.ge [sflag:s22], s20  }
0x9f: {  	s4 =	ssub.s32 $0x0, s20;
	[sflag:s22] =	ssyncset.done $0x0  }
0xa0: {  	[sflag:s22] =	ssyncadd.s32 s4;
	_ =	sdelay $0x1  }
0xa1: {  	s23 =	simm.s32 $0x1B8B  }
0xa2: {  	_ =	swait.ge [sflag:s23], $0x1  }
0xa3: {  	[sflag:s23] =	ssyncset.done $0x0  }
0xa4: {  	s25 =	simm.s32 $0x1B8E;
	s24 =	sld [smem:$0x3FFE];
	[sflag:s23] =	ssyncadd.s32 $0xFFFFFFFF  }
0xa5: {  	s26 =	simm.s32 $execute0_lowered;
	[smem:$0x3FD2] =	sst s25  }
0xa6: {  	s5 =	sshll.u32 s26, $0x1;
	_ =	strace $0x80000046;
	[dreg:$0x1] =	wrdreg $0xFFFFFFFF  }
0xa7: {  	s28 =	simm.s32 $_size_execute0_lowered;
	s3 =	sadd.s32 s3, s5;
	[dreg:$0x0] =	wrdreg $0x0  }
0xa8: {  	s5 =	sshll.u32 s28, $0x1;
	[dreg:$0x2] =	wrdreg s3  }
0xa9: {  	[dreg:$0x3] =	wrdreg s5  }
0xaa: {  	[dreg:$0x4] =	wrdreg $0xC0  }
0xab: {  	_ =	task [dreg:s7], $0x5FFFF  }
0xac: {  	[dreg:$0x1] =	wrdreg $0xFFFFFFFF  }
0xad: {  	[dreg:$0x0] =	wrdreg $0x60  }
0xae: {  	[dreg:$0x2] =	wrdreg s24  }
0xaf: {  	[dreg:$0x3] =	wrdreg s2  }
0xb0: {  	[dreg:$0x4] =	wrdreg $0xA0000  }
0xb1: {  	[dreg:$0x5] =	wrdreg $0x9  }
0xb2: {  	_ =	task.clear_ibuf [dreg:s7], $0x6FFFF;
	_ =	strace $0x90000046  }
0xb3: {  	s29 =	simm.s32 $0x9;
	_ =	strace $0x80000048  }
0xb4: {  	_ =	swait.ge [sflag:s29], $0x1  }
0xb5: {  	[sflag:s29] =	ssyncadd.s32 $0xFFFFFFFF  }
0xb6: {  	_ =	strace $0x90000048  }
0xb7: {  	_ =	sfence  }
0xb8: {  	s30 =	sld [smem:$0x0];
	_ =	sdelay $0x2  }
0xb9: {  	s31 =	sshll.u32 s1, $0xD;
	s1 =	sshrl.u32 s1, $0x2  }
0xba: {  	s3 =	sand.u32 $0x4000, s31;
	s1 =	sadd.s32 s1, s30  }
0xbb: {  	s0 =	sor.u32 s3, s0;
	s1 =	sshll.u32 s1, $0x11  }
0xbc: {  	s0 =	sor.u32 s1, s0  }
0xbd: {  	s0 =	sadd.s32 $0x8F2B, s0  }
0xbe: {  	[sflag:s0] =	ssyncadd.remote.s32 $0x1  }
0xbf: {  	_ =	sfence.sel $0xFFFF  }
0xc0: {  	[dreg:$0x0] =	wrdreg $0xFFFFFFFF;
	(pc) =	sbr.abs _section_cstart, $3  }
0xc1: {  	[dreg:$0x1] =	wrdreg $0xFFFFFFFF  }
0xc2: {  	_ =	task.clear_ibuf [dreg:s7], $0x2FFFF;
	_ =	strace $0x9FFFFFFF  }
0xc3: {  	(tm) =	ssettm $0x7FFFFFFF  }
tec
execute0_lowered:
.L_overlay_start_1:
0x0: {  	(tag) =	ssettag $0x1  }
0x1: {  	s0 =	rddreg [dreg:$0x0]  }
0x2: {  	s3 =	rddreg [dreg:$0x1]  }
0x3: {  	s1 =	rddreg [dreg:$0x2];
	s2 =	simm.s32 $0x0  }
0x4: {  	s4 =	srdreg.scid;
	s12 =	stileid.u32;
	s30 =	simm.s32 $0x2800  }
0x5: {  	s31 =	simm.s32 $0x5;
	[smem:$0x7FF] =	sst s2;
	s5 =	sand.u32 $0x1, s4  }
0x6: {  	s7 =	sadd.s32 $0xBE00, s0;
	s8 =	smul.u32 $0x14000, s12;
	s9 =	sadd.s32 $0x2000, s0  }
0x7: {  	s10 =	sadd.s32 $0x3DC00, s0;
	s19 =	sshll.u32 s12, $0x1;
	s25 =	smul.u32 $0x50000, s12  }
0x8: {  	s23 =	sshrl.u32 s12, $0x2;
	_ =	strace $0x80000047;
	s6 =	smul.u32 $0x140000, s5  }
0x9: {  	[dreg:$0x4] =	wrdreg s10;
	s20 =	ssub.s32 $0x2, s5;
	s5 =	sor.u32 s5, s19  }
0xa: {  	s21 =	sshrl.u32 s20, $0x1;
	s11 =	smul.u32 $0x2710, s5;
	s5 =	sshll.u32 s5, $0x7  }
0xb: {  	s12 =	sshrl.u32 s25, $0x2;
	s6 =	sadd.s32 s8, s6;
	s22 =	ssub.s32 s20, s21  }
0xc: {  	s8 =	smul.u32 $0x14000, s23;
	s24 =	sshrl.u32 s11, $0x3;
	s14 =	smax.u32 s22, $0x1  }
0xd: {  	s5 =	sand.u32 $0x380, s5;
	s11 =	sadd.s32 s7, s24;
	[dreg:$0xa] =	wrdreg s14  }
0xe: {  	s26 =	sadd.s32 s9, s24;
	s10 =	sadd.s32 $0x280, s24;
	[dreg:$0x5] =	wrdreg s11  }
0xf: {  	s5 =	sor.u32 s8, s5;
	[dreg:$0x6] =	wrdreg s26;
	s7 =	sadd.s32 s7, s10  }
0x10: {  	s5 =	sshrl.u32 s5, $0x3;
	s13 =	sadd.s32 s9, s10;
	[dreg:$0x7] =	wrdreg s7  }
0x11: {  	s11 =	sadd.s32 s12, s1;
	[dreg:$0x8] =	wrdreg s13;
	s3 =	sadd.s32 s3, s5  }
0x12: {  	s4 =	sadd.s32 $0x15C00, s0;
	s15 =	sadd.s32 $0x1400, s11;
	[dreg:$0x9] =	wrdreg s3  }
0x13: {  	s6 =	sshrl.u32 s6, $0x3;
	s16 =	sadd.s32 $0x2800, s11;
	[dreg:$0xb] =	wrdreg s15  }
0x14: {  	s0 =	sadd.s32 s6, s0;
	s17 =	sadd.s32 $0x3C00, s11;
	[dreg:$0xc] =	wrdreg s16  }
0x15: {  	s6 =	simm.s32 $0x50;
	s18 =	sadd.s32 $0x5000, s11;
	[dreg:$0xd] =	wrdreg s17  }
0x16: {  	s8 =	simm.s32 $0x78;
	s19 =	sadd.s32 $0x6400, s11;
	[dreg:$0xe] =	wrdreg s18  }
0x17: {  	s14 =	simm.s32 $0x7800;
	s20 =	sadd.s32 $0x7800, s11;
	[dreg:$0xf] =	wrdreg s19  }
0x18: {  	s9 =	simm.s32 $0x6400;
	s21 =	sadd.s32 $0x8C00, s11;
	[dreg:$0x10] =	wrdreg s20  }
0x19: {  	s10 =	simm.s32 $0x1;
	s22 =	sadd.s32 $0xA000, s11;
	[dreg:$0x11] =	wrdreg s21  }
0x1a: {  	s12 =	simm.s32 $0x2;
	s23 =	sadd.s32 $0xB400, s11;
	[dreg:$0x12] =	wrdreg s22  }
0x1b: {  	s24 =	sadd.s32 $0xC800, s11;
	s25 =	sadd.s32 $0xDC00, s11;
	[dreg:$0x13] =	wrdreg s23  }
0x1c: {  	s26 =	sadd.s32 $0xF000, s11;
	s28 =	sadd.s32 $0x11800, s11;
	[dreg:$0x14] =	wrdreg s24  }
0x1d: {  	s29 =	sadd.s32 $0x12C00, s11;
	s5 =	simm.s32 $0x3C00;
	[dreg:$0x15] =	wrdreg s25  }
0x1e: {  	s7 =	simm.s32 $0x5000;
	s13 =	simm.s32 $0x4;
	[dreg:$0x16] =	wrdreg s26  }
0x1f: {  	s25 =	sadd.s32 $0x3E000, s0;
	s26 =	sadd.s32 $0x10400, s11;
	s20 =	simm.s32 $0x1400  }
0x20: {  	v0 =	vimm.f32 $0.0e+00;
	v1 =	vimm.f32 $1.000000000e+00;
	s3 =	simm.s32 $0x28;
	s15 =	simm.s32 $0x3;
	s16 =	simm.s32 $0x0  }
.LBB2_1:
0x21: {  	s0 =	rddreg [dreg:$0x4]  }
0x22: {  	[tilespmem:s30], [sflag:$0x5] =	stream.linear.gather [hbm4b:s0+s2], $0x1400, $0x38;
	[tilespmem:$0x1E000] =	vst v63  }
0x23: {  	_ =	swait.ge [sflag:s31], $0x1400  }
0x24: {  	[sflag:s31] =	ssyncset.done $0x0  }
0x25: {  	[sflag:s31] =	ssyncadd.s32 $0xFFFFEC00  }
0x26: {  	[spmem:s11] =	stream.linear.scatter [tilespmem:s30], [sflag:$0x5], $0x1400, $0x38;
	[tilespmem:$0x1E000] =	vst v63  }
0x27: {  	_ =	swait.ge [sflag:s31], $0x1400  }
0x28: {  	[sflag:s31] =	ssyncset.done $0x0  }
0x29: {  	s19 =	rddreg [dreg:$0xb];
	[sflag:s31] =	ssyncadd.s32 $0xFFFFEC00  }
0x2a: {  	[spmem:s19] =	stream.linear.scatter [tilespmem:s30], [sflag:$0x5], $0x1400, $0x38;
	[tilespmem:$0x1E000] =	vst v63  }
0x2b: {  	_ =	swait.ge [sflag:s31], $0x1400  }
0x2c: {  	[sflag:s31] =	ssyncset.done $0x0  }
0x2d: {  	s21 =	rddreg [dreg:$0xc];
	[sflag:s31] =	ssyncadd.s32 $0xFFFFEC00  }
0x2e: {  	[spmem:s21] =	stream.linear.scatter [tilespmem:s30], [sflag:$0x5], $0x1400, $0x38;
	[tilespmem:$0x1E000] =	vst v63  }
0x2f: {  	_ =	swait.ge [sflag:s31], $0x1400  }
0x30: {  	[sflag:s31] =	ssyncset.done $0x0  }
0x31: {  	s22 =	rddreg [dreg:$0xd];
	[sflag:s31] =	ssyncadd.s32 $0xFFFFEC00  }
0x32: {  	[spmem:s22] =	stream.linear.scatter [tilespmem:s30], [sflag:$0x5], $0x1400, $0x38;
	[tilespmem:$0x1E000] =	vst v63  }
0x33: {  	_ =	swait.ge [sflag:s31], $0x1400  }
0x34: {  	[sflag:s31] =	ssyncset.done $0x0  }
0x35: {  	s23 =	rddreg [dreg:$0xe];
	[sflag:s31] =	ssyncadd.s32 $0xFFFFEC00  }
0x36: {  	[spmem:s23] =	stream.linear.scatter [tilespmem:s30], [sflag:$0x5], $0x1400, $0x38;
	[tilespmem:$0x1E000] =	vst v63  }
0x37: {  	_ =	swait.ge [sflag:s31], $0x1400  }
0x38: {  	[sflag:s31] =	ssyncset.done $0x0  }
0x39: {  	s24 =	rddreg [dreg:$0xf];
	[sflag:s31] =	ssyncadd.s32 $0xFFFFEC00  }
0x3a: {  	[spmem:s24] =	stream.linear.scatter [tilespmem:s30], [sflag:$0x5], $0x1400, $0x38;
	[tilespmem:$0x1E000] =	vst v63  }
0x3b: {  	_ =	swait.ge [sflag:s31], $0x1400  }
0x3c: {  	[sflag:s31] =	ssyncset.done $0x0  }
0x3d: {  	s17 =	rddreg [dreg:$0x10];
	[sflag:s31] =	ssyncadd.s32 $0xFFFFEC00  }
0x3e: {  	[spmem:s17] =	stream.linear.scatter [tilespmem:s30], [sflag:$0x5], $0x1400, $0x38;
	[tilespmem:$0x1E000] =	vst v63  }
0x3f: {  	_ =	swait.ge [sflag:s31], $0x1400  }
0x40: {  	[sflag:s31] =	ssyncset.done $0x0  }
0x41: {  	s18 =	rddreg [dreg:$0x11];
	[sflag:s31] =	ssyncadd.s32 $0xFFFFEC00  }
0x42: {  	[spmem:s18] =	stream.linear.scatter [tilespmem:s30], [sflag:$0x5], $0x1400, $0x38;
	[tilespmem:$0x1E000] =	vst v63  }
0x43: {  	_ =	swait.ge [sflag:s31], $0x1400  }
0x44: {  	[sflag:s31] =	ssyncset.done $0x0  }
0x45: {  	s19 =	rddreg [dreg:$0x12];
	[sflag:s31] =	ssyncadd.s32 $0xFFFFEC00  }
0x46: {  	[spmem:s19] =	stream.linear.scatter [tilespmem:s30], [sflag:$0x5], $0x1400, $0x38;
	[tilespmem:$0x1E000] =	vst v63  }
0x47: {  	_ =	swait.ge [sflag:s31], $0x1400  }
0x48: {  	[sflag:s31] =	ssyncset.done $0x0  }
0x49: {  	s21 =	rddreg [dreg:$0x13];
	[sflag:s31] =	ssyncadd.s32 $0xFFFFEC00  }
0x4a: {  	[spmem:s21] =	stream.linear.scatter [tilespmem:s30], [sflag:$0x5], $0x1400, $0x38;
	[tilespmem:$0x1E000] =	vst v63  }
0x4b: {  	_ =	swait.ge [sflag:s31], $0x1400  }
0x4c: {  	[sflag:s31] =	ssyncset.done $0x0  }
0x4d: {  	s22 =	rddreg [dreg:$0x14];
	[sflag:s31] =	ssyncadd.s32 $0xFFFFEC00  }
0x4e: {  	[spmem:s22] =	stream.linear.scatter [tilespmem:s30], [sflag:$0x5], $0x1400, $0x38;
	[tilespmem:$0x1E000] =	vst v63  }
0x4f: {  	_ =	swait.ge [sflag:s31], $0x1400  }
0x50: {  	[sflag:s31] =	ssyncset.done $0x0  }
0x51: {  	s23 =	rddreg [dreg:$0x15];
	[sflag:s31] =	ssyncadd.s32 $0xFFFFEC00  }
0x52: {  	[spmem:s23] =	stream.linear.scatter [tilespmem:s30], [sflag:$0x5], $0x1400, $0x38;
	[tilespmem:$0x1E000] =	vst v63  }
0x53: {  	_ =	swait.ge [sflag:s31], $0x1400  }
0x54: {  	[sflag:s31] =	ssyncset.done $0x0  }
0x55: {  	s24 =	rddreg [dreg:$0x16];
	[sflag:s31] =	ssyncadd.s32 $0xFFFFEC00  }
0x56: {  	[spmem:s24] =	stream.linear.scatter [tilespmem:s30], [sflag:$0x5], $0x1400, $0x38;
	[tilespmem:$0x1E000] =	vst v63  }
0x57: {  	_ =	swait.ge [sflag:s31], $0x1400  }
0x58: {  	[sflag:s31] =	ssyncset.done $0x0  }
0x59: {  	[sflag:s31] =	ssyncadd.s32 $0xFFFFEC00  }
0x5a: {  	[spmem:s26] =	stream.linear.scatter [tilespmem:s30], [sflag:$0x5], $0x1400, $0x38;
	[tilespmem:$0x1E000] =	vst v63  }
0x5b: {  	_ =	swait.ge [sflag:s31], $0x1400  }
0x5c: {  	[sflag:s31] =	ssyncset.done $0x0  }
0x5d: {  	[sflag:s31] =	ssyncadd.s32 $0xFFFFEC00  }
0x5e: {  	[spmem:s28] =	stream.linear.scatter [tilespmem:s30], [sflag:$0x5], $0x1400, $0x38;
	[tilespmem:$0x1E000] =	vst v63  }
0x5f: {  	_ =	swait.ge [sflag:s31], $0x1400  }
0x60: {  	[sflag:s31] =	ssyncset.done $0x0  }
0x61: {  	[sflag:s31] =	ssyncadd.s32 $0xFFFFEC00  }
0x62: {  	[spmem:s29] =	stream.linear.scatter [tilespmem:s30], [sflag:$0x5], $0x1400, $0x38;
	[tilespmem:$0x1E000] =	vst v63  }
0x63: {  	_ =	swait.ge [sflag:s31], $0x1400  }
0x64: {  	[sflag:s31] =	ssyncset.done $0x0  }
0x65: {  	s17 =	simm.s32 $0x40;
	s18 =	simm.s32 $0x0;
	[sflag:s31] =	ssyncadd.s32 $0xFFFFEC00  }
.LBB2_2:
0x66: {  	p0 =	sne.s32 s17, $0x9FC0;
	[tilespmem:s18+$0x7800] =	vst v0;
	s18 =	smov.u32 s17;
	s17 =	sadd.s32 $0x40, s17  }
.Ltmp0:
0x67: {  	(pc) =	sbr.rel @p0 .LBB2_2-.Ltmp0, $2  }
0x68: {  	_ =	sdelay $0x2  }
0x69: {  	s18 =	sshra.s32 s18, $0x2  }
0x6a: {  	[tilespmem:s18+$0x7800] =	vst v0  }
0x6b: {  	[bflag:$0x0] =	sbarrier.arrive $0xFFFF  }
0x6c: {  	s17 =	simm.s32 $0x0;
	s0 =	rddreg [dreg:$0x5]  }
0x6d: {  	[tilespmem:s17], [sflag:$0x5] =	stream.linear.gather [hbm4b:s0+s17], $0x1400, $0x38;
	[tilespmem:$0x1E000] =	vst v63  }
0x6e: {  	_ =	swait.ge [sflag:s31], $0x1400  }
0x6f: {  	[sflag:s31] =	ssyncset.done $0x0  }
0x70: {  	s24 =	rddreg [dreg:$0x6];
	[sflag:s31] =	ssyncadd.s32 $0xFFFFEC00  }
0x71: {  	[tilespmem:s20], [sflag:$0x5] =	stream.linear.gather [hbm4b:s24+s17], $0x1400, $0x38;
	[tilespmem:$0x1E000] =	vst v63  }
0x72: {  	_ =	swait.ge [sflag:s31], $0x1400  }
0x73: {  	[sflag:s31] =	ssyncset.done $0x0  }
0x74: {  	[sflag:s31] =	ssyncadd.s32 $0xFFFFEC00  }
0x75: {  	[tilespmem:s30], [sflag:$0x1] =	stream.indirect.gather [hbm4b:s4+s3], $0x80, s17, s3, $0xb8;
	[tilespmem:$0x1E000] =	vst v63  }
0x76: {  	_ = 	snop  }
0x77: {  	[tilespmem:s5], [sflag:$0x2] =	stream.indirect.gather [hbm4b:s4+s3], $0x80, s3, s3, $0xb8;
	[tilespmem:$0x1E000] =	vst v63  }
0x78: {  	_ = 	snop  }
0x79: {  	[tilespmem:s7], [sflag:$0x3] =	stream.indirect.gather [hbm4b:s4+s3], $0x80, s6, s3, $0xb8;
	[tilespmem:$0x1E000] =	vst v63  }
0x7a: {  	s18 =	simm.s32 $0x0  }
0x7b: {  	[tilespmem:s9], [sflag:$0x4] =	stream.indirect.gather [hbm4b:s4+s3], $0x80, s8, s3, $0xb8;
	[tilespmem:$0x1E000] =	vst v63  }
.LBB2_4:
0x7c: {  	_ =	swait.ge [sflag:s10], $0x1400  }
0x7d: {  	s19 =	sshra.s32 s17, $0x2;
	[sflag:s10] =	ssyncset.done $0x0  }
0x7e: {  	s20 =	sadd.s32 $0x1400, s19;
	[sflag:s10] =	ssyncadd.s32 $0xFFFFEC00  }
0x7f: {  	[spmem:s1] =	stream.indirect.scatter.add.f32 [tilespmem:s30], [sflag:$0x5], $0x80, s20, s3, $0xb8;
	[tilespmem:$0x1E000] =	vst v63  }
0x80: {  	p0 =	seq.s32 s17, $0x4D80;
	_ =	swait.ge [sflag:s31], $0x1400  }
0x81: {  	s21 =	simm.s32 @!p0 $0x28;
	s20 =	sshra.s32 @!p0 s17, $0x2;
	[sflag:s31] =	ssyncset.done $0x0  }
0x82: {  	s22 =	simm.s32 @!p0 $0x2800;
	s20 =	sadd.s32 @!p0 $0xA0, s20;
	[sflag:s31] =	ssyncadd.s32 $0xFFFFEC00  }
0x83: {  	[tilespmem:s22], [sflag:$0x1] =	stream.indirect.gather @!p0 [hbm4b:s4+s21], $0x80, s20, s21, $0xb8;
	[tilespmem:$0x1E000] =	vst v63  }
0x84: {  	s20 =	smov.u32 s17  }
0x85: {  	s20 =	simm.s32 @p0 $0x4D80;
	_ =	swait.ge [sflag:s12], $0x1400  }
0x86: {  	[sflag:s12] =	ssyncset.done $0x0;
	s22 =	sshra.s32 s20, $0x2  }
0x87: {  	[sflag:s12] =	ssyncadd.s32 $0xFFFFEC00;
	s23 =	sadd.s32 $0x1428, s22  }
0x88: {  	[spmem:s1] =	stream.indirect.scatter.add.f32 [tilespmem:s5], [sflag:$0x5], $0x80, s23, s3, $0xb8;
	[tilespmem:$0x1E000] =	vst v63  }
0x89: {  	_ =	swait.ge [sflag:s31], $0x1400  }
0x8a: {  	[sflag:s31] =	ssyncset.done $0x0  }
0x8b: {  	s23 =	simm.s32 @p0 $0x3;
	[sflag:s31] =	ssyncadd.s32 $0xFFFFEC00  }
0x8c: {  	_ =	swait.ge @p0 [sflag:s23], $0x1400  }
0x8d: {  	s24 =	simm.s32 @p0 $0x28;
	[sflag:s23] =	ssyncset.done @p0 $0x0  }
0x8e: {  	s0 =	simm.s32 @p0 $0x5000;
	[sflag:s23] =	ssyncadd.s32 @p0 $0xFFFFEC00;
	s23 =	sadd.s32 @p0 $0x1450, s22  }
0x8f: {  	[spmem:s1] =	stream.indirect.scatter.add.f32 @p0 [tilespmem:s0], [sflag:$0x5], $0x80, s23, s24, $0xb8;
	[tilespmem:$0x1E000] =	vst v63  }
0x90: {  	s0 =	simm.s32 @p0 $0x5  }
0x91: {  	_ =	swait.ge @p0 [sflag:s0], $0x1400  }
0x92: {  	s20 =	sshra.s32 @!p0 s20, $0x2;
	[sflag:s0] =	ssyncset.done @p0 $0x0  }
0x93: {  	s23 =	simm.s32 @!p0 $0x3C00;
	[sflag:s0] =	ssyncadd.s32 @p0 $0xFFFFEC00;
	s0 =	sadd.s32 @!p0 $0xC8, s20  }
0x94: {  	[tilespmem:s23], [sflag:$0x2] =	stream.indirect.gather @!p0 [hbm4b:s4+s21], $0x80, s0, s21, $0xb8;
	[tilespmem:$0x1E000] =	vst v63  }
0x95: {  	s0 =	simm.s32 @!p0 $0x3  }
0x96: {  	_ =	swait.ge @!p0 [sflag:s0], $0x1400  }
0x97: {  	[sflag:s0] =	ssyncset.done @!p0 $0x0  }
0x98: {  	s23 =	simm.s32 @!p0 $0x5000;
	[sflag:s0] =	ssyncadd.s32 @!p0 $0xFFFFEC00;
	s0 =	sadd.s32 @!p0 $0x1450, s22  }
0x99: {  	[spmem:s1] =	stream.indirect.scatter.add.f32 @!p0 [tilespmem:s23], [sflag:$0x5], $0x80, s0, s21, $0xb8;
	[tilespmem:$0x1E000] =	vst v63  }
0x9a: {  	s0 =	simm.s32 @!p0 $0x5  }
0x9b: {  	_ =	swait.ge @!p0 [sflag:s0], $0x1400  }
0x9c: {  	[sflag:s0] =	ssyncset.done @!p0 $0x0  }
0x9d: {  	[sflag:s0] =	ssyncadd.s32 @!p0 $0xFFFFEC00;
	s0 =	sadd.s32 @!p0 $0xF0, s20  }
0x9e: {  	[tilespmem:s23], [sflag:$0x3] =	stream.indirect.gather @!p0 [hbm4b:s4+s21], $0x80, s0, s21, $0xb8;
	[tilespmem:$0x1E000] =	vst v63  }
0x9f: {  	_ =	swait.ge [sflag:s13], $0x1400  }
0xa0: {  	[sflag:s13] =	ssyncset.done $0x0  }
0xa1: {  	s23 =	sadd.s32 $0x1478, s22;
	[sflag:s13] =	ssyncadd.s32 $0xFFFFEC00  }
0xa2: {  	[spmem:s1] =	stream.indirect.scatter.add.f32 [tilespmem:s9], [sflag:$0x5], $0x80, s23, s3, $0xb8;
	[tilespmem:$0x1E000] =	vst v63  }
0xa3: {  	_ =	swait.ge [sflag:s31], $0x1400  }
0xa4: {  	[sflag:s31] =	ssyncset.done $0x0  }
0xa5: {  	s0 =	sadd.s32 @!p0 $0x118, s20;
	s20 =	simm.s32 @!p0 $0x6400;
	[sflag:s31] =	ssyncadd.s32 $0xFFFFEC00  }
0xa6: {  	[tilespmem:s20], [sflag:$0x4] =	stream.indirect.gather @!p0 [hbm4b:s4+s21], $0x80, s0, s21, $0xb8;
	[tilespmem:$0x1E000] =	vst v63  }
0xa7: {  	v2 =	vld [tilespmem:s19+$0x1400];
	_ =	sdelay $0x7  }
0xa8: {  	[tilespmem:v2+s14+$0x0] =	vst.idx.add.f32.msk $0xffff, v1  }
0xa9: {  	v2 =	vld [tilespmem:s19+$0x1410];
	_ =	sdelay $0x7  }
0xaa: {  	[tilespmem:v2+s14+$0x0] =	vst.idx.add.f32.msk $0xffff, v1  }
0xab: {  	v2 =	vld [tilespmem:s19+$0x1420];
	_ =	sdelay $0x7  }
0xac: {  	[tilespmem:v2+s14+$0x0] =	vst.idx.add.f32.msk $0xffff, v1  }
0xad: {  	v2 =	vld [tilespmem:s19+$0x1430];
	_ =	sdelay $0x7  }
0xae: {  	[tilespmem:v2+s14+$0x0] =	vst.idx.add.f32.msk $0xffff, v1  }
0xaf: {  	v2 =	vld [tilespmem:s19+$0x1440];
	_ =	sdelay $0x7  }
0xb0: {  	[tilespmem:v2+s14+$0x0] =	vst.idx.add.f32.msk $0xffff, v1  }
0xb1: {  	v2 =	vld [tilespmem:s19+$0x1450];
	_ =	sdelay $0x7  }
0xb2: {  	[tilespmem:v2+s14+$0x0] =	vst.idx.add.f32.msk $0xffff, v1  }
0xb3: {  	v2 =	vld [tilespmem:s19+$0x1460];
	_ =	sdelay $0x7  }
0xb4: {  	[tilespmem:v2+s14+$0x0] =	vst.idx.add.f32.msk $0xffff, v1  }
0xb5: {  	v2 =	vld [tilespmem:s19+$0x1470];
	_ =	sdelay $0x7  }
0xb6: {  	s24 =	sand.u32 $0x1FE0, s18;
	[tilespmem:v2+s14+$0x0] =	vst.idx.add.f32.msk $0xffff, v1  }
0xb7: {  	v2 =	vld [tilespmem:s24+$0x1480];
	_ =	sdelay $0x7  }
0xb8: {  	[tilespmem:v2+s14+$0x0] =	vst.idx.add.f32.msk $0xffff, v1  }
0xb9: {  	v2 =	vld [tilespmem:s19+$0x1490];
	_ =	sdelay $0x1  }
0xba: {  	s17 =	sadd.s32 $0x280, s17  }
0xbb: {  	p0 =	sne.s32 s17, $0x5000  }
.Ltmp1:
0xbc: {  	_ = 	snop;
	(pc) =	sbr.rel @p0 .LBB2_4-.Ltmp1, $2  }
0xbd: {  	_ =	sdelay $0x2  }
0xbe: {  	s18 =	sadd.s32 $0xA0, s18;
	[tilespmem:v2+s14+$0x0] =	vst.idx.add.f32.msk $0xffff, v1  }
0xbf: {  	s17 =	simm.s32 $0x0;
	s0 =	rddreg [dreg:$0x7]  }
0xc0: {  	[tilespmem:s17], [sflag:$0x5] =	stream.linear.gather [hbm4b:s0+s17], $0x1310, $0x38;
	[tilespmem:$0x1E000] =	vst v63  }
0xc1: {  	_ =	swait.ge [sflag:s31], $0x1310  }
0xc2: {  	[sflag:s31] =	ssyncset.done $0x0  }
0xc3: {  	s20 =	simm.s32 $0x1400;
	s24 =	rddreg [dreg:$0x8];
	[sflag:s31] =	ssyncadd.s32 $0xFFFFECF0  }
0xc4: {  	[tilespmem:s20], [sflag:$0x5] =	stream.linear.gather [hbm4b:s24+s17], $0x1310, $0x38;
	[tilespmem:$0x1E000] =	vst v63  }
0xc5: {  	_ =	swait.ge [sflag:s31], $0x1310  }
0xc6: {  	[sflag:s31] =	ssyncset.done $0x0  }
0xc7: {  	[sflag:s31] =	ssyncadd.s32 $0xFFFFECF0  }
0xc8: {  	[tilespmem:s30], [sflag:$0x1] =	stream.indirect.gather [hbm4b:s4+s3], $0x80, s17, s3, $0xb8;
	[tilespmem:$0x1E000] =	vst v63  }
0xc9: {  	_ = 	snop  }
0xca: {  	[tilespmem:s5], [sflag:$0x2] =	stream.indirect.gather [hbm4b:s4+s3], $0x80, s3, s3, $0xb8;
	[tilespmem:$0x1E000] =	vst v63  }
0xcb: {  	_ = 	snop  }
0xcc: {  	[tilespmem:s7], [sflag:$0x3] =	stream.indirect.gather [hbm4b:s4+s3], $0x80, s6, s3, $0xb8;
	[tilespmem:$0x1E000] =	vst v63  }
0xcd: {  	s18 =	simm.s32 $0x0  }
0xce: {  	[tilespmem:s9], [sflag:$0x4] =	stream.indirect.gather [hbm4b:s4+s3], $0x80, s8, s3, $0xb8;
	[tilespmem:$0x1E000] =	vst v63  }
.LBB2_6:
0xcf: {  	_ =	swait.ge [sflag:s10], $0x1400  }
0xd0: {  	s0 =	sshra.s32 s18, $0x2;
	[sflag:s10] =	ssyncset.done $0x0  }
0xd1: {  	s19 =	sadd.s32 $0x1400, s0;
	[sflag:s10] =	ssyncadd.s32 $0xFFFFEC00  }
0xd2: {  	[spmem:s1] =	stream.indirect.scatter.add.f32 [tilespmem:s30], [sflag:$0x5], $0x80, s19, s3, $0xb8;
	[tilespmem:$0x1E000] =	vst v63  }
0xd3: {  	_ =	swait.ge [sflag:s31], $0x1400  }
0xd4: {  	[sflag:s31] =	ssyncset.done $0x0  }
0xd5: {  	s21 =	sadd.s32 $0xA0, s0;
	[sflag:s31] =	ssyncadd.s32 $0xFFFFEC00  }
0xd6: {  	[tilespmem:s30], [sflag:$0x1] =	stream.indirect.gather [hbm4b:s4+s3], $0x80, s21, s3, $0xb8;
	[tilespmem:$0x1E000] =	vst v63  }
0xd7: {  	_ =	swait.ge [sflag:s12], $0x1400  }
0xd8: {  	[sflag:s12] =	ssyncset.done $0x0  }
0xd9: {  	s22 =	sadd.s32 $0x1428, s0;
	[sflag:s12] =	ssyncadd.s32 $0xFFFFEC00  }
0xda: {  	[spmem:s1] =	stream.indirect.scatter.add.f32 [tilespmem:s5], [sflag:$0x5], $0x80, s22, s3, $0xb8;
	[tilespmem:$0x1E000] =	vst v63  }
0xdb: {  	_ =	swait.ge [sflag:s31], $0x1400  }
0xdc: {  	[sflag:s31] =	ssyncset.done $0x0  }
0xdd: {  	s23 =	sadd.s32 $0xC8, s0;
	[sflag:s31] =	ssyncadd.s32 $0xFFFFEC00  }
0xde: {  	[tilespmem:s5], [sflag:$0x2] =	stream.indirect.gather [hbm4b:s4+s3], $0x80, s23, s3, $0xb8;
	[tilespmem:$0x1E000] =	vst v63  }
0xdf: {  	_ =	swait.ge [sflag:s15], $0x1400  }
0xe0: {  	[sflag:s15] =	ssyncset.done $0x0  }
0xe1: {  	s24 =	sadd.s32 $0x1450, s0;
	[sflag:s15] =	ssyncadd.s32 $0xFFFFEC00  }
0xe2: {  	[spmem:s1] =	stream.indirect.scatter.add.f32 [tilespmem:s7], [sflag:$0x5], $0x80, s24, s3, $0xb8;
	[tilespmem:$0x1E000] =	vst v63  }
0xe3: {  	_ =	swait.ge [sflag:s31], $0x1400  }
0xe4: {  	[sflag:s31] =	ssyncset.done $0x0  }
0xe5: {  	s21 =	sadd.s32 $0xF0, s0;
	[sflag:s31] =	ssyncadd.s32 $0xFFFFEC00  }
0xe6: {  	[tilespmem:s7], [sflag:$0x3] =	stream.indirect.gather [hbm4b:s4+s3], $0x80, s21, s3, $0xb8;
	[tilespmem:$0x1E000] =	vst v63  }
0xe7: {  	_ =	swait.ge [sflag:s13], $0x1400  }
0xe8: {  	[sflag:s13] =	ssyncset.done $0x0  }
0xe9: {  	s22 =	sadd.s32 $0x1478, s0;
	[sflag:s13] =	ssyncadd.s32 $0xFFFFEC00  }
0xea: {  	[spmem:s1] =	stream.indirect.scatter.add.f32 [tilespmem:s9], [sflag:$0x5], $0x80, s22, s3, $0xb8;
	[tilespmem:$0x1E000] =	vst v63  }
0xeb: {  	_ =	swait.ge [sflag:s31], $0x1400  }
0xec: {  	[sflag:s31] =	ssyncset.done $0x0  }
0xed: {  	s23 =	sadd.s32 $0x118, s0;
	[sflag:s31] =	ssyncadd.s32 $0xFFFFEC00  }
0xee: {  	[tilespmem:s9], [sflag:$0x4] =	stream.indirect.gather [hbm4b:s4+s3], $0x80, s23, s3, $0xb8;
	[tilespmem:$0x1E000] =	vst v63  }
0xef: {  	v2 =	vld [tilespmem:s0+$0x1400];
	_ =	sdelay $0x7  }
0xf0: {  	[tilespmem:v2+s14+$0x0] =	vst.idx.add.f32.msk $0xffff, v1  }
0xf1: {  	v2 =	vld [tilespmem:s0+$0x1410];
	_ =	sdelay $0x7  }
0xf2: {  	[tilespmem:v2+s14+$0x0] =	vst.idx.add.f32.msk $0xffff, v1  }
0xf3: {  	v2 =	vld [tilespmem:s0+$0x1420];
	_ =	sdelay $0x7  }
0xf4: {  	[tilespmem:v2+s14+$0x0] =	vst.idx.add.f32.msk $0xffff, v1  }
0xf5: {  	v2 =	vld [tilespmem:s0+$0x1430];
	_ =	sdelay $0x7  }
0xf6: {  	[tilespmem:v2+s14+$0x0] =	vst.idx.add.f32.msk $0xffff, v1  }
0xf7: {  	v2 =	vld [tilespmem:s0+$0x1440];
	_ =	sdelay $0x7  }
0xf8: {  	[tilespmem:v2+s14+$0x0] =	vst.idx.add.f32.msk $0xffff, v1  }
0xf9: {  	v2 =	vld [tilespmem:s0+$0x1450];
	_ =	sdelay $0x7  }
0xfa: {  	[tilespmem:v2+s14+$0x0] =	vst.idx.add.f32.msk $0xffff, v1  }
0xfb: {  	v2 =	vld [tilespmem:s0+$0x1460];
	_ =	sdelay $0x7  }
0xfc: {  	[tilespmem:v2+s14+$0x0] =	vst.idx.add.f32.msk $0xffff, v1  }
0xfd: {  	v2 =	vld [tilespmem:s0+$0x1470];
	_ =	sdelay $0x7  }
0xfe: {  	s24 =	sand.u32 $0x1FE0, s17;
	[tilespmem:v2+s14+$0x0] =	vst.idx.add.f32.msk $0xffff, v1  }
0xff: {  	v2 =	vld [tilespmem:s24+$0x1480];
	_ =	sdelay $0x7  }
0x100: {  	[tilespmem:v2+s14+$0x0] =	vst.idx.add.f32.msk $0xffff, v1  }
0x101: {  	v2 =	vld [tilespmem:s0+$0x1490];
	_ =	sdelay $0x2  }
0x102: {  	p0 =	sne.s32 s18, $0x4600  }
.Ltmp2:
0x103: {  	_ = 	snop;
	(pc) =	sbr.rel @p0 .LBB2_6-.Ltmp2, $2  }
0x104: {  	_ =	sdelay $0x2  }
0x105: {  	s18 =	sadd.s32 $0x280, s18;
	s17 =	sadd.s32 $0xA0, s17;
	[tilespmem:v2+s14+$0x0] =	vst.idx.add.f32.msk $0xffff, v1  }
0x106: {  	_ =	swait.ge [sflag:s10], $0x1400  }
0x107: {  	[sflag:s10] =	ssyncset.done $0x0  }
0x108: {  	s0 =	simm.s32 $0x2620;
	[sflag:s10] =	ssyncadd.s32 $0xFFFFEC00  }
0x109: {  	[spmem:s1] =	stream.indirect.scatter.add.f32 [tilespmem:s30], [sflag:$0x5], $0x80, s0, s3, $0xb8;
	[tilespmem:$0x1E000] =	vst v63  }
0x10a: {  	_ =	swait.ge [sflag:s31], $0x1400  }
0x10b: {  	[sflag:s31] =	ssyncset.done $0x0  }
0x10c: {  	s24 =	simm.s32 $0x12C0;
	[sflag:s31] =	ssyncadd.s32 $0xFFFFEC00  }
0x10d: {  	[tilespmem:s30], [sflag:$0x1] =	stream.indirect.gather [hbm4b:s4+s3], $0x80, s24, s3, $0xb8;
	[tilespmem:$0x1E000] =	vst v63  }
0x10e: {  	_ =	swait.ge [sflag:s12], $0x1400  }
0x10f: {  	[sflag:s12] =	ssyncset.done $0x0  }
0x110: {  	s17 =	simm.s32 $0x2648;
	[sflag:s12] =	ssyncadd.s32 $0xFFFFEC00  }
0x111: {  	[spmem:s1] =	stream.indirect.scatter.add.f32 [tilespmem:s5], [sflag:$0x5], $0x80, s17, s3, $0xb8;
	[tilespmem:$0x1E000] =	vst v63  }
0x112: {  	_ =	swait.ge [sflag:s31], $0x1400  }
0x113: {  	[sflag:s31] =	ssyncset.done $0x0  }
0x114: {  	s18 =	simm.s32 $0x12E8;
	[sflag:s31] =	ssyncadd.s32 $0xFFFFEC00  }
0x115: {  	[tilespmem:s5], [sflag:$0x2] =	stream.indirect.gather [hbm4b:s4+s3], $0x80, s18, s3, $0xb8;
	[tilespmem:$0x1E000] =	vst v63  }
0x116: {  	_ =	swait.ge [sflag:s15], $0x1400  }
0x117: {  	[sflag:s15] =	ssyncset.done $0x0  }
0x118: {  	s19 =	simm.s32 $0x2670;
	[sflag:s15] =	ssyncadd.s32 $0xFFFFEC00  }
0x119: {  	[spmem:s1] =	stream.indirect.scatter.add.f32 [tilespmem:s7], [sflag:$0x5], $0x80, s19, s3, $0xb8;
	[tilespmem:$0x1E000] =	vst v63  }
0x11a: {  	_ =	swait.ge [sflag:s31], $0x1400  }
0x11b: {  	[sflag:s31] =	ssyncset.done $0x0  }
0x11c: {  	[sflag:s31] =	ssyncadd.s32 $0xFFFFEC00  }
0x11d: {  	_ =	swait.ge [sflag:s13], $0x1400  }
0x11e: {  	[sflag:s13] =	ssyncset.done $0x0  }
0x11f: {  	s21 =	simm.s32 $0x2698;
	[sflag:s13] =	ssyncadd.s32 $0xFFFFEC00  }
0x120: {  	[spmem:s1] =	stream.indirect.scatter.add.f32 [tilespmem:s9], [sflag:$0x5], $0x80, s21, s3, $0xb8;
	[tilespmem:$0x1E000] =	vst v63  }
0x121: {  	_ =	swait.ge [sflag:s31], $0x1400  }
0x122: {  	[sflag:s31] =	ssyncset.done $0x0  }
0x123: {  	[sflag:s31] =	ssyncadd.s32 $0xFFFFEC00  }
0x124: {  	v2 =	vld [tilespmem:$0x2620];
	_ =	sdelay $0x7  }
0x125: {  	[tilespmem:v2+s14+$0x0] =	vst.idx.add.f32.msk $0xffff, v1  }
0x126: {  	v2 =	vld [tilespmem:$0x2630];
	_ =	sdelay $0x7  }
0x127: {  	[tilespmem:v2+s14+$0x0] =	vst.idx.add.f32.msk $0xffff, v1  }
0x128: {  	v2 =	vld [tilespmem:$0x2640];
	_ =	sdelay $0x7  }
0x129: {  	[tilespmem:v2+s14+$0x0] =	vst.idx.add.f32.msk $0xffff, v1  }
0x12a: {  	v2 =	vld [tilespmem:$0x2650];
	_ =	sdelay $0x7  }
0x12b: {  	[tilespmem:v2+s14+$0x0] =	vst.idx.add.f32.msk $0xffff, v1  }
0x12c: {  	v2 =	vld [tilespmem:$0x2660];
	_ =	sdelay $0x7  }
0x12d: {  	[tilespmem:v2+s14+$0x0] =	vst.idx.add.f32.msk $0xffff, v1  }
0x12e: {  	v2 =	vld [tilespmem:$0x2670];
	_ =	sdelay $0x7  }
0x12f: {  	[tilespmem:v2+s14+$0x0] =	vst.idx.add.f32.msk $0xffff, v1  }
0x130: {  	v2 =	vld [tilespmem:$0x2680];
	_ =	sdelay $0x7  }
0x131: {  	[tilespmem:v2+s14+$0x0] =	vst.idx.add.f32.msk $0xffff, v1  }
0x132: {  	v2 =	vld [tilespmem:$0x2690];
	_ =	sdelay $0x7  }
0x133: {  	[tilespmem:v2+s14+$0x0] =	vst.idx.add.f32.msk $0xffff, v1  }
0x134: {  	v2 =	vld [tilespmem:$0x26A0];
	_ =	sdelay $0x7  }
0x135: {  	[tilespmem:v2+s14+$0x0] =	vst.idx.add.f32.msk $0xffff, v1  }
0x136: {  	v2 =	vld [tilespmem:$0x26B0];
	_ =	sdelay $0x7  }
0x137: {  	[tilespmem:v2+s14+$0x0] =	vst.idx.add.f32.msk $0xffff, v1  }
0x138: {  	_ =	swait.ge [sflag:s10], $0x1400  }
0x139: {  	[sflag:s10] =	ssyncset.done $0x0  }
0x13a: {  	s22 =	simm.s32 $0x26C0;
	[sflag:s10] =	ssyncadd.s32 $0xFFFFEC00  }
0x13b: {  	[spmem:s1] =	stream.indirect.scatter.add.f32 [tilespmem:s30], [sflag:$0x5], $0x80, s22, s3, $0xb8;
	[tilespmem:$0x1E000] =	vst v63  }
0x13c: {  	_ =	swait.ge [sflag:s31], $0x1400  }
0x13d: {  	[sflag:s31] =	ssyncset.done $0x0  }
0x13e: {  	[sflag:s31] =	ssyncadd.s32 $0xFFFFEC00  }
0x13f: {  	_ =	swait.ge [sflag:s12], $0x1400  }
0x140: {  	[sflag:s12] =	ssyncset.done $0x0  }
0x141: {  	s23 =	simm.s32 $0x26E8;
	[sflag:s12] =	ssyncadd.s32 $0xFFFFEC00  }
0x142: {  	[spmem:s1] =	stream.indirect.scatter.add.f32 [tilespmem:s5], [sflag:$0x5], $0x80, s23, s3, $0xb8;
	[tilespmem:$0x1E000] =	vst v63  }
0x143: {  	_ =	swait.ge [sflag:s31], $0x1400  }
0x144: {  	[sflag:s31] =	ssyncset.done $0x0  }
0x145: {  	[sflag:s31] =	ssyncadd.s32 $0xFFFFEC00  }
0x146: {  	v2 =	vld [tilespmem:$0x26C0];
	_ =	sdelay $0x7  }
0x147: {  	[tilespmem:v2+s14+$0x0] =	vst.idx.add.f32.msk $0xffff, v1  }
0x148: {  	v2 =	vld [tilespmem:$0x26D0];
	_ =	sdelay $0x7  }
0x149: {  	[tilespmem:v2+s14+$0x0] =	vst.idx.add.f32.msk $0xffff, v1  }
0x14a: {  	v2 =	vld [tilespmem:$0x26E0];
	_ =	sdelay $0x7  }
0x14b: {  	[tilespmem:v2+s14+$0x0] =	vst.idx.add.f32.msk $0xffff, v1  }
0x14c: {  	v2 =	vld [tilespmem:$0x26F0];
	_ =	sdelay $0x7  }
0x14d: {  	[tilespmem:v2+s14+$0x0] =	vst.idx.add.f32.msk $0xffff, v1  }
0x14e: {  	v2 =	vld [tilespmem:$0x2700];
	_ =	sdelay $0x7  }
0x14f: {  	[tilespmem:v2+s14+$0x0] =	vst.idx.add.f32.msk $0xffff, v1  }
0x150: {  	[bflag:$0x0] =	sbarrier.arrive $0xFFFF  }
0x151: {  	[tilespmem:s30], [sflag:$0x5] =	stream.linear.gather [spmem:s11], $0x1400, $0x38;
	[tilespmem:$0x1E000] =	vst v63  }
0x152: {  	_ =	swait.ge [sflag:s31], $0x1400  }
0x153: {  	[sflag:s31] =	ssyncset.done $0x0  }
0x154: {  	s24 =	sadd.s32 $0x0, s25;
	[sflag:s31] =	ssyncadd.s32 $0xFFFFEC00  }
0x155: {  	[hbm4b:s24+s2] =	stream.linear.scatter [tilespmem:s30], [sflag:$0x5], $0x1400, $0x38;
	[tilespmem:$0x1E000] =	vst v63  }
0x156: {  	_ =	swait.ge [sflag:s31], $0x1400  }
0x157: {  	s17 =	simm.s32 $0x280;
	s18 =	smov.u32 s11;
	[sflag:s31] =	ssyncset.done $0x0  }
.LBB2_8:
0x158: {  	p0 =	sne.s32 s17, $0x2580;
	[sflag:s31] =	ssyncadd.s32 $0xFFFFEC00;
	s18 =	sadd.s32 $0x1400, s18  }
0x159: {  	[tilespmem:s30], [sflag:$0x5] =	stream.linear.gather [spmem:s18], $0x1400, $0x38;
	[tilespmem:$0x1E000] =	vst v63  }
0x15a: {  	s0 =	smov.u32 s17;
	s17 =	sadd.s32 $0x280, s17;
	_ =	swait.ge [sflag:s31], $0x1400  }
.Ltmp3:
0x15b: {  	[sflag:s31] =	ssyncset.done $0x0;
	(pc) =	sbr.rel @p0 .LBB2_8-.Ltmp3, $4  }
0x15c: {  	s0 =	sadd.s32 s0, s25;
	[sflag:s31] =	ssyncadd.s32 $0xFFFFEC00  }
0x15d: {  	[hbm4b:s0+s2] =	stream.linear.scatter [tilespmem:s30], [sflag:$0x5], $0x1400, $0x38;
	[tilespmem:$0x1E000] =	vst v63  }
0x15e: {  	_ =	swait.ge [sflag:s31], $0x1400  }
0x15f: {  	[sflag:s31] =	ssyncset.done $0x0  }
0x160: {  	[sflag:s31] =	ssyncadd.s32 $0xFFFFEC00  }
0x161: {  	s0 =	rddreg [dreg:$0x9];
	s17 =	simm.s32 $0x80;
	s18 =	simm.s32 $0x400  }
0x162: {  	[hbm4b:s0+s17] =	stream.strided.scatter [tilespmem:s14], [sflag:$0x5], $0x2800, s18, s17, $0x38;
	[tilespmem:$0x1E000] =	vst v63  }
0x163: {  	_ =	swait.ge [sflag:s31], $0x2800  }
0x164: {  	s16 =	sadd.s32 $0x1, s16;
	s24 =	rddreg [dreg:$0xa]  }
0x165: {  	p0 =	sne.s32 s16, s24  }
.Ltmp4:
0x166: {  	_ = 	snop;
	(pc) =	sbr.rel @p0 .LBB2_1-.Ltmp4, $3  }
0x167: {  	_ =	sdelay $0x1  }
0x168: {  	[sflag:s31] =	ssyncset.done $0x0  }
0x169: {  	[sflag:s31] =	ssyncadd.s32 $0xFFFFD800  }
0x16a: {  	_ =	sfence.sel $0x180000  }
0x16b: {  	[bflag:$0x0] =	sbarrier.arrive $0xFFFF  }
0x16c: {  	_ =	strace $0x90000047  }
0x16d: {  	s0 =	stileid.u32;
	[bflag:$0x2] =	sbarrier.arrive $0xFFFF  }
0x16e: {  	p0 =	sne.s32 s0, $0x0;
	s0 =	rddreg [dreg:$0x3]  }
0x16f: {  	s0 =	sadd.s32 @!p0 $0x100000, s0  }
0x170: {  	[sflag:s0] =	ssyncadd.tile.s32 @!p0 $0x1;
	_ =	shalt  }
.Lfunc_end2:
_tile_overlayer_lowered:
.L_overlay_start_2:
0x171: {  	(tag) =	ssettag $0x2  }
0x172: {  	s0 =	rddreg [dreg:$0x0];
	s2 =	stileid.u32  }
0x173: {  	s1 =	rddreg [dreg:$0x1];
	p0 =	sne.s32 s2, $0x0  }
0x174: {  	s3 =	rddreg [dreg:$0x2];
	[bflag:$0x3] =	sbarrier.arrive $0xFFFF;
	s2 =	simm.s32 @!p0 $0x1C05  }
0x175: {  	[timem:s3], [sflag:s2] =	dma.local @!p0 [hbm:s0], s1  }
0x176: {  	s0 =	simm.s32 @!p0 $0x5  }
0x177: {  	_ =	swait.ge @!p0 [sflag:s0], s1  }
0x178: {  	s1 =	ssub.s32 @!p0 $0x0, s1;
	[sflag:s0] =	ssyncset.done @!p0 $0x0  }
0x179: {  	[sflag:s0] =	ssyncadd.s32 @!p0 s1  }
0x17a: {  	[bflag:$0x3] =	sbarrier.arrive $0xFFFF  }
0x17b: {  	_ =	shalt  }

</sc_bundles>
